<compile_context>
chip_gen: v7x
topology: tpu7x:2x2x1
jax: 0.10.2.dev20260603
libtpu: 0.0.44.dev20260713+nightly
codegen_flags: <defaults>
</compile_context>

<pallas_src>
import functools

import jax
import jax.numpy as jnp
from jax import lax
from jax.experimental import pallas as pl
from jax.experimental.pallas import tpu as pltpu
from jax.experimental.pallas import tpu_sc as plsc

L = 16
E = 16
NS = 16


def _split_body(in_ref, *outs_and_sem):
    outs = outs_and_sem[:E]
    sem = outs_and_sem[E]
    h = pl.program_id(0)
    for hh in range(2):
        @pl.when(h == hh)
        def _():
            cps = [pltpu.make_async_copy(in_ref.at[es], outs[hh * 8 + es],
                                         sem)
                   for es in range(8)]
            for c in cps:
                c.start()
            for c in cps:
                c.wait()


def _split_one(table_t):
    n = table_t.shape[1]
    out = jax.ShapeDtypeStruct((n,), jnp.float32)
    return pl.pallas_call(
        _split_body,
        grid=(2,),
        in_specs=[pl.BlockSpec((8, n), lambda h: (h, 0))],
        out_specs=[pl.BlockSpec(memory_space=pltpu.MemorySpace.HBM)] * E,
        out_shape=[out] * E,
        scratch_shapes=[pltpu.SemaphoreType.DMA],
        compiler_params=pltpu.CompilerParams(
            vmem_limit_bytes=120 * 1024 * 1024),
    )(table_t)


def _sc_phase1():
    B = 16384
    NW = 32
    R = B // NW

    mesh = plsc.VectorSubcoreMesh(core_axis_name="c", subcore_axis_name="s",
                                  num_cores=2)

    @functools.partial(
        pl.kernel,
        out_type=[
            jax.ShapeDtypeStruct((NW, L), jnp.float32),
            jax.ShapeDtypeStruct((B,), jnp.float32),
        ],
        mesh=mesh,
        compiler_params=pltpu.CompilerParams(use_tc_tiling_on_sc=False),
        scratch_types=[
            pltpu.VMEM((R,), jnp.int32),
            pltpu.VMEM((R,), jnp.int32),
            pltpu.VMEM((E, R), jnp.float32),
            pltpu.VMEM((E, R), jnp.float32),
            pltpu.VMEM((R,), jnp.float32),
            pltpu.VMEM((R,), jnp.float32),
            pltpu.VMEM((R,), jnp.float32),
            pltpu.VMEM((L,), jnp.float32),
            pltpu.SemaphoreType.DMA,
        ],
    )
    def body(uid_h, iid_h, *rest):
        ucols = rest[:E]
        icols = rest[E:2 * E]
        (ub_h, ib_h, part_h, x_h,
         uid_v, iid_v, du, di, ubv, ibv, xv, accv, sem) = rest[2 * E:]
        wid = lax.axis_index("s") * 2 + lax.axis_index("c")
        base = wid * R

        pltpu.sync_copy(uid_h.at[pl.ds(base, R)], uid_v)
        pltpu.sync_copy(iid_h.at[pl.ds(base, R)], iid_v)

        copies = []
        for e in range(E):
            copies.append(pltpu.async_copy(ucols[e].at[uid_v], du.at[e], sem))
            copies.append(pltpu.async_copy(icols[e].at[iid_v], di.at[e], sem))
        copies.append(pltpu.async_copy(ub_h.at[uid_v], ubv, sem))
        copies.append(pltpu.async_copy(ib_h.at[iid_v], ibv, sem))
        for cp in copies:
            cp.wait()

        def dot_e(e):
            def dot_g(g, acc):
                return acc + (du[e, pl.ds(g * L, L)]
                              * di[e, pl.ds(g * L, L)])
            return lax.fori_loop(0, R // L, dot_g,
                                 jnp.zeros((L,), jnp.float32))

        acc = dot_e(0)
        for e in range(1, E):
            acc = acc + dot_e(e)
        accv[...] = acc
        pltpu.sync_copy(accv, part_h.at[wid])

        def bias_g(k, _):
            xv[pl.ds(k * L, L)] = (ubv[pl.ds(k * L, L)]
                                   + ibv[pl.ds(k * L, L)])
            return 0

        lax.fori_loop(0, R // L, bias_g, 0)
        pltpu.sync_copy(xv, x_h.at[pl.ds(base, R)])

    return body


def _sc_phase2():
    B = 16384
    NW = 32
    R = B // NS

    mesh = plsc.VectorSubcoreMesh(core_axis_name="c", subcore_axis_name="s",
                                  num_cores=1)

    @functools.partial(
        pl.kernel,
        out_type=jax.ShapeDtypeStruct((B,), jnp.float32),
        mesh=mesh,
        compiler_params=pltpu.CompilerParams(use_tc_tiling_on_sc=False),
        scratch_types=[
            pltpu.VMEM((NW, L), jnp.float32),
            pltpu.VMEM((R,), jnp.float32),
            pltpu.VMEM((R,), jnp.float32),
        ],
    )
    def body(part_h, x_h, out_h, allp, xv, outv):
        sid = lax.axis_index("s")
        base = sid * R

        pltpu.sync_copy(part_h, allp)
        pltpu.sync_copy(x_h.at[pl.ds(base, R)], xv)

        tot = allp[0]
        for j in range(1, NW):
            tot = tot + allp[j]
        lanes = lax.iota(jnp.int32, L)
        for shift in (1, 2, 4, 8):
            tot = tot + tot.at[(lanes + shift) % L].get(
                mode="promise_in_bounds")
        s = tot

        def out_g(k, _):
            x = s + xv[pl.ds(k * L, L)]
            outv[pl.ds(k * L, L)] = 1.0 / (1.0 + jnp.exp(-x))
            return 0

        lax.fori_loop(0, R // L, out_g, 0)
        pltpu.sync_copy(outv, out_h.at[pl.ds(base, R)])

    return body


def kernel(inputs, user_embedding, user_bias, item_embedding, item_bias):
    B = inputs.shape[0]
    ii = inputs.astype(jnp.int32)
    uid = ii[:, 0]
    iid = ii[:, 1]
    ucols = _split_one(user_embedding.T)
    icols = _split_one(item_embedding.T)
    ub = user_bias.reshape(-1)
    ib = item_bias.reshape(-1)
    part, x = _sc_phase1()(uid, iid, *ucols, *icols, ub, ib)
    out = _sc_phase2()(part, x)
    return out.reshape(B, 1)

# --- scband reference (transcript-rebuilt; emitter-appended) ---
"""Pipeline reference for scband-cfnet-20418274525654 (READ-ONLY COPY).

The authoritative reference and input builder live on the scoring server;
editing this copy changes nothing except your own understanding.
"""

import jax, jax.numpy as jnp
import numpy as np

N_USERS = 1000000
N_ITEMS = 1000000
EMB = 16
BATCH = 16384

def setup_inputs(seed: int = 0) -> dict:
    key = jax.random.key(seed)
    k1, k2, k3, k4, k5 = jax.random.split(key, 5)
    inputs = jax.random.randint(k1, (BATCH, 2), 0, N_USERS, dtype=jnp.int64) if jax.config.jax_enable_x64 else jax.random.randint(k1, (BATCH, 2), 0, N_USERS, dtype=jnp.int32)
    # he_normal-style init: std = sqrt(2 / fan_in)
    std = np.sqrt(2.0 / EMB)
    user_embedding = jax.random.normal(k2, (N_USERS, EMB), dtype=jnp.float32) * std
    item_embedding = jax.random.normal(k3, (N_ITEMS, EMB), dtype=jnp.float32) * std
    user_bias = jax.random.normal(k4, (N_USERS, 1), dtype=jnp.float32) * 0.05
    item_bias = jax.random.normal(k5, (N_ITEMS, 1), dtype=jnp.float32) * 0.05
    return {
        "inputs": inputs,
        "user_embedding": user_embedding,
        "user_bias": user_bias,
        "item_embedding": item_embedding,
        "item_bias": item_bias,
    }

def reference(inputs, user_embedding, user_bias, item_embedding, item_bias):
    uid = inputs[:, 0]
    iid = inputs[:, 1]
    user_vector = jnp.take(user_embedding, uid, axis=0)   # [B, E]
    u_bias = jnp.take(user_bias, uid, axis=0)             # [B, 1]
    item_vector = jnp.take(item_embedding, iid, axis=0)   # [B, E]
    i_bias = jnp.take(item_bias, iid, axis=0)             # [B, 1]
    # tf.tensordot(user_vector, item_vector, 2): full contraction over both axes -> scalar
    dot_user_item = jnp.tensordot(user_vector, item_vector, 2)
    x = dot_user_item + u_bias + i_bias                   # scalar broadcast -> [B, 1]
    return jax.nn.sigmoid(x)

if False:  # reference __main__ guard neutralized (emitter)
    out = reference(**setup_inputs())
    print(out.shape, out.dtype)

if __name__ == "__main__":
    import jax
    _d = setup_inputs()
    print(jax.jit(kernel)(*tuple(_d.values())))

</pallas_src>

<mosaic_0001>
#map = affine_map<(d0, d1) -> (0, 0)>
#map1 = affine_map<(d0, d1) -> (0)>
module attributes {stable_mosaic.version = 14 : i64} {
  func.func @body(%arg0: i32, %arg1: i32, %arg2: memref<32x16xf32, #tpu.memory_space<hbm>>, %arg3: memref<16384xf32, #tpu.memory_space<hbm>>, %arg4: memref<16384xf32, #tpu.memory_space<hbm>>, %arg5: memref<32x16xf32, #tpu.memory_space<vmem>>, %arg6: memref<1024xf32, #tpu.memory_space<vmem>>, %arg7: memref<1024xf32, #tpu.memory_space<vmem>>) attributes {dimension_semantics = [#tpu.dimension_semantics<core_parallel>, #tpu.dimension_semantics<subcore_parallel>], iteration_bounds = array<i64: 1, 16>, scalar_prefetch = 0 : i64, scratch_operands = 3 : i64, tpu.core_type = #tpu.core_type<sc_vector_subcore>, window_params = [{transform_indices = #map}, {transform_indices = #map1}, {transform_indices = #map1}]} {
    %mul3A = arith.constant 1024 : i32
    %mul3A_0 = arith.muli %arg1, %mul3A : i32
    "tpu.region"() ({
      %run_scoped3A = tpu.sem_alloc : memref<!tpu.dma_semaphore, #tpu.memory_space<semaphore_mem>>
      tpu.enqueue_dma source(%arg2 : memref<32x16xf32, #tpu.memory_space<hbm>>) target(%arg5 : memref<32x16xf32, #tpu.memory_space<vmem>>) target_semaphore(%run_scoped3A : memref<!tpu.dma_semaphore, #tpu.memory_space<semaphore_mem>>)
      tpu.wait_dma2 semaphore(%run_scoped3A : memref<!tpu.dma_semaphore, #tpu.memory_space<semaphore_mem>>) src(%arg2 : memref<32x16xf32, #tpu.memory_space<hbm>>) dst(%arg5 : memref<32x16xf32, #tpu.memory_space<vmem>>)
      tpu.yield
    }) : () -> ()
    "tpu.region"() ({
      %run_scoped3A = tpu.sem_alloc : memref<!tpu.dma_semaphore, #tpu.memory_space<semaphore_mem>>
      %dma_start3A = tpu.memref_slice %arg3[%mul3A_0] : memref<16384xf32, #tpu.memory_space<hbm>> -> memref<1024xf32, #tpu.memory_space<hbm>>
      %dma_start3A_331 = tpu.memref_slice %arg3[%mul3A_0] : memref<16384xf32, #tpu.memory_space<hbm>> -> memref<1024xf32, #tpu.memory_space<hbm>>
      tpu.enqueue_dma source(%dma_start3A_331 : memref<1024xf32, #tpu.memory_space<hbm>>) target(%arg6 : memref<1024xf32, #tpu.memory_space<vmem>>) target_semaphore(%run_scoped3A : memref<!tpu.dma_semaphore, #tpu.memory_space<semaphore_mem>>)
      %dma_wait3A = tpu.memref_slice %arg3[%mul3A_0] : memref<16384xf32, #tpu.memory_space<hbm>> -> memref<1024xf32, #tpu.memory_space<hbm>>
      %dma_wait3A_332 = tpu.memref_slice %arg3[%mul3A_0] : memref<16384xf32, #tpu.memory_space<hbm>> -> memref<1024xf32, #tpu.memory_space<hbm>>
      tpu.wait_dma2 semaphore(%run_scoped3A : memref<!tpu.dma_semaphore, #tpu.memory_space<semaphore_mem>>) src(%dma_wait3A_332 : memref<1024xf32, #tpu.memory_space<hbm>>) dst(%arg6 : memref<1024xf32, #tpu.memory_space<vmem>>)
      tpu.yield
    }) : () -> ()
    %get3A = arith.constant 0 : i32
    %get3A_1 = arith.index_cast %get3A : i32 to index
    %get3A_2 = arith.constant 0 : index
    %get3A_3 = tpu.vector_load %arg5[%get3A_1, %get3A_2] {strides = array<i32>} : memref<32x16xf32, #tpu.memory_space<vmem>>, vector<1x16xf32>,
    %get3A_4 = vector.shape_cast %get3A_3 : vector<1x16xf32> to vector<16xf32>
    %get3A_5 = arith.constant 1 : i32
    %get3A_6 = arith.index_cast %get3A_5 : i32 to index
    %get3A_7 = arith.constant 0 : index
    %get3A_8 = tpu.vector_load %arg5[%get3A_6, %get3A_7] {strides = array<i32>} : memref<32x16xf32, #tpu.memory_space<vmem>>, vector<1x16xf32>,
    %get3A_9 = vector.shape_cast %get3A_8 : vector<1x16xf32> to vector<16xf32>
    %add3A = arith.addf %get3A_4, %get3A_9 : vector<16xf32>
    %get3A_10 = arith.constant 2 : i32
    %get3A_11 = arith.index_cast %get3A_10 : i32 to index
    %get3A_12 = arith.constant 0 : index
    %get3A_13 = tpu.vector_load %arg5[%get3A_11, %get3A_12] {strides = array<i32>} : memref<32x16xf32, #tpu.memory_space<vmem>>, vector<1x16xf32>,
    %get3A_14 = vector.shape_cast %get3A_13 : vector<1x16xf32> to vector<16xf32>
    %add3A_15 = arith.addf %add3A, %get3A_14 : vector<16xf32>
    %get3A_16 = arith.constant 3 : i32
    %get3A_17 = arith.index_cast %get3A_16 : i32 to index
    %get3A_18 = arith.constant 0 : index
    %get3A_19 = tpu.vector_load %arg5[%get3A_17, %get3A_18] {strides = array<i32>} : memref<32x16xf32, #tpu.memory_space<vmem>>, vector<1x16xf32>,
    %get3A_20 = vector.shape_cast %get3A_19 : vector<1x16xf32> to vector<16xf32>
    %add3A_21 = arith.addf %add3A_15, %get3A_20 : vector<16xf32>
    %get3A_22 = arith.constant 4 : i32
    %get3A_23 = arith.index_cast %get3A_22 : i32 to index
    %get3A_24 = arith.constant 0 : index
    %get3A_25 = tpu.vector_load %arg5[%get3A_23, %get3A_24] {strides = array<i32>} : memref<32x16xf32, #tpu.memory_space<vmem>>, vector<1x16xf32>,
    %get3A_26 = vector.shape_cast %get3A_25 : vector<1x16xf32> to vector<16xf32>
    %add3A_27 = arith.addf %add3A_21, %get3A_26 : vector<16xf32>
    %get3A_28 = arith.constant 5 : i32
    %get3A_29 = arith.index_cast %get3A_28 : i32 to index
    %get3A_30 = arith.constant 0 : index
    %get3A_31 = tpu.vector_load %arg5[%get3A_29, %get3A_30] {strides = array<i32>} : memref<32x16xf32, #tpu.memory_space<vmem>>, vector<1x16xf32>,
    %get3A_32 = vector.shape_cast %get3A_31 : vector<1x16xf32> to vector<16xf32>
    %add3A_33 = arith.addf %add3A_27, %get3A_32 : vector<16xf32>
    %get3A_34 = arith.constant 6 : i32
    %get3A_35 = arith.index_cast %get3A_34 : i32 to index
    %get3A_36 = arith.constant 0 : index
    %get3A_37 = tpu.vector_load %arg5[%get3A_35, %get3A_36] {strides = array<i32>} : memref<32x16xf32, #tpu.memory_space<vmem>>, vector<1x16xf32>,
    %get3A_38 = vector.shape_cast %get3A_37 : vector<1x16xf32> to vector<16xf32>
    %add3A_39 = arith.addf %add3A_33, %get3A_38 : vector<16xf32>
    %get3A_40 = arith.constant 7 : i32
    %get3A_41 = arith.index_cast %get3A_40 : i32 to index
    %get3A_42 = arith.constant 0 : index
    %get3A_43 = tpu.vector_load %arg5[%get3A_41, %get3A_42] {strides = array<i32>} : memref<32x16xf32, #tpu.memory_space<vmem>>, vector<1x16xf32>,
    %get3A_44 = vector.shape_cast %get3A_43 : vector<1x16xf32> to vector<16xf32>
    %add3A_45 = arith.addf %add3A_39, %get3A_44 : vector<16xf32>
    %get3A_46 = arith.constant 8 : i32
    %get3A_47 = arith.index_cast %get3A_46 : i32 to index
    %get3A_48 = arith.constant 0 : index
    %get3A_49 = tpu.vector_load %arg5[%get3A_47, %get3A_48] {strides = array<i32>} : memref<32x16xf32, #tpu.memory_space<vmem>>, vector<1x16xf32>,
    %get3A_50 = vector.shape_cast %get3A_49 : vector<1x16xf32> to vector<16xf32>
    %add3A_51 = arith.addf %add3A_45, %get3A_50 : vector<16xf32>
    %get3A_52 = arith.constant 9 : i32
    %get3A_53 = arith.index_cast %get3A_52 : i32 to index
    %get3A_54 = arith.constant 0 : index
    %get3A_55 = tpu.vector_load %arg5[%get3A_53, %get3A_54] {strides = array<i32>} : memref<32x16xf32, #tpu.memory_space<vmem>>, vector<1x16xf32>,
    %get3A_56 = vector.shape_cast %get3A_55 : vector<1x16xf32> to vector<16xf32>
    %add3A_57 = arith.addf %add3A_51, %get3A_56 : vector<16xf32>
    %get3A_58 = arith.constant 10 : i32
    %get3A_59 = arith.index_cast %get3A_58 : i32 to index
    %get3A_60 = arith.constant 0 : index
    %get3A_61 = tpu.vector_load %arg5[%get3A_59, %get3A_60] {strides = array<i32>} : memref<32x16xf32, #tpu.memory_space<vmem>>, vector<1x16xf32>,
    %get3A_62 = vector.shape_cast %get3A_61 : vector<1x16xf32> to vector<16xf32>
    %add3A_63 = arith.addf %add3A_57, %get3A_62 : vector<16xf32>
    %get3A_64 = arith.constant 11 : i32
    %get3A_65 = arith.index_cast %get3A_64 : i32 to index
    %get3A_66 = arith.constant 0 : index
    %get3A_67 = tpu.vector_load %arg5[%get3A_65, %get3A_66] {strides = array<i32>} : memref<32x16xf32, #tpu.memory_space<vmem>>, vector<1x16xf32>,
    %get3A_68 = vector.shape_cast %get3A_67 : vector<1x16xf32> to vector<16xf32>
    %add3A_69 = arith.addf %add3A_63, %get3A_68 : vector<16xf32>
    %get3A_70 = arith.constant 12 : i32
    %get3A_71 = arith.index_cast %get3A_70 : i32 to index
    %get3A_72 = arith.constant 0 : index
    %get3A_73 = tpu.vector_load %arg5[%get3A_71, %get3A_72] {strides = array<i32>} : memref<32x16xf32, #tpu.memory_space<vmem>>, vector<1x16xf32>,
    %get3A_74 = vector.shape_cast %get3A_73 : vector<1x16xf32> to vector<16xf32>
    %add3A_75 = arith.addf %add3A_69, %get3A_74 : vector<16xf32>
    %get3A_76 = arith.constant 13 : i32
    %get3A_77 = arith.index_cast %get3A_76 : i32 to index
    %get3A_78 = arith.constant 0 : index
    %get3A_79 = tpu.vector_load %arg5[%get3A_77, %get3A_78] {strides = array<i32>} : memref<32x16xf32, #tpu.memory_space<vmem>>, vector<1x16xf32>,
    %get3A_80 = vector.shape_cast %get3A_79 : vector<1x16xf32> to vector<16xf32>
    %add3A_81 = arith.addf %add3A_75, %get3A_80 : vector<16xf32>
    %get3A_82 = arith.constant 14 : i32
    %get3A_83 = arith.index_cast %get3A_82 : i32 to index
    %get3A_84 = arith.constant 0 : index
    %get3A_85 = tpu.vector_load %arg5[%get3A_83, %get3A_84] {strides = array<i32>} : memref<32x16xf32, #tpu.memory_space<vmem>>, vector<1x16xf32>,
    %get3A_86 = vector.shape_cast %get3A_85 : vector<1x16xf32> to vector<16xf32>
    %add3A_87 = arith.addf %add3A_81, %get3A_86 : vector<16xf32>
    %get3A_88 = arith.constant 15 : i32
    %get3A_89 = arith.index_cast %get3A_88 : i32 to index
    %get3A_90 = arith.constant 0 : index
    %get3A_91 = tpu.vector_load %arg5[%get3A_89, %get3A_90] {strides = array<i32>} : memref<32x16xf32, #tpu.memory_space<vmem>>, vector<1x16xf32>,
    %get3A_92 = vector.shape_cast %get3A_91 : vector<1x16xf32> to vector<16xf32>
    %add3A_93 = arith.addf %add3A_87, %get3A_92 : vector<16xf32>
    %get3A_94 = arith.constant 16 : i32
    %get3A_95 = arith.index_cast %get3A_94 : i32 to index
    %get3A_96 = arith.constant 0 : index
    %get3A_97 = tpu.vector_load %arg5[%get3A_95, %get3A_96] {strides = array<i32>} : memref<32x16xf32, #tpu.memory_space<vmem>>, vector<1x16xf32>,
    %get3A_98 = vector.shape_cast %get3A_97 : vector<1x16xf32> to vector<16xf32>
    %add3A_99 = arith.addf %add3A_93, %get3A_98 : vector<16xf32>
    %get3A_100 = arith.constant 17 : i32
    %get3A_101 = arith.index_cast %get3A_100 : i32 to index
    %get3A_102 = arith.constant 0 : index
    %get3A_103 = tpu.vector_load %arg5[%get3A_101, %get3A_102] {strides = array<i32>} : memref<32x16xf32, #tpu.memory_space<vmem>>, vector<1x16xf32>,
    %get3A_104 = vector.shape_cast %get3A_103 : vector<1x16xf32> to vector<16xf32>
    %add3A_105 = arith.addf %add3A_99, %get3A_104 : vector<16xf32>
    %get3A_106 = arith.constant 18 : i32
    %get3A_107 = arith.index_cast %get3A_106 : i32 to index
    %get3A_108 = arith.constant 0 : index
    %get3A_109 = tpu.vector_load %arg5[%get3A_107, %get3A_108] {strides = array<i32>} : memref<32x16xf32, #tpu.memory_space<vmem>>, vector<1x16xf32>,
    %get3A_110 = vector.shape_cast %get3A_109 : vector<1x16xf32> to vector<16xf32>
    %add3A_111 = arith.addf %add3A_105, %get3A_110 : vector<16xf32>
    %get3A_112 = arith.constant 19 : i32
    %get3A_113 = arith.index_cast %get3A_112 : i32 to index
    %get3A_114 = arith.constant 0 : index
    %get3A_115 = tpu.vector_load %arg5[%get3A_113, %get3A_114] {strides = array<i32>} : memref<32x16xf32, #tpu.memory_space<vmem>>, vector<1x16xf32>,
    %get3A_116 = vector.shape_cast %get3A_115 : vector<1x16xf32> to vector<16xf32>
    %add3A_117 = arith.addf %add3A_111, %get3A_116 : vector<16xf32>
    %get3A_118 = arith.constant 20 : i32
    %get3A_119 = arith.index_cast %get3A_118 : i32 to index
    %get3A_120 = arith.constant 0 : index
    %get3A_121 = tpu.vector_load %arg5[%get3A_119, %get3A_120] {strides = array<i32>} : memref<32x16xf32, #tpu.memory_space<vmem>>, vector<1x16xf32>,
    %get3A_122 = vector.shape_cast %get3A_121 : vector<1x16xf32> to vector<16xf32>
    %add3A_123 = arith.addf %add3A_117, %get3A_122 : vector<16xf32>
    %get3A_124 = arith.constant 21 : i32
    %get3A_125 = arith.index_cast %get3A_124 : i32 to index
    %get3A_126 = arith.constant 0 : index
    %get3A_127 = tpu.vector_load %arg5[%get3A_125, %get3A_126] {strides = array<i32>} : memref<32x16xf32, #tpu.memory_space<vmem>>, vector<1x16xf32>,
    %get3A_128 = vector.shape_cast %get3A_127 : vector<1x16xf32> to vector<16xf32>
    %add3A_129 = arith.addf %add3A_123, %get3A_128 : vector<16xf32>
    %get3A_130 = arith.constant 22 : i32
    %get3A_131 = arith.index_cast %get3A_130 : i32 to index
    %get3A_132 = arith.constant 0 : index
    %get3A_133 = tpu.vector_load %arg5[%get3A_131, %get3A_132] {strides = array<i32>} : memref<32x16xf32, #tpu.memory_space<vmem>>, vector<1x16xf32>,
    %get3A_134 = vector.shape_cast %get3A_133 : vector<1x16xf32> to vector<16xf32>
    %add3A_135 = arith.addf %add3A_129, %get3A_134 : vector<16xf32>
    %get3A_136 = arith.constant 23 : i32
    %get3A_137 = arith.index_cast %get3A_136 : i32 to index
    %get3A_138 = arith.constant 0 : index
    %get3A_139 = tpu.vector_load %arg5[%get3A_137, %get3A_138] {strides = array<i32>} : memref<32x16xf32, #tpu.memory_space<vmem>>, vector<1x16xf32>,
    %get3A_140 = vector.shape_cast %get3A_139 : vector<1x16xf32> to vector<16xf32>
    %add3A_141 = arith.addf %add3A_135, %get3A_140 : vector<16xf32>
    %get3A_142 = arith.constant 24 : i32
    %get3A_143 = arith.index_cast %get3A_142 : i32 to index
    %get3A_144 = arith.constant 0 : index
    %get3A_145 = tpu.vector_load %arg5[%get3A_143, %get3A_144] {strides = array<i32>} : memref<32x16xf32, #tpu.memory_space<vmem>>, vector<1x16xf32>,
    %get3A_146 = vector.shape_cast %get3A_145 : vector<1x16xf32> to vector<16xf32>
    %add3A_147 = arith.addf %add3A_141, %get3A_146 : vector<16xf32>
    %get3A_148 = arith.constant 25 : i32
    %get3A_149 = arith.index_cast %get3A_148 : i32 to index
    %get3A_150 = arith.constant 0 : index
    %get3A_151 = tpu.vector_load %arg5[%get3A_149, %get3A_150] {strides = array<i32>} : memref<32x16xf32, #tpu.memory_space<vmem>>, vector<1x16xf32>,
    %get3A_152 = vector.shape_cast %get3A_151 : vector<1x16xf32> to vector<16xf32>
    %add3A_153 = arith.addf %add3A_147, %get3A_152 : vector<16xf32>
    %get3A_154 = arith.constant 26 : i32
    %get3A_155 = arith.index_cast %get3A_154 : i32 to index
    %get3A_156 = arith.constant 0 : index
    %get3A_157 = tpu.vector_load %arg5[%get3A_155, %get3A_156] {strides = array<i32>} : memref<32x16xf32, #tpu.memory_space<vmem>>, vector<1x16xf32>,
    %get3A_158 = vector.shape_cast %get3A_157 : vector<1x16xf32> to vector<16xf32>
    %add3A_159 = arith.addf %add3A_153, %get3A_158 : vector<16xf32>
    %get3A_160 = arith.constant 27 : i32
    %get3A_161 = arith.index_cast %get3A_160 : i32 to index
    %get3A_162 = arith.constant 0 : index
    %get3A_163 = tpu.vector_load %arg5[%get3A_161, %get3A_162] {strides = array<i32>} : memref<32x16xf32, #tpu.memory_space<vmem>>, vector<1x16xf32>,
    %get3A_164 = vector.shape_cast %get3A_163 : vector<1x16xf32> to vector<16xf32>
    %add3A_165 = arith.addf %add3A_159, %get3A_164 : vector<16xf32>
    %get3A_166 = arith.constant 28 : i32
    %get3A_167 = arith.index_cast %get3A_166 : i32 to index
    %get3A_168 = arith.constant 0 : index
    %get3A_169 = tpu.vector_load %arg5[%get3A_167, %get3A_168] {strides = array<i32>} : memref<32x16xf32, #tpu.memory_space<vmem>>, vector<1x16xf32>,
    %get3A_170 = vector.shape_cast %get3A_169 : vector<1x16xf32> to vector<16xf32>
    %add3A_171 = arith.addf %add3A_165, %get3A_170 : vector<16xf32>
    %get3A_172 = arith.constant 29 : i32
    %get3A_173 = arith.index_cast %get3A_172 : i32 to index
    %get3A_174 = arith.constant 0 : index
    %get3A_175 = tpu.vector_load %arg5[%get3A_173, %get3A_174] {strides = array<i32>} : memref<32x16xf32, #tpu.memory_space<vmem>>, vector<1x16xf32>,
    %get3A_176 = vector.shape_cast %get3A_175 : vector<1x16xf32> to vector<16xf32>
    %add3A_177 = arith.addf %add3A_171, %get3A_176 : vector<16xf32>
    %get3A_178 = arith.constant 30 : i32
    %get3A_179 = arith.index_cast %get3A_178 : i32 to index
    %get3A_180 = arith.constant 0 : index
    %get3A_181 = tpu.vector_load %arg5[%get3A_179, %get3A_180] {strides = array<i32>} : memref<32x16xf32, #tpu.memory_space<vmem>>, vector<1x16xf32>,
    %get3A_182 = vector.shape_cast %get3A_181 : vector<1x16xf32> to vector<16xf32>
    %add3A_183 = arith.addf %add3A_177, %get3A_182 : vector<16xf32>
    %get3A_184 = arith.constant 31 : i32
    %get3A_185 = arith.index_cast %get3A_184 : i32 to index
    %get3A_186 = arith.constant 0 : index
    %get3A_187 = tpu.vector_load %arg5[%get3A_185, %get3A_186] {strides = array<i32>} : memref<32x16xf32, #tpu.memory_space<vmem>>, vector<1x16xf32>,
    %get3A_188 = vector.shape_cast %get3A_187 : vector<1x16xf32> to vector<16xf32>
    %add3A_189 = arith.addf %add3A_183, %get3A_188 : vector<16xf32>
    %iota3A = tpu.iota {dimensions = array<i32: 0>} : vector<16xi32>
    %add3A_190 = arith.constant 1 : i32
    %add3A_191 = vector.broadcast %add3A_190 : i32 to vector<16xi32>
    %add3A_192 = arith.addi %iota3A, %add3A_191 : vector<16xi32>
    %jit3A = arith.constant 16 : i32
    %eq3A = arith.constant 0 : i32
    %eq3A_193 = arith.cmpi eq, %jit3A, %eq3A : i32
    %jit3A_194 = arith.constant 1 : i32
    %select_n3A = arith.select %eq3A_193, %jit3A_194, %jit3A : i32
    %rem3A = vector.broadcast %select_n3A : i32 to vector<16xi32>
    %rem3A_195 = arith.remsi %add3A_192, %rem3A : vector<16xi32>
    %ne3A = arith.constant 0 : i32
    %ne3A_196 = vector.broadcast %ne3A : i32 to vector<16xi32>
    %ne3A_197 = arith.cmpi ne, %rem3A_195, %ne3A_196 : vector<16xi32>
    %lt3A = arith.constant 0 : i32
    %lt3A_198 = vector.broadcast %lt3A : i32 to vector<16xi32>
    %lt3A_199 = arith.cmpi slt, %rem3A_195, %lt3A_198 : vector<16xi32>
    %lt3A_200 = arith.constant 0 : i32
    %lt3A_201 = arith.cmpi slt, %select_n3A, %lt3A_200 : i32
    %ne3A_202 = vector.broadcast %lt3A_201 : i1 to vector<16xi1>
    %ne3A_203 = vector.broadcast %ne3A_202 : vector<16xi1> to vector<16xi1>
    %ne3A_204 = arith.xori %lt3A_199, %ne3A_203 : vector<16xi1>
    %and3A = arith.andi %ne3A_204, %ne3A_197 : vector<16xi1>
    %add3A_205 = vector.broadcast %select_n3A : i32 to vector<16xi32>
    %add3A_206 = arith.addi %rem3A_195, %add3A_205 : vector<16xi32>
    %select_n3A_207 = arith.select %and3A, %add3A_206, %rem3A_195 : vector<16xi1>, vector<16xi32>
    %lt3A_208 = arith.constant 0 : i32
    %lt3A_209 = vector.broadcast %lt3A_208 : i32 to vector<16xi32>
    %lt3A_210 = arith.cmpi slt, %select_n3A_207, %lt3A_209 : vector<16xi32>
    %add3A_211 = arith.constant 16 : i32
    %add3A_212 = vector.broadcast %add3A_211 : i32 to vector<16xi32>
    %add3A_213 = arith.addi %select_n3A_207, %add3A_212 : vector<16xi32>
    %select_n3A_214 = arith.select %lt3A_210, %add3A_213, %select_n3A_207 : vector<16xi1>, vector<16xi32>
    %broadcast_in_dim3A = vector.shape_cast %select_n3A_214 : vector<16xi32> to vector<16x1xi32>
    %gather3A = vector.shape_cast %broadcast_in_dim3A : vector<16x1xi32> to vector<16xi32>
    %gather3A_215 = tpu.dynamic_gather %add3A_189[%gather3A] in [0] : vector<16xf32>, vector<16xi32> -> vector<16xf32>
    %add3A_216 = arith.addf %add3A_189, %gather3A_215 : vector<16xf32>
    %add3A_217 = arith.constant 2 : i32
    %add3A_218 = vector.broadcast %add3A_217 : i32 to vector<16xi32>
    %add3A_219 = arith.addi %iota3A, %add3A_218 : vector<16xi32>
    %jit3A_220 = arith.constant 16 : i32
    %eq3A_221 = arith.constant 0 : i32
    %eq3A_222 = arith.cmpi eq, %jit3A_220, %eq3A_221 : i32
    %jit3A_223 = arith.constant 1 : i32
    %select_n3A_224 = arith.select %eq3A_222, %jit3A_223, %jit3A_220 : i32
    %rem3A_225 = vector.broadcast %select_n3A_224 : i32 to vector<16xi32>
    %rem3A_226 = arith.remsi %add3A_219, %rem3A_225 : vector<16xi32>
    %ne3A_227 = arith.constant 0 : i32
    %ne3A_228 = vector.broadcast %ne3A_227 : i32 to vector<16xi32>
    %ne3A_229 = arith.cmpi ne, %rem3A_226, %ne3A_228 : vector<16xi32>
    %lt3A_230 = arith.constant 0 : i32
    %lt3A_231 = vector.broadcast %lt3A_230 : i32 to vector<16xi32>
    %lt3A_232 = arith.cmpi slt, %rem3A_226, %lt3A_231 : vector<16xi32>
    %lt3A_233 = arith.constant 0 : i32
    %lt3A_234 = arith.cmpi slt, %select_n3A_224, %lt3A_233 : i32
    %ne3A_235 = vector.broadcast %lt3A_234 : i1 to vector<16xi1>
    %ne3A_236 = vector.broadcast %ne3A_235 : vector<16xi1> to vector<16xi1>
    %ne3A_237 = arith.xori %lt3A_232, %ne3A_236 : vector<16xi1>
    %and3A_238 = arith.andi %ne3A_237, %ne3A_229 : vector<16xi1>
    %add3A_239 = vector.broadcast %select_n3A_224 : i32 to vector<16xi32>
    %add3A_240 = arith.addi %rem3A_226, %add3A_239 : vector<16xi32>
    %select_n3A_241 = arith.select %and3A_238, %add3A_240, %rem3A_226 : vector<16xi1>, vector<16xi32>
    %lt3A_242 = arith.constant 0 : i32
    %lt3A_243 = vector.broadcast %lt3A_242 : i32 to vector<16xi32>
    %lt3A_244 = arith.cmpi slt, %select_n3A_241, %lt3A_243 : vector<16xi32>
    %add3A_245 = arith.constant 16 : i32
    %add3A_246 = vector.broadcast %add3A_245 : i32 to vector<16xi32>
    %add3A_247 = arith.addi %select_n3A_241, %add3A_246 : vector<16xi32>
    %select_n3A_248 = arith.select %lt3A_244, %add3A_247, %select_n3A_241 : vector<16xi1>, vector<16xi32>
    %broadcast_in_dim3A_249 = vector.shape_cast %select_n3A_248 : vector<16xi32> to vector<16x1xi32>
    %gather3A_250 = vector.shape_cast %broadcast_in_dim3A_249 : vector<16x1xi32> to vector<16xi32>
    %gather3A_251 = tpu.dynamic_gather %add3A_216[%gather3A_250] in [0] : vector<16xf32>, vector<16xi32> -> vector<16xf32>
    %add3A_252 = arith.addf %add3A_216, %gather3A_251 : vector<16xf32>
    %add3A_253 = arith.constant 4 : i32
    %add3A_254 = vector.broadcast %add3A_253 : i32 to vector<16xi32>
    %add3A_255 = arith.addi %iota3A, %add3A_254 : vector<16xi32>
    %jit3A_256 = arith.constant 16 : i32
    %eq3A_257 = arith.constant 0 : i32
    %eq3A_258 = arith.cmpi eq, %jit3A_256, %eq3A_257 : i32
    %jit3A_259 = arith.constant 1 : i32
    %select_n3A_260 = arith.select %eq3A_258, %jit3A_259, %jit3A_256 : i32
    %rem3A_261 = vector.broadcast %select_n3A_260 : i32 to vector<16xi32>
    %rem3A_262 = arith.remsi %add3A_255, %rem3A_261 : vector<16xi32>
    %ne3A_263 = arith.constant 0 : i32
    %ne3A_264 = vector.broadcast %ne3A_263 : i32 to vector<16xi32>
    %ne3A_265 = arith.cmpi ne, %rem3A_262, %ne3A_264 : vector<16xi32>
    %lt3A_266 = arith.constant 0 : i32
    %lt3A_267 = vector.broadcast %lt3A_266 : i32 to vector<16xi32>
    %lt3A_268 = arith.cmpi slt, %rem3A_262, %lt3A_267 : vector<16xi32>
    %lt3A_269 = arith.constant 0 : i32
    %lt3A_270 = arith.cmpi slt, %select_n3A_260, %lt3A_269 : i32
    %ne3A_271 = vector.broadcast %lt3A_270 : i1 to vector<16xi1>
    %ne3A_272 = vector.broadcast %ne3A_271 : vector<16xi1> to vector<16xi1>
    %ne3A_273 = arith.xori %lt3A_268, %ne3A_272 : vector<16xi1>
    %and3A_274 = arith.andi %ne3A_273, %ne3A_265 : vector<16xi1>
    %add3A_275 = vector.broadcast %select_n3A_260 : i32 to vector<16xi32>
    %add3A_276 = arith.addi %rem3A_262, %add3A_275 : vector<16xi32>
    %select_n3A_277 = arith.select %and3A_274, %add3A_276, %rem3A_262 : vector<16xi1>, vector<16xi32>
    %lt3A_278 = arith.constant 0 : i32
    %lt3A_279 = vector.broadcast %lt3A_278 : i32 to vector<16xi32>
    %lt3A_280 = arith.cmpi slt, %select_n3A_277, %lt3A_279 : vector<16xi32>
    %add3A_281 = arith.constant 16 : i32
    %add3A_282 = vector.broadcast %add3A_281 : i32 to vector<16xi32>
    %add3A_283 = arith.addi %select_n3A_277, %add3A_282 : vector<16xi32>
    %select_n3A_284 = arith.select %lt3A_280, %add3A_283, %select_n3A_277 : vector<16xi1>, vector<16xi32>
    %broadcast_in_dim3A_285 = vector.shape_cast %select_n3A_284 : vector<16xi32> to vector<16x1xi32>
    %gather3A_286 = vector.shape_cast %broadcast_in_dim3A_285 : vector<16x1xi32> to vector<16xi32>
    %gather3A_287 = tpu.dynamic_gather %add3A_252[%gather3A_286] in [0] : vector<16xf32>, vector<16xi32> -> vector<16xf32>
    %add3A_288 = arith.addf %add3A_252, %gather3A_287 : vector<16xf32>
    %add3A_289 = arith.constant 8 : i32
    %add3A_290 = vector.broadcast %add3A_289 : i32 to vector<16xi32>
    %add3A_291 = arith.addi %iota3A, %add3A_290 : vector<16xi32>
    %jit3A_292 = arith.constant 16 : i32
    %eq3A_293 = arith.constant 0 : i32
    %eq3A_294 = arith.cmpi eq, %jit3A_292, %eq3A_293 : i32
    %jit3A_295 = arith.constant 1 : i32
    %select_n3A_296 = arith.select %eq3A_294, %jit3A_295, %jit3A_292 : i32
    %rem3A_297 = vector.broadcast %select_n3A_296 : i32 to vector<16xi32>
    %rem3A_298 = arith.remsi %add3A_291, %rem3A_297 : vector<16xi32>
    %ne3A_299 = arith.constant 0 : i32
    %ne3A_300 = vector.broadcast %ne3A_299 : i32 to vector<16xi32>
    %ne3A_301 = arith.cmpi ne, %rem3A_298, %ne3A_300 : vector<16xi32>
    %lt3A_302 = arith.constant 0 : i32
    %lt3A_303 = vector.broadcast %lt3A_302 : i32 to vector<16xi32>
    %lt3A_304 = arith.cmpi slt, %rem3A_298, %lt3A_303 : vector<16xi32>
    %lt3A_305 = arith.constant 0 : i32
    %lt3A_306 = arith.cmpi slt, %select_n3A_296, %lt3A_305 : i32
    %ne3A_307 = vector.broadcast %lt3A_306 : i1 to vector<16xi1>
    %ne3A_308 = vector.broadcast %ne3A_307 : vector<16xi1> to vector<16xi1>
    %ne3A_309 = arith.xori %lt3A_304, %ne3A_308 : vector<16xi1>
    %and3A_310 = arith.andi %ne3A_309, %ne3A_301 : vector<16xi1>
    %add3A_311 = vector.broadcast %select_n3A_296 : i32 to vector<16xi32>
    %add3A_312 = arith.addi %rem3A_298, %add3A_311 : vector<16xi32>
    %select_n3A_313 = arith.select %and3A_310, %add3A_312, %rem3A_298 : vector<16xi1>, vector<16xi32>
    %lt3A_314 = arith.constant 0 : i32
    %lt3A_315 = vector.broadcast %lt3A_314 : i32 to vector<16xi32>
    %lt3A_316 = arith.cmpi slt, %select_n3A_313, %lt3A_315 : vector<16xi32>
    %add3A_317 = arith.constant 16 : i32
    %add3A_318 = vector.broadcast %add3A_317 : i32 to vector<16xi32>
    %add3A_319 = arith.addi %select_n3A_313, %add3A_318 : vector<16xi32>
    %select_n3A_320 = arith.select %lt3A_316, %add3A_319, %select_n3A_313 : vector<16xi1>, vector<16xi32>
    %broadcast_in_dim3A_321 = vector.shape_cast %select_n3A_320 : vector<16xi32> to vector<16x1xi32>
    %gather3A_322 = vector.shape_cast %broadcast_in_dim3A_321 : vector<16x1xi32> to vector<16xi32>
    %gather3A_323 = tpu.dynamic_gather %add3A_288[%gather3A_322] in [0] : vector<16xf32>, vector<16xi32> -> vector<16xf32>
    %add3A_324 = arith.addf %add3A_288, %gather3A_323 : vector<16xf32>
    %scan3A = arith.constant 0 : i32
    %scan3A_325 = arith.constant 0 : i32
    %scan3A_326 = arith.constant 64 : i32
    %scan3A_327 = arith.addi %scan3A_325, %scan3A_326 : i32
    %scan3A_328 = arith.constant 1 : i32
    %scan3A_329 = scf.for %scan3A_331 = %scan3A_325 to %scan3A_327 step %scan3A_328 iter_args(%scan3A_332 = %scan3A) -> (i32)  : i32 {
      %mul3A_333 = arith.constant 16 : i32
      %mul3A_334 = arith.muli %scan3A_331, %mul3A_333 : i32
      %get3A_335 = arith.index_cast %mul3A_334 : i32 to index
      %get3A_336 = tpu.vector_load %arg6[%get3A_335] {strides = array<i32>} : memref<1024xf32, #tpu.memory_space<vmem>>, vector<16xf32>,
      %get3A_337 = vector.shape_cast %get3A_336 : vector<16xf32> to vector<16xf32>
      %add3A_338 = arith.addf %add3A_324, %get3A_337 : vector<16xf32>
      %neg3A = arith.constant 0.000000e+00 : f32
      %neg3A_339 = vector.broadcast %neg3A : f32 to vector<16xf32>
      %neg3A_340 = arith.subf %neg3A_339, %add3A_338 : vector<16xf32>
      %exp3A = math.exp %neg3A_340 : vector<16xf32>
      %add3A_341 = arith.constant 1.000000e+00 : f32
      %add3A_342 = vector.broadcast %add3A_341 : f32 to vector<16xf32>
      %add3A_343 = arith.addf %add3A_342, %exp3A : vector<16xf32>
      %div3A = arith.constant 1.000000e+00 : f32
      %div3A_344 = vector.broadcast %div3A : f32 to vector<16xf32>
      %div3A_345 = arith.divf %div3A_344, %add3A_343 : vector<16xf32>
      %mul3A_346 = arith.constant 16 : i32
      %mul3A_347 = arith.muli %scan3A_331, %mul3A_346 : i32
      %swap3A = arith.index_cast %mul3A_347 : i32 to index
      %swap3A_348 = tpu.vector_load %arg7[%swap3A] {strides = array<i32>} : memref<1024xf32, #tpu.memory_space<vmem>>, vector<16xf32>,
      %swap3A_349 = vector.shape_cast %swap3A_348 : vector<16xf32> to vector<16xf32>
      %swap3A_350 = vector.shape_cast %div3A_345 : vector<16xf32> to vector<16xf32>
      tpu.vector_store %arg7[%swap3A], %swap3A_350 {strides = array<i32>} : memref<1024xf32, #tpu.memory_space<vmem>>, vector<16xf32>,
      %scan3A_351 = arith.constant 0 : i32
      scf.yield %scan3A_351 : i32
    }
    %scan3A_330 = arith.constant 64 : i32
    "tpu.region"() ({
      %run_scoped3A = tpu.sem_alloc : memref<!tpu.dma_semaphore, #tpu.memory_space<semaphore_mem>>
      %dma_start3A = tpu.memref_slice %arg4[%mul3A_0] : memref<16384xf32, #tpu.memory_space<hbm>> -> memref<1024xf32, #tpu.memory_space<hbm>>
      %dma_start3A_331 = tpu.memref_slice %arg4[%mul3A_0] : memref<16384xf32, #tpu.memory_space<hbm>> -> memref<1024xf32, #tpu.memory_space<hbm>>
      tpu.enqueue_dma source(%arg7 : memref<1024xf32, #tpu.memory_space<vmem>>) target(%dma_start3A_331 : memref<1024xf32, #tpu.memory_space<hbm>>) target_semaphore(%run_scoped3A : memref<!tpu.dma_semaphore, #tpu.memory_space<semaphore_mem>>)
      %dma_wait3A = tpu.memref_slice %arg4[%mul3A_0] : memref<16384xf32, #tpu.memory_space<hbm>> -> memref<1024xf32, #tpu.memory_space<hbm>>
      %dma_wait3A_332 = tpu.memref_slice %arg4[%mul3A_0] : memref<16384xf32, #tpu.memory_space<hbm>> -> memref<1024xf32, #tpu.memory_space<hbm>>
      tpu.wait_dma2 semaphore(%run_scoped3A : memref<!tpu.dma_semaphore, #tpu.memory_space<semaphore_mem>>) src(%arg7 : memref<1024xf32, #tpu.memory_space<vmem>>) dst(%dma_wait3A_332 : memref<1024xf32, #tpu.memory_space<hbm>>)
      tpu.yield
    }) : () -> ()
    return
  }
}

#map = affine_map<(d0, d1) -> (0)>
#map1 = affine_map<(d0, d1) -> (0, 0)>
module attributes {stable_mosaic.version = 14 : i64} {
  func.func @body(%arg0: i32, %arg1: i32, %arg2: memref<16384xi32, #tpu.memory_space<hbm>>, %arg3: memref<16384xi32, #tpu.memory_space<hbm>>, %arg4: memref<1000000xf32, #tpu.memory_space<hbm>>, %arg5: memref<1000000xf32, #tpu.memory_space<hbm>>, %arg6: memref<1000000xf32, #tpu.memory_space<hbm>>, %arg7: memref<1000000xf32, #tpu.memory_space<hbm>>, %arg8: memref<1000000xf32, #tpu.memory_space<hbm>>, %arg9: memref<1000000xf32, #tpu.memory_space<hbm>>, %arg10: memref<1000000xf32, #tpu.memory_space<hbm>>, %arg11: memref<1000000xf32, #tpu.memory_space<hbm>>, %arg12: memref<1000000xf32, #tpu.memory_space<hbm>>, %arg13: memref<1000000xf32, #tpu.memory_space<hbm>>, %arg14: memref<1000000xf32, #tpu.memory_space<hbm>>, %arg15: memref<1000000xf32, #tpu.memory_space<hbm>>, %arg16: memref<1000000xf32, #tpu.memory_space<hbm>>, %arg17: memref<1000000xf32, #tpu.memory_space<hbm>>, %arg18: memref<1000000xf32, #tpu.memory_space<hbm>>, %arg19: memref<1000000xf32, #tpu.memory_space<hbm>>, %arg20: memref<1000000xf32, #tpu.memory_space<hbm>>, %arg21: memref<1000000xf32, #tpu.memory_space<hbm>>, %arg22: memref<1000000xf32, #tpu.memory_space<hbm>>, %arg23: memref<1000000xf32, #tpu.memory_space<hbm>>, %arg24: memref<1000000xf32, #tpu.memory_space<hbm>>, %arg25: memref<1000000xf32, #tpu.memory_space<hbm>>, %arg26: memref<1000000xf32, #tpu.memory_space<hbm>>, %arg27: memref<1000000xf32, #tpu.memory_space<hbm>>, %arg28: memref<1000000xf32, #tpu.memory_space<hbm>>, %arg29: memref<1000000xf32, #tpu.memory_space<hbm>>, %arg30: memref<1000000xf32, #tpu.memory_space<hbm>>, %arg31: memref<1000000xf32, #tpu.memory_space<hbm>>, %arg32: memref<1000000xf32, #tpu.memory_space<hbm>>, %arg33: memref<1000000xf32, #tpu.memory_space<hbm>>, %arg34: memref<1000000xf32, #tpu.memory_space<hbm>>, %arg35: memref<1000000xf32, #tpu.memory_space<hbm>>, %arg36: memref<1000000xf32, #tpu.memory_space<hbm>>, %arg37: memref<1000000xf32, #tpu.memory_space<hbm>>, %arg38: memref<32x16xf32, #tpu.memory_space<hbm>>, %arg39: memref<16384xf32, #tpu.memory_space<hbm>>, %arg40: memref<512xi32, #tpu.memory_space<vmem>>, %arg41: memref<512xi32, #tpu.memory_space<vmem>>, %arg42: memref<16x512xf32, #tpu.memory_space<vmem>>, %arg43: memref<16x512xf32, #tpu.memory_space<vmem>>, %arg44: memref<512xf32, #tpu.memory_space<vmem>>, %arg45: memref<512xf32, #tpu.memory_space<vmem>>, %arg46: memref<512xf32, #tpu.memory_space<vmem>>, %arg47: memref<16xf32, #tpu.memory_space<vmem>>, %arg48: memref<!tpu.dma_semaphore, #tpu.memory_space<semaphore_mem>>) attributes {dimension_semantics = [#tpu.dimension_semantics<core_parallel>, #tpu.dimension_semantics<subcore_parallel>], iteration_bounds = array<i64: 2, 16>, scalar_prefetch = 0 : i64, scratch_operands = 9 : i64, tpu.core_type = #tpu.core_type<sc_vector_subcore>, window_params = [{transform_indices = #map}, {transform_indices = #map}, {transform_indices = #map}, {transform_indices = #map}, {transform_indices = #map}, {transform_indices = #map}, {transform_indices = #map}, {transform_indices = #map}, {transform_indices = #map}, {transform_indices = #map}, {transform_indices = #map}, {transform_indices = #map}, {transform_indices = #map}, {transform_indices = #map}, {transform_indices = #map}, {transform_indices = #map}, {transform_indices = #map}, {transform_indices = #map}, {transform_indices = #map}, {transform_indices = #map}, {transform_indices = #map}, {transform_indices = #map}, {transform_indices = #map}, {transform_indices = #map}, {transform_indices = #map}, {transform_indices = #map}, {transform_indices = #map}, {transform_indices = #map}, {transform_indices = #map}, {transform_indices = #map}, {transform_indices = #map}, {transform_indices = #map}, {transform_indices = #map}, {transform_indices = #map}, {transform_indices = #map}, {transform_indices = #map}, {transform_indices = #map1}, {transform_indices = #map}]} {
    %mul3A = arith.constant 2 : i32
    %mul3A_0 = arith.muli %arg1, %mul3A : i32
    %add3A = arith.addi %mul3A_0, %arg0 : i32
    %mul3A_1 = arith.constant 512 : i32
    %mul3A_2 = arith.muli %add3A, %mul3A_1 : i32
    "tpu.region"() ({
      %run_scoped3A = tpu.sem_alloc : memref<!tpu.dma_semaphore, #tpu.memory_space<semaphore_mem>>
      %dma_start3A_544 = tpu.memref_slice %arg2[%mul3A_2] : memref<16384xi32, #tpu.memory_space<hbm>> -> memref<512xi32, #tpu.memory_space<hbm>>
      %dma_start3A_545 = tpu.memref_slice %arg2[%mul3A_2] : memref<16384xi32, #tpu.memory_space<hbm>> -> memref<512xi32, #tpu.memory_space<hbm>>
      tpu.enqueue_dma source(%dma_start3A_545 : memref<512xi32, #tpu.memory_space<hbm>>) target(%arg40 : memref<512xi32, #tpu.memory_space<vmem>>) target_semaphore(%run_scoped3A : memref<!tpu.dma_semaphore, #tpu.memory_space<semaphore_mem>>)
      %dma_wait3A_546 = tpu.memref_slice %arg2[%mul3A_2] : memref<16384xi32, #tpu.memory_space<hbm>> -> memref<512xi32, #tpu.memory_space<hbm>>
      %dma_wait3A_547 = tpu.memref_slice %arg2[%mul3A_2] : memref<16384xi32, #tpu.memory_space<hbm>> -> memref<512xi32, #tpu.memory_space<hbm>>
      tpu.wait_dma2 semaphore(%run_scoped3A : memref<!tpu.dma_semaphore, #tpu.memory_space<semaphore_mem>>) src(%dma_wait3A_547 : memref<512xi32, #tpu.memory_space<hbm>>) dst(%arg40 : memref<512xi32, #tpu.memory_space<vmem>>)
      tpu.yield
    }) : () -> ()
    "tpu.region"() ({
      %run_scoped3A = tpu.sem_alloc : memref<!tpu.dma_semaphore, #tpu.memory_space<semaphore_mem>>
      %dma_start3A_544 = tpu.memref_slice %arg3[%mul3A_2] : memref<16384xi32, #tpu.memory_space<hbm>> -> memref<512xi32, #tpu.memory_space<hbm>>
      %dma_start3A_545 = tpu.memref_slice %arg3[%mul3A_2] : memref<16384xi32, #tpu.memory_space<hbm>> -> memref<512xi32, #tpu.memory_space<hbm>>
      tpu.enqueue_dma source(%dma_start3A_545 : memref<512xi32, #tpu.memory_space<hbm>>) target(%arg41 : memref<512xi32, #tpu.memory_space<vmem>>) target_semaphore(%run_scoped3A : memref<!tpu.dma_semaphore, #tpu.memory_space<semaphore_mem>>)
      %dma_wait3A_546 = tpu.memref_slice %arg3[%mul3A_2] : memref<16384xi32, #tpu.memory_space<hbm>> -> memref<512xi32, #tpu.memory_space<hbm>>
      %dma_wait3A_547 = tpu.memref_slice %arg3[%mul3A_2] : memref<16384xi32, #tpu.memory_space<hbm>> -> memref<512xi32, #tpu.memory_space<hbm>>
      tpu.wait_dma2 semaphore(%run_scoped3A : memref<!tpu.dma_semaphore, #tpu.memory_space<semaphore_mem>>) src(%dma_wait3A_547 : memref<512xi32, #tpu.memory_space<hbm>>) dst(%arg41 : memref<512xi32, #tpu.memory_space<vmem>>)
      tpu.yield
    }) : () -> ()
    %dma_start3A = arith.constant 0 : i32
    %dma_start3A_3 = arith.constant 0 : i32
    %dma_start3A_4 = tpu.memref_slice %arg42[%dma_start3A, %dma_start3A_3] : memref<16x512xf32, #tpu.memory_space<vmem>> -> memref<1x512xf32, #tpu.memory_space<vmem>>
    %dma_start3A_5 = tpu.memref_squeeze %dma_start3A_4 : memref<1x512xf32, #tpu.memory_space<vmem>> -> memref<512xf32, #tpu.memory_space<vmem>>
    %dma_start3A_6 = arith.constant 0 : i32
    %dma_start3A_7 = tpu.memref_slice %arg4[%dma_start3A_6] : memref<1000000xf32, #tpu.memory_space<hbm>> -> memref<1000000xf32, #tpu.memory_space<hbm>>
    tpu.enqueue_indirect_dma source(%dma_start3A_7 : memref<1000000xf32, #tpu.memory_space<hbm>>) target(%dma_start3A_5 : memref<512xf32, #tpu.memory_space<vmem>>) offsets(%arg40 : memref<512xi32, #tpu.memory_space<vmem>>) semaphore(%arg48 : memref<!tpu.dma_semaphore, #tpu.memory_space<semaphore_mem>>)
    %dma_start3A_8 = arith.constant 0 : i32
    %dma_start3A_9 = arith.constant 0 : i32
    %dma_start3A_10 = tpu.memref_slice %arg43[%dma_start3A_8, %dma_start3A_9] : memref<16x512xf32, #tpu.memory_space<vmem>> -> memref<1x512xf32, #tpu.memory_space<vmem>>
    %dma_start3A_11 = tpu.memref_squeeze %dma_start3A_10 : memref<1x512xf32, #tpu.memory_space<vmem>> -> memref<512xf32, #tpu.memory_space<vmem>>
    %dma_start3A_12 = arith.constant 0 : i32
    %dma_start3A_13 = tpu.memref_slice %arg20[%dma_start3A_12] : memref<1000000xf32, #tpu.memory_space<hbm>> -> memref<1000000xf32, #tpu.memory_space<hbm>>
    tpu.enqueue_indirect_dma source(%dma_start3A_13 : memref<1000000xf32, #tpu.memory_space<hbm>>) target(%dma_start3A_11 : memref<512xf32, #tpu.memory_space<vmem>>) offsets(%arg41 : memref<512xi32, #tpu.memory_space<vmem>>) semaphore(%arg48 : memref<!tpu.dma_semaphore, #tpu.memory_space<semaphore_mem>>)
    %dma_start3A_14 = arith.constant 1 : i32
    %dma_start3A_15 = arith.constant 0 : i32
    %dma_start3A_16 = tpu.memref_slice %arg42[%dma_start3A_14, %dma_start3A_15] : memref<16x512xf32, #tpu.memory_space<vmem>> -> memref<1x512xf32, #tpu.memory_space<vmem>>
    %dma_start3A_17 = tpu.memref_squeeze %dma_start3A_16 : memref<1x512xf32, #tpu.memory_space<vmem>> -> memref<512xf32, #tpu.memory_space<vmem>>
    %dma_start3A_18 = arith.constant 0 : i32
    %dma_start3A_19 = tpu.memref_slice %arg5[%dma_start3A_18] : memref<1000000xf32, #tpu.memory_space<hbm>> -> memref<1000000xf32, #tpu.memory_space<hbm>>
    tpu.enqueue_indirect_dma source(%dma_start3A_19 : memref<1000000xf32, #tpu.memory_space<hbm>>) target(%dma_start3A_17 : memref<512xf32, #tpu.memory_space<vmem>>) offsets(%arg40 : memref<512xi32, #tpu.memory_space<vmem>>) semaphore(%arg48 : memref<!tpu.dma_semaphore, #tpu.memory_space<semaphore_mem>>)
    %dma_start3A_20 = arith.constant 1 : i32
    %dma_start3A_21 = arith.constant 0 : i32
    %dma_start3A_22 = tpu.memref_slice %arg43[%dma_start3A_20, %dma_start3A_21] : memref<16x512xf32, #tpu.memory_space<vmem>> -> memref<1x512xf32, #tpu.memory_space<vmem>>
    %dma_start3A_23 = tpu.memref_squeeze %dma_start3A_22 : memref<1x512xf32, #tpu.memory_space<vmem>> -> memref<512xf32, #tpu.memory_space<vmem>>
    %dma_start3A_24 = arith.constant 0 : i32
    %dma_start3A_25 = tpu.memref_slice %arg21[%dma_start3A_24] : memref<1000000xf32, #tpu.memory_space<hbm>> -> memref<1000000xf32, #tpu.memory_space<hbm>>
    tpu.enqueue_indirect_dma source(%dma_start3A_25 : memref<1000000xf32, #tpu.memory_space<hbm>>) target(%dma_start3A_23 : memref<512xf32, #tpu.memory_space<vmem>>) offsets(%arg41 : memref<512xi32, #tpu.memory_space<vmem>>) semaphore(%arg48 : memref<!tpu.dma_semaphore, #tpu.memory_space<semaphore_mem>>)
    %dma_start3A_26 = arith.constant 2 : i32
    %dma_start3A_27 = arith.constant 0 : i32
    %dma_start3A_28 = tpu.memref_slice %arg42[%dma_start3A_26, %dma_start3A_27] : memref<16x512xf32, #tpu.memory_space<vmem>> -> memref<1x512xf32, #tpu.memory_space<vmem>>
    %dma_start3A_29 = tpu.memref_squeeze %dma_start3A_28 : memref<1x512xf32, #tpu.memory_space<vmem>> -> memref<512xf32, #tpu.memory_space<vmem>>
    %dma_start3A_30 = arith.constant 0 : i32
    %dma_start3A_31 = tpu.memref_slice %arg6[%dma_start3A_30] : memref<1000000xf32, #tpu.memory_space<hbm>> -> memref<1000000xf32, #tpu.memory_space<hbm>>
    tpu.enqueue_indirect_dma source(%dma_start3A_31 : memref<1000000xf32, #tpu.memory_space<hbm>>) target(%dma_start3A_29 : memref<512xf32, #tpu.memory_space<vmem>>) offsets(%arg40 : memref<512xi32, #tpu.memory_space<vmem>>) semaphore(%arg48 : memref<!tpu.dma_semaphore, #tpu.memory_space<semaphore_mem>>)
    %dma_start3A_32 = arith.constant 2 : i32
    %dma_start3A_33 = arith.constant 0 : i32
    %dma_start3A_34 = tpu.memref_slice %arg43[%dma_start3A_32, %dma_start3A_33] : memref<16x512xf32, #tpu.memory_space<vmem>> -> memref<1x512xf32, #tpu.memory_space<vmem>>
    %dma_start3A_35 = tpu.memref_squeeze %dma_start3A_34 : memref<1x512xf32, #tpu.memory_space<vmem>> -> memref<512xf32, #tpu.memory_space<vmem>>
    %dma_start3A_36 = arith.constant 0 : i32
    %dma_start3A_37 = tpu.memref_slice %arg22[%dma_start3A_36] : memref<1000000xf32, #tpu.memory_space<hbm>> -> memref<1000000xf32, #tpu.memory_space<hbm>>
    tpu.enqueue_indirect_dma source(%dma_start3A_37 : memref<1000000xf32, #tpu.memory_space<hbm>>) target(%dma_start3A_35 : memref<512xf32, #tpu.memory_space<vmem>>) offsets(%arg41 : memref<512xi32, #tpu.memory_space<vmem>>) semaphore(%arg48 : memref<!tpu.dma_semaphore, #tpu.memory_space<semaphore_mem>>)
    %dma_start3A_38 = arith.constant 3 : i32
    %dma_start3A_39 = arith.constant 0 : i32
    %dma_start3A_40 = tpu.memref_slice %arg42[%dma_start3A_38, %dma_start3A_39] : memref<16x512xf32, #tpu.memory_space<vmem>> -> memref<1x512xf32, #tpu.memory_space<vmem>>
    %dma_start3A_41 = tpu.memref_squeeze %dma_start3A_40 : memref<1x512xf32, #tpu.memory_space<vmem>> -> memref<512xf32, #tpu.memory_space<vmem>>
    %dma_start3A_42 = arith.constant 0 : i32
    %dma_start3A_43 = tpu.memref_slice %arg7[%dma_start3A_42] : memref<1000000xf32, #tpu.memory_space<hbm>> -> memref<1000000xf32, #tpu.memory_space<hbm>>
    tpu.enqueue_indirect_dma source(%dma_start3A_43 : memref<1000000xf32, #tpu.memory_space<hbm>>) target(%dma_start3A_41 : memref<512xf32, #tpu.memory_space<vmem>>) offsets(%arg40 : memref<512xi32, #tpu.memory_space<vmem>>) semaphore(%arg48 : memref<!tpu.dma_semaphore, #tpu.memory_space<semaphore_mem>>)
    %dma_start3A_44 = arith.constant 3 : i32
    %dma_start3A_45 = arith.constant 0 : i32
    %dma_start3A_46 = tpu.memref_slice %arg43[%dma_start3A_44, %dma_start3A_45] : memref<16x512xf32, #tpu.memory_space<vmem>> -> memref<1x512xf32, #tpu.memory_space<vmem>>
    %dma_start3A_47 = tpu.memref_squeeze %dma_start3A_46 : memref<1x512xf32, #tpu.memory_space<vmem>> -> memref<512xf32, #tpu.memory_space<vmem>>
    %dma_start3A_48 = arith.constant 0 : i32
    %dma_start3A_49 = tpu.memref_slice %arg23[%dma_start3A_48] : memref<1000000xf32, #tpu.memory_space<hbm>> -> memref<1000000xf32, #tpu.memory_space<hbm>>
    tpu.enqueue_indirect_dma source(%dma_start3A_49 : memref<1000000xf32, #tpu.memory_space<hbm>>) target(%dma_start3A_47 : memref<512xf32, #tpu.memory_space<vmem>>) offsets(%arg41 : memref<512xi32, #tpu.memory_space<vmem>>) semaphore(%arg48 : memref<!tpu.dma_semaphore, #tpu.memory_space<semaphore_mem>>)
    %dma_start3A_50 = arith.constant 4 : i32
    %dma_start3A_51 = arith.constant 0 : i32
    %dma_start3A_52 = tpu.memref_slice %arg42[%dma_start3A_50, %dma_start3A_51] : memref<16x512xf32, #tpu.memory_space<vmem>> -> memref<1x512xf32, #tpu.memory_space<vmem>>
    %dma_start3A_53 = tpu.memref_squeeze %dma_start3A_52 : memref<1x512xf32, #tpu.memory_space<vmem>> -> memref<512xf32, #tpu.memory_space<vmem>>
    %dma_start3A_54 = arith.constant 0 : i32
    %dma_start3A_55 = tpu.memref_slice %arg8[%dma_start3A_54] : memref<1000000xf32, #tpu.memory_space<hbm>> -> memref<1000000xf32, #tpu.memory_space<hbm>>
    tpu.enqueue_indirect_dma source(%dma_start3A_55 : memref<1000000xf32, #tpu.memory_space<hbm>>) target(%dma_start3A_53 : memref<512xf32, #tpu.memory_space<vmem>>) offsets(%arg40 : memref<512xi32, #tpu.memory_space<vmem>>) semaphore(%arg48 : memref<!tpu.dma_semaphore, #tpu.memory_space<semaphore_mem>>)
    %dma_start3A_56 = arith.constant 4 : i32
    %dma_start3A_57 = arith.constant 0 : i32
    %dma_start3A_58 = tpu.memref_slice %arg43[%dma_start3A_56, %dma_start3A_57] : memref<16x512xf32, #tpu.memory_space<vmem>> -> memref<1x512xf32, #tpu.memory_space<vmem>>
    %dma_start3A_59 = tpu.memref_squeeze %dma_start3A_58 : memref<1x512xf32, #tpu.memory_space<vmem>> -> memref<512xf32, #tpu.memory_space<vmem>>
    %dma_start3A_60 = arith.constant 0 : i32
    %dma_start3A_61 = tpu.memref_slice %arg24[%dma_start3A_60] : memref<1000000xf32, #tpu.memory_space<hbm>> -> memref<1000000xf32, #tpu.memory_space<hbm>>
    tpu.enqueue_indirect_dma source(%dma_start3A_61 : memref<1000000xf32, #tpu.memory_space<hbm>>) target(%dma_start3A_59 : memref<512xf32, #tpu.memory_space<vmem>>) offsets(%arg41 : memref<512xi32, #tpu.memory_space<vmem>>) semaphore(%arg48 : memref<!tpu.dma_semaphore, #tpu.memory_space<semaphore_mem>>)
    %dma_start3A_62 = arith.constant 5 : i32
    %dma_start3A_63 = arith.constant 0 : i32
    %dma_start3A_64 = tpu.memref_slice %arg42[%dma_start3A_62, %dma_start3A_63] : memref<16x512xf32, #tpu.memory_space<vmem>> -> memref<1x512xf32, #tpu.memory_space<vmem>>
    %dma_start3A_65 = tpu.memref_squeeze %dma_start3A_64 : memref<1x512xf32, #tpu.memory_space<vmem>> -> memref<512xf32, #tpu.memory_space<vmem>>
    %dma_start3A_66 = arith.constant 0 : i32
    %dma_start3A_67 = tpu.memref_slice %arg9[%dma_start3A_66] : memref<1000000xf32, #tpu.memory_space<hbm>> -> memref<1000000xf32, #tpu.memory_space<hbm>>
    tpu.enqueue_indirect_dma source(%dma_start3A_67 : memref<1000000xf32, #tpu.memory_space<hbm>>) target(%dma_start3A_65 : memref<512xf32, #tpu.memory_space<vmem>>) offsets(%arg40 : memref<512xi32, #tpu.memory_space<vmem>>) semaphore(%arg48 : memref<!tpu.dma_semaphore, #tpu.memory_space<semaphore_mem>>)
    %dma_start3A_68 = arith.constant 5 : i32
    %dma_start3A_69 = arith.constant 0 : i32
    %dma_start3A_70 = tpu.memref_slice %arg43[%dma_start3A_68, %dma_start3A_69] : memref<16x512xf32, #tpu.memory_space<vmem>> -> memref<1x512xf32, #tpu.memory_space<vmem>>
    %dma_start3A_71 = tpu.memref_squeeze %dma_start3A_70 : memref<1x512xf32, #tpu.memory_space<vmem>> -> memref<512xf32, #tpu.memory_space<vmem>>
    %dma_start3A_72 = arith.constant 0 : i32
    %dma_start3A_73 = tpu.memref_slice %arg25[%dma_start3A_72] : memref<1000000xf32, #tpu.memory_space<hbm>> -> memref<1000000xf32, #tpu.memory_space<hbm>>
    tpu.enqueue_indirect_dma source(%dma_start3A_73 : memref<1000000xf32, #tpu.memory_space<hbm>>) target(%dma_start3A_71 : memref<512xf32, #tpu.memory_space<vmem>>) offsets(%arg41 : memref<512xi32, #tpu.memory_space<vmem>>) semaphore(%arg48 : memref<!tpu.dma_semaphore, #tpu.memory_space<semaphore_mem>>)
    %dma_start3A_74 = arith.constant 6 : i32
    %dma_start3A_75 = arith.constant 0 : i32
    %dma_start3A_76 = tpu.memref_slice %arg42[%dma_start3A_74, %dma_start3A_75] : memref<16x512xf32, #tpu.memory_space<vmem>> -> memref<1x512xf32, #tpu.memory_space<vmem>>
    %dma_start3A_77 = tpu.memref_squeeze %dma_start3A_76 : memref<1x512xf32, #tpu.memory_space<vmem>> -> memref<512xf32, #tpu.memory_space<vmem>>
    %dma_start3A_78 = arith.constant 0 : i32
    %dma_start3A_79 = tpu.memref_slice %arg10[%dma_start3A_78] : memref<1000000xf32, #tpu.memory_space<hbm>> -> memref<1000000xf32, #tpu.memory_space<hbm>>
    tpu.enqueue_indirect_dma source(%dma_start3A_79 : memref<1000000xf32, #tpu.memory_space<hbm>>) target(%dma_start3A_77 : memref<512xf32, #tpu.memory_space<vmem>>) offsets(%arg40 : memref<512xi32, #tpu.memory_space<vmem>>) semaphore(%arg48 : memref<!tpu.dma_semaphore, #tpu.memory_space<semaphore_mem>>)
    %dma_start3A_80 = arith.constant 6 : i32
    %dma_start3A_81 = arith.constant 0 : i32
    %dma_start3A_82 = tpu.memref_slice %arg43[%dma_start3A_80, %dma_start3A_81] : memref<16x512xf32, #tpu.memory_space<vmem>> -> memref<1x512xf32, #tpu.memory_space<vmem>>
    %dma_start3A_83 = tpu.memref_squeeze %dma_start3A_82 : memref<1x512xf32, #tpu.memory_space<vmem>> -> memref<512xf32, #tpu.memory_space<vmem>>
    %dma_start3A_84 = arith.constant 0 : i32
    %dma_start3A_85 = tpu.memref_slice %arg26[%dma_start3A_84] : memref<1000000xf32, #tpu.memory_space<hbm>> -> memref<1000000xf32, #tpu.memory_space<hbm>>
    tpu.enqueue_indirect_dma source(%dma_start3A_85 : memref<1000000xf32, #tpu.memory_space<hbm>>) target(%dma_start3A_83 : memref<512xf32, #tpu.memory_space<vmem>>) offsets(%arg41 : memref<512xi32, #tpu.memory_space<vmem>>) semaphore(%arg48 : memref<!tpu.dma_semaphore, #tpu.memory_space<semaphore_mem>>)
    %dma_start3A_86 = arith.constant 7 : i32
    %dma_start3A_87 = arith.constant 0 : i32
    %dma_start3A_88 = tpu.memref_slice %arg42[%dma_start3A_86, %dma_start3A_87] : memref<16x512xf32, #tpu.memory_space<vmem>> -> memref<1x512xf32, #tpu.memory_space<vmem>>
    %dma_start3A_89 = tpu.memref_squeeze %dma_start3A_88 : memref<1x512xf32, #tpu.memory_space<vmem>> -> memref<512xf32, #tpu.memory_space<vmem>>
    %dma_start3A_90 = arith.constant 0 : i32
    %dma_start3A_91 = tpu.memref_slice %arg11[%dma_start3A_90] : memref<1000000xf32, #tpu.memory_space<hbm>> -> memref<1000000xf32, #tpu.memory_space<hbm>>
    tpu.enqueue_indirect_dma source(%dma_start3A_91 : memref<1000000xf32, #tpu.memory_space<hbm>>) target(%dma_start3A_89 : memref<512xf32, #tpu.memory_space<vmem>>) offsets(%arg40 : memref<512xi32, #tpu.memory_space<vmem>>) semaphore(%arg48 : memref<!tpu.dma_semaphore, #tpu.memory_space<semaphore_mem>>)
    %dma_start3A_92 = arith.constant 7 : i32
    %dma_start3A_93 = arith.constant 0 : i32
    %dma_start3A_94 = tpu.memref_slice %arg43[%dma_start3A_92, %dma_start3A_93] : memref<16x512xf32, #tpu.memory_space<vmem>> -> memref<1x512xf32, #tpu.memory_space<vmem>>
    %dma_start3A_95 = tpu.memref_squeeze %dma_start3A_94 : memref<1x512xf32, #tpu.memory_space<vmem>> -> memref<512xf32, #tpu.memory_space<vmem>>
    %dma_start3A_96 = arith.constant 0 : i32
    %dma_start3A_97 = tpu.memref_slice %arg27[%dma_start3A_96] : memref<1000000xf32, #tpu.memory_space<hbm>> -> memref<1000000xf32, #tpu.memory_space<hbm>>
    tpu.enqueue_indirect_dma source(%dma_start3A_97 : memref<1000000xf32, #tpu.memory_space<hbm>>) target(%dma_start3A_95 : memref<512xf32, #tpu.memory_space<vmem>>) offsets(%arg41 : memref<512xi32, #tpu.memory_space<vmem>>) semaphore(%arg48 : memref<!tpu.dma_semaphore, #tpu.memory_space<semaphore_mem>>)
    %dma_start3A_98 = arith.constant 8 : i32
    %dma_start3A_99 = arith.constant 0 : i32
    %dma_start3A_100 = tpu.memref_slice %arg42[%dma_start3A_98, %dma_start3A_99] : memref<16x512xf32, #tpu.memory_space<vmem>> -> memref<1x512xf32, #tpu.memory_space<vmem>>
    %dma_start3A_101 = tpu.memref_squeeze %dma_start3A_100 : memref<1x512xf32, #tpu.memory_space<vmem>> -> memref<512xf32, #tpu.memory_space<vmem>>
    %dma_start3A_102 = arith.constant 0 : i32
    %dma_start3A_103 = tpu.memref_slice %arg12[%dma_start3A_102] : memref<1000000xf32, #tpu.memory_space<hbm>> -> memref<1000000xf32, #tpu.memory_space<hbm>>
    tpu.enqueue_indirect_dma source(%dma_start3A_103 : memref<1000000xf32, #tpu.memory_space<hbm>>) target(%dma_start3A_101 : memref<512xf32, #tpu.memory_space<vmem>>) offsets(%arg40 : memref<512xi32, #tpu.memory_space<vmem>>) semaphore(%arg48 : memref<!tpu.dma_semaphore, #tpu.memory_space<semaphore_mem>>)
    %dma_start3A_104 = arith.constant 8 : i32
    %dma_start3A_105 = arith.constant 0 : i32
    %dma_start3A_106 = tpu.memref_slice %arg43[%dma_start3A_104, %dma_start3A_105] : memref<16x512xf32, #tpu.memory_space<vmem>> -> memref<1x512xf32, #tpu.memory_space<vmem>>
    %dma_start3A_107 = tpu.memref_squeeze %dma_start3A_106 : memref<1x512xf32, #tpu.memory_space<vmem>> -> memref<512xf32, #tpu.memory_space<vmem>>
    %dma_start3A_108 = arith.constant 0 : i32
    %dma_start3A_109 = tpu.memref_slice %arg28[%dma_start3A_108] : memref<1000000xf32, #tpu.memory_space<hbm>> -> memref<1000000xf32, #tpu.memory_space<hbm>>
    tpu.enqueue_indirect_dma source(%dma_start3A_109 : memref<1000000xf32, #tpu.memory_space<hbm>>) target(%dma_start3A_107 : memref<512xf32, #tpu.memory_space<vmem>>) offsets(%arg41 : memref<512xi32, #tpu.memory_space<vmem>>) semaphore(%arg48 : memref<!tpu.dma_semaphore, #tpu.memory_space<semaphore_mem>>)
    %dma_start3A_110 = arith.constant 9 : i32
    %dma_start3A_111 = arith.constant 0 : i32
    %dma_start3A_112 = tpu.memref_slice %arg42[%dma_start3A_110, %dma_start3A_111] : memref<16x512xf32, #tpu.memory_space<vmem>> -> memref<1x512xf32, #tpu.memory_space<vmem>>
    %dma_start3A_113 = tpu.memref_squeeze %dma_start3A_112 : memref<1x512xf32, #tpu.memory_space<vmem>> -> memref<512xf32, #tpu.memory_space<vmem>>
    %dma_start3A_114 = arith.constant 0 : i32
    %dma_start3A_115 = tpu.memref_slice %arg13[%dma_start3A_114] : memref<1000000xf32, #tpu.memory_space<hbm>> -> memref<1000000xf32, #tpu.memory_space<hbm>>
    tpu.enqueue_indirect_dma source(%dma_start3A_115 : memref<1000000xf32, #tpu.memory_space<hbm>>) target(%dma_start3A_113 : memref<512xf32, #tpu.memory_space<vmem>>) offsets(%arg40 : memref<512xi32, #tpu.memory_space<vmem>>) semaphore(%arg48 : memref<!tpu.dma_semaphore, #tpu.memory_space<semaphore_mem>>)
    %dma_start3A_116 = arith.constant 9 : i32
    %dma_start3A_117 = arith.constant 0 : i32
    %dma_start3A_118 = tpu.memref_slice %arg43[%dma_start3A_116, %dma_start3A_117] : memref<16x512xf32, #tpu.memory_space<vmem>> -> memref<1x512xf32, #tpu.memory_space<vmem>>
    %dma_start3A_119 = tpu.memref_squeeze %dma_start3A_118 : memref<1x512xf32, #tpu.memory_space<vmem>> -> memref<512xf32, #tpu.memory_space<vmem>>
    %dma_start3A_120 = arith.constant 0 : i32
    %dma_start3A_121 = tpu.memref_slice %arg29[%dma_start3A_120] : memref<1000000xf32, #tpu.memory_space<hbm>> -> memref<1000000xf32, #tpu.memory_space<hbm>>
    tpu.enqueue_indirect_dma source(%dma_start3A_121 : memref<1000000xf32, #tpu.memory_space<hbm>>) target(%dma_start3A_119 : memref<512xf32, #tpu.memory_space<vmem>>) offsets(%arg41 : memref<512xi32, #tpu.memory_space<vmem>>) semaphore(%arg48 : memref<!tpu.dma_semaphore, #tpu.memory_space<semaphore_mem>>)
    %dma_start3A_122 = arith.constant 10 : i32
    %dma_start3A_123 = arith.constant 0 : i32
    %dma_start3A_124 = tpu.memref_slice %arg42[%dma_start3A_122, %dma_start3A_123] : memref<16x512xf32, #tpu.memory_space<vmem>> -> memref<1x512xf32, #tpu.memory_space<vmem>>
    %dma_start3A_125 = tpu.memref_squeeze %dma_start3A_124 : memref<1x512xf32, #tpu.memory_space<vmem>> -> memref<512xf32, #tpu.memory_space<vmem>>
    %dma_start3A_126 = arith.constant 0 : i32
    %dma_start3A_127 = tpu.memref_slice %arg14[%dma_start3A_126] : memref<1000000xf32, #tpu.memory_space<hbm>> -> memref<1000000xf32, #tpu.memory_space<hbm>>
    tpu.enqueue_indirect_dma source(%dma_start3A_127 : memref<1000000xf32, #tpu.memory_space<hbm>>) target(%dma_start3A_125 : memref<512xf32, #tpu.memory_space<vmem>>) offsets(%arg40 : memref<512xi32, #tpu.memory_space<vmem>>) semaphore(%arg48 : memref<!tpu.dma_semaphore, #tpu.memory_space<semaphore_mem>>)
    %dma_start3A_128 = arith.constant 10 : i32
    %dma_start3A_129 = arith.constant 0 : i32
    %dma_start3A_130 = tpu.memref_slice %arg43[%dma_start3A_128, %dma_start3A_129] : memref<16x512xf32, #tpu.memory_space<vmem>> -> memref<1x512xf32, #tpu.memory_space<vmem>>
    %dma_start3A_131 = tpu.memref_squeeze %dma_start3A_130 : memref<1x512xf32, #tpu.memory_space<vmem>> -> memref<512xf32, #tpu.memory_space<vmem>>
    %dma_start3A_132 = arith.constant 0 : i32
    %dma_start3A_133 = tpu.memref_slice %arg30[%dma_start3A_132] : memref<1000000xf32, #tpu.memory_space<hbm>> -> memref<1000000xf32, #tpu.memory_space<hbm>>
    tpu.enqueue_indirect_dma source(%dma_start3A_133 : memref<1000000xf32, #tpu.memory_space<hbm>>) target(%dma_start3A_131 : memref<512xf32, #tpu.memory_space<vmem>>) offsets(%arg41 : memref<512xi32, #tpu.memory_space<vmem>>) semaphore(%arg48 : memref<!tpu.dma_semaphore, #tpu.memory_space<semaphore_mem>>)
    %dma_start3A_134 = arith.constant 11 : i32
    %dma_start3A_135 = arith.constant 0 : i32
    %dma_start3A_136 = tpu.memref_slice %arg42[%dma_start3A_134, %dma_start3A_135] : memref<16x512xf32, #tpu.memory_space<vmem>> -> memref<1x512xf32, #tpu.memory_space<vmem>>
    %dma_start3A_137 = tpu.memref_squeeze %dma_start3A_136 : memref<1x512xf32, #tpu.memory_space<vmem>> -> memref<512xf32, #tpu.memory_space<vmem>>
    %dma_start3A_138 = arith.constant 0 : i32
    %dma_start3A_139 = tpu.memref_slice %arg15[%dma_start3A_138] : memref<1000000xf32, #tpu.memory_space<hbm>> -> memref<1000000xf32, #tpu.memory_space<hbm>>
    tpu.enqueue_indirect_dma source(%dma_start3A_139 : memref<1000000xf32, #tpu.memory_space<hbm>>) target(%dma_start3A_137 : memref<512xf32, #tpu.memory_space<vmem>>) offsets(%arg40 : memref<512xi32, #tpu.memory_space<vmem>>) semaphore(%arg48 : memref<!tpu.dma_semaphore, #tpu.memory_space<semaphore_mem>>)
    %dma_start3A_140 = arith.constant 11 : i32
    %dma_start3A_141 = arith.constant 0 : i32
    %dma_start3A_142 = tpu.memref_slice %arg43[%dma_start3A_140, %dma_start3A_141] : memref<16x512xf32, #tpu.memory_space<vmem>> -> memref<1x512xf32, #tpu.memory_space<vmem>>
    %dma_start3A_143 = tpu.memref_squeeze %dma_start3A_142 : memref<1x512xf32, #tpu.memory_space<vmem>> -> memref<512xf32, #tpu.memory_space<vmem>>
    %dma_start3A_144 = arith.constant 0 : i32
    %dma_start3A_145 = tpu.memref_slice %arg31[%dma_start3A_144] : memref<1000000xf32, #tpu.memory_space<hbm>> -> memref<1000000xf32, #tpu.memory_space<hbm>>
    tpu.enqueue_indirect_dma source(%dma_start3A_145 : memref<1000000xf32, #tpu.memory_space<hbm>>) target(%dma_start3A_143 : memref<512xf32, #tpu.memory_space<vmem>>) offsets(%arg41 : memref<512xi32, #tpu.memory_space<vmem>>) semaphore(%arg48 : memref<!tpu.dma_semaphore, #tpu.memory_space<semaphore_mem>>)
    %dma_start3A_146 = arith.constant 12 : i32
    %dma_start3A_147 = arith.constant 0 : i32
    %dma_start3A_148 = tpu.memref_slice %arg42[%dma_start3A_146, %dma_start3A_147] : memref<16x512xf32, #tpu.memory_space<vmem>> -> memref<1x512xf32, #tpu.memory_space<vmem>>
    %dma_start3A_149 = tpu.memref_squeeze %dma_start3A_148 : memref<1x512xf32, #tpu.memory_space<vmem>> -> memref<512xf32, #tpu.memory_space<vmem>>
    %dma_start3A_150 = arith.constant 0 : i32
    %dma_start3A_151 = tpu.memref_slice %arg16[%dma_start3A_150] : memref<1000000xf32, #tpu.memory_space<hbm>> -> memref<1000000xf32, #tpu.memory_space<hbm>>
    tpu.enqueue_indirect_dma source(%dma_start3A_151 : memref<1000000xf32, #tpu.memory_space<hbm>>) target(%dma_start3A_149 : memref<512xf32, #tpu.memory_space<vmem>>) offsets(%arg40 : memref<512xi32, #tpu.memory_space<vmem>>) semaphore(%arg48 : memref<!tpu.dma_semaphore, #tpu.memory_space<semaphore_mem>>)
    %dma_start3A_152 = arith.constant 12 : i32
    %dma_start3A_153 = arith.constant 0 : i32
    %dma_start3A_154 = tpu.memref_slice %arg43[%dma_start3A_152, %dma_start3A_153] : memref<16x512xf32, #tpu.memory_space<vmem>> -> memref<1x512xf32, #tpu.memory_space<vmem>>
    %dma_start3A_155 = tpu.memref_squeeze %dma_start3A_154 : memref<1x512xf32, #tpu.memory_space<vmem>> -> memref<512xf32, #tpu.memory_space<vmem>>
    %dma_start3A_156 = arith.constant 0 : i32
    %dma_start3A_157 = tpu.memref_slice %arg32[%dma_start3A_156] : memref<1000000xf32, #tpu.memory_space<hbm>> -> memref<1000000xf32, #tpu.memory_space<hbm>>
    tpu.enqueue_indirect_dma source(%dma_start3A_157 : memref<1000000xf32, #tpu.memory_space<hbm>>) target(%dma_start3A_155 : memref<512xf32, #tpu.memory_space<vmem>>) offsets(%arg41 : memref<512xi32, #tpu.memory_space<vmem>>) semaphore(%arg48 : memref<!tpu.dma_semaphore, #tpu.memory_space<semaphore_mem>>)
    %dma_start3A_158 = arith.constant 13 : i32
    %dma_start3A_159 = arith.constant 0 : i32
    %dma_start3A_160 = tpu.memref_slice %arg42[%dma_start3A_158, %dma_start3A_159] : memref<16x512xf32, #tpu.memory_space<vmem>> -> memref<1x512xf32, #tpu.memory_space<vmem>>
    %dma_start3A_161 = tpu.memref_squeeze %dma_start3A_160 : memref<1x512xf32, #tpu.memory_space<vmem>> -> memref<512xf32, #tpu.memory_space<vmem>>
    %dma_start3A_162 = arith.constant 0 : i32
    %dma_start3A_163 = tpu.memref_slice %arg17[%dma_start3A_162] : memref<1000000xf32, #tpu.memory_space<hbm>> -> memref<1000000xf32, #tpu.memory_space<hbm>>
    tpu.enqueue_indirect_dma source(%dma_start3A_163 : memref<1000000xf32, #tpu.memory_space<hbm>>) target(%dma_start3A_161 : memref<512xf32, #tpu.memory_space<vmem>>) offsets(%arg40 : memref<512xi32, #tpu.memory_space<vmem>>) semaphore(%arg48 : memref<!tpu.dma_semaphore, #tpu.memory_space<semaphore_mem>>)
    %dma_start3A_164 = arith.constant 13 : i32
    %dma_start3A_165 = arith.constant 0 : i32
    %dma_start3A_166 = tpu.memref_slice %arg43[%dma_start3A_164, %dma_start3A_165] : memref<16x512xf32, #tpu.memory_space<vmem>> -> memref<1x512xf32, #tpu.memory_space<vmem>>
    %dma_start3A_167 = tpu.memref_squeeze %dma_start3A_166 : memref<1x512xf32, #tpu.memory_space<vmem>> -> memref<512xf32, #tpu.memory_space<vmem>>
    %dma_start3A_168 = arith.constant 0 : i32
    %dma_start3A_169 = tpu.memref_slice %arg33[%dma_start3A_168] : memref<1000000xf32, #tpu.memory_space<hbm>> -> memref<1000000xf32, #tpu.memory_space<hbm>>
    tpu.enqueue_indirect_dma source(%dma_start3A_169 : memref<1000000xf32, #tpu.memory_space<hbm>>) target(%dma_start3A_167 : memref<512xf32, #tpu.memory_space<vmem>>) offsets(%arg41 : memref<512xi32, #tpu.memory_space<vmem>>) semaphore(%arg48 : memref<!tpu.dma_semaphore, #tpu.memory_space<semaphore_mem>>)
    %dma_start3A_170 = arith.constant 14 : i32
    %dma_start3A_171 = arith.constant 0 : i32
    %dma_start3A_172 = tpu.memref_slice %arg42[%dma_start3A_170, %dma_start3A_171] : memref<16x512xf32, #tpu.memory_space<vmem>> -> memref<1x512xf32, #tpu.memory_space<vmem>>
    %dma_start3A_173 = tpu.memref_squeeze %dma_start3A_172 : memref<1x512xf32, #tpu.memory_space<vmem>> -> memref<512xf32, #tpu.memory_space<vmem>>
    %dma_start3A_174 = arith.constant 0 : i32
    %dma_start3A_175 = tpu.memref_slice %arg18[%dma_start3A_174] : memref<1000000xf32, #tpu.memory_space<hbm>> -> memref<1000000xf32, #tpu.memory_space<hbm>>
    tpu.enqueue_indirect_dma source(%dma_start3A_175 : memref<1000000xf32, #tpu.memory_space<hbm>>) target(%dma_start3A_173 : memref<512xf32, #tpu.memory_space<vmem>>) offsets(%arg40 : memref<512xi32, #tpu.memory_space<vmem>>) semaphore(%arg48 : memref<!tpu.dma_semaphore, #tpu.memory_space<semaphore_mem>>)
    %dma_start3A_176 = arith.constant 14 : i32
    %dma_start3A_177 = arith.constant 0 : i32
    %dma_start3A_178 = tpu.memref_slice %arg43[%dma_start3A_176, %dma_start3A_177] : memref<16x512xf32, #tpu.memory_space<vmem>> -> memref<1x512xf32, #tpu.memory_space<vmem>>
    %dma_start3A_179 = tpu.memref_squeeze %dma_start3A_178 : memref<1x512xf32, #tpu.memory_space<vmem>> -> memref<512xf32, #tpu.memory_space<vmem>>
    %dma_start3A_180 = arith.constant 0 : i32
    %dma_start3A_181 = tpu.memref_slice %arg34[%dma_start3A_180] : memref<1000000xf32, #tpu.memory_space<hbm>> -> memref<1000000xf32, #tpu.memory_space<hbm>>
    tpu.enqueue_indirect_dma source(%dma_start3A_181 : memref<1000000xf32, #tpu.memory_space<hbm>>) target(%dma_start3A_179 : memref<512xf32, #tpu.memory_space<vmem>>) offsets(%arg41 : memref<512xi32, #tpu.memory_space<vmem>>) semaphore(%arg48 : memref<!tpu.dma_semaphore, #tpu.memory_space<semaphore_mem>>)
    %dma_start3A_182 = arith.constant 15 : i32
    %dma_start3A_183 = arith.constant 0 : i32
    %dma_start3A_184 = tpu.memref_slice %arg42[%dma_start3A_182, %dma_start3A_183] : memref<16x512xf32, #tpu.memory_space<vmem>> -> memref<1x512xf32, #tpu.memory_space<vmem>>
    %dma_start3A_185 = tpu.memref_squeeze %dma_start3A_184 : memref<1x512xf32, #tpu.memory_space<vmem>> -> memref<512xf32, #tpu.memory_space<vmem>>
    %dma_start3A_186 = arith.constant 0 : i32
    %dma_start3A_187 = tpu.memref_slice %arg19[%dma_start3A_186] : memref<1000000xf32, #tpu.memory_space<hbm>> -> memref<1000000xf32, #tpu.memory_space<hbm>>
    tpu.enqueue_indirect_dma source(%dma_start3A_187 : memref<1000000xf32, #tpu.memory_space<hbm>>) target(%dma_start3A_185 : memref<512xf32, #tpu.memory_space<vmem>>) offsets(%arg40 : memref<512xi32, #tpu.memory_space<vmem>>) semaphore(%arg48 : memref<!tpu.dma_semaphore, #tpu.memory_space<semaphore_mem>>)
    %dma_start3A_188 = arith.constant 15 : i32
    %dma_start3A_189 = arith.constant 0 : i32
    %dma_start3A_190 = tpu.memref_slice %arg43[%dma_start3A_188, %dma_start3A_189] : memref<16x512xf32, #tpu.memory_space<vmem>> -> memref<1x512xf32, #tpu.memory_space<vmem>>
    %dma_start3A_191 = tpu.memref_squeeze %dma_start3A_190 : memref<1x512xf32, #tpu.memory_space<vmem>> -> memref<512xf32, #tpu.memory_space<vmem>>
    %dma_start3A_192 = arith.constant 0 : i32
    %dma_start3A_193 = tpu.memref_slice %arg35[%dma_start3A_192] : memref<1000000xf32, #tpu.memory_space<hbm>> -> memref<1000000xf32, #tpu.memory_space<hbm>>
    tpu.enqueue_indirect_dma source(%dma_start3A_193 : memref<1000000xf32, #tpu.memory_space<hbm>>) target(%dma_start3A_191 : memref<512xf32, #tpu.memory_space<vmem>>) offsets(%arg41 : memref<512xi32, #tpu.memory_space<vmem>>) semaphore(%arg48 : memref<!tpu.dma_semaphore, #tpu.memory_space<semaphore_mem>>)
    %dma_start3A_194 = arith.constant 0 : i32
    %dma_start3A_195 = tpu.memref_slice %arg36[%dma_start3A_194] : memref<1000000xf32, #tpu.memory_space<hbm>> -> memref<1000000xf32, #tpu.memory_space<hbm>>
    tpu.enqueue_indirect_dma source(%dma_start3A_195 : memref<1000000xf32, #tpu.memory_space<hbm>>) target(%arg44 : memref<512xf32, #tpu.memory_space<vmem>>) offsets(%arg40 : memref<512xi32, #tpu.memory_space<vmem>>) semaphore(%arg48 : memref<!tpu.dma_semaphore, #tpu.memory_space<semaphore_mem>>)
    %dma_start3A_196 = arith.constant 0 : i32
    %dma_start3A_197 = tpu.memref_slice %arg37[%dma_start3A_196] : memref<1000000xf32, #tpu.memory_space<hbm>> -> memref<1000000xf32, #tpu.memory_space<hbm>>
    tpu.enqueue_indirect_dma source(%dma_start3A_197 : memref<1000000xf32, #tpu.memory_space<hbm>>) target(%arg45 : memref<512xf32, #tpu.memory_space<vmem>>) offsets(%arg41 : memref<512xi32, #tpu.memory_space<vmem>>) semaphore(%arg48 : memref<!tpu.dma_semaphore, #tpu.memory_space<semaphore_mem>>)
    %dma_wait3A = arith.constant 0 : i32
    %dma_wait3A_198 = arith.constant 0 : i32
    %dma_wait3A_199 = tpu.memref_slice %arg42[%dma_wait3A, %dma_wait3A_198] : memref<16x512xf32, #tpu.memory_space<vmem>> -> memref<1x512xf32, #tpu.memory_space<vmem>>
    %dma_wait3A_200 = tpu.memref_squeeze %dma_wait3A_199 : memref<1x512xf32, #tpu.memory_space<vmem>> -> memref<512xf32, #tpu.memory_space<vmem>>
    %dma_wait3A_201 = arith.constant 0 : i32
    %dma_wait3A_202 = tpu.memref_slice %arg4[%dma_wait3A_201] : memref<1000000xf32, #tpu.memory_space<hbm>> -> memref<1000000xf32, #tpu.memory_space<hbm>>
    tpu.wait_indirect_dma semaphore(%arg48 : memref<!tpu.dma_semaphore, #tpu.memory_space<semaphore_mem>>) src(%dma_wait3A_202 : memref<1000000xf32, #tpu.memory_space<hbm>>) dst(%dma_wait3A_200 : memref<512xf32, #tpu.memory_space<vmem>>)
    %dma_wait3A_203 = arith.constant 0 : i32
    %dma_wait3A_204 = arith.constant 0 : i32
    %dma_wait3A_205 = tpu.memref_slice %arg43[%dma_wait3A_203, %dma_wait3A_204] : memref<16x512xf32, #tpu.memory_space<vmem>> -> memref<1x512xf32, #tpu.memory_space<vmem>>
    %dma_wait3A_206 = tpu.memref_squeeze %dma_wait3A_205 : memref<1x512xf32, #tpu.memory_space<vmem>> -> memref<512xf32, #tpu.memory_space<vmem>>
    %dma_wait3A_207 = arith.constant 0 : i32
    %dma_wait3A_208 = tpu.memref_slice %arg20[%dma_wait3A_207] : memref<1000000xf32, #tpu.memory_space<hbm>> -> memref<1000000xf32, #tpu.memory_space<hbm>>
    tpu.wait_indirect_dma semaphore(%arg48 : memref<!tpu.dma_semaphore, #tpu.memory_space<semaphore_mem>>) src(%dma_wait3A_208 : memref<1000000xf32, #tpu.memory_space<hbm>>) dst(%dma_wait3A_206 : memref<512xf32, #tpu.memory_space<vmem>>)
    %dma_wait3A_209 = arith.constant 1 : i32
    %dma_wait3A_210 = arith.constant 0 : i32
    %dma_wait3A_211 = tpu.memref_slice %arg42[%dma_wait3A_209, %dma_wait3A_210] : memref<16x512xf32, #tpu.memory_space<vmem>> -> memref<1x512xf32, #tpu.memory_space<vmem>>
    %dma_wait3A_212 = tpu.memref_squeeze %dma_wait3A_211 : memref<1x512xf32, #tpu.memory_space<vmem>> -> memref<512xf32, #tpu.memory_space<vmem>>
    %dma_wait3A_213 = arith.constant 0 : i32
    %dma_wait3A_214 = tpu.memref_slice %arg5[%dma_wait3A_213] : memref<1000000xf32, #tpu.memory_space<hbm>> -> memref<1000000xf32, #tpu.memory_space<hbm>>
    tpu.wait_indirect_dma semaphore(%arg48 : memref<!tpu.dma_semaphore, #tpu.memory_space<semaphore_mem>>) src(%dma_wait3A_214 : memref<1000000xf32, #tpu.memory_space<hbm>>) dst(%dma_wait3A_212 : memref<512xf32, #tpu.memory_space<vmem>>)
    %dma_wait3A_215 = arith.constant 1 : i32
    %dma_wait3A_216 = arith.constant 0 : i32
    %dma_wait3A_217 = tpu.memref_slice %arg43[%dma_wait3A_215, %dma_wait3A_216] : memref<16x512xf32, #tpu.memory_space<vmem>> -> memref<1x512xf32, #tpu.memory_space<vmem>>
    %dma_wait3A_218 = tpu.memref_squeeze %dma_wait3A_217 : memref<1x512xf32, #tpu.memory_space<vmem>> -> memref<512xf32, #tpu.memory_space<vmem>>
    %dma_wait3A_219 = arith.constant 0 : i32
    %dma_wait3A_220 = tpu.memref_slice %arg21[%dma_wait3A_219] : memref<1000000xf32, #tpu.memory_space<hbm>> -> memref<1000000xf32, #tpu.memory_space<hbm>>
    tpu.wait_indirect_dma semaphore(%arg48 : memref<!tpu.dma_semaphore, #tpu.memory_space<semaphore_mem>>) src(%dma_wait3A_220 : memref<1000000xf32, #tpu.memory_space<hbm>>) dst(%dma_wait3A_218 : memref<512xf32, #tpu.memory_space<vmem>>)
    %dma_wait3A_221 = arith.constant 2 : i32
    %dma_wait3A_222 = arith.constant 0 : i32
    %dma_wait3A_223 = tpu.memref_slice %arg42[%dma_wait3A_221, %dma_wait3A_222] : memref<16x512xf32, #tpu.memory_space<vmem>> -> memref<1x512xf32, #tpu.memory_space<vmem>>
    %dma_wait3A_224 = tpu.memref_squeeze %dma_wait3A_223 : memref<1x512xf32, #tpu.memory_space<vmem>> -> memref<512xf32, #tpu.memory_space<vmem>>
    %dma_wait3A_225 = arith.constant 0 : i32
    %dma_wait3A_226 = tpu.memref_slice %arg6[%dma_wait3A_225] : memref<1000000xf32, #tpu.memory_space<hbm>> -> memref<1000000xf32, #tpu.memory_space<hbm>>
    tpu.wait_indirect_dma semaphore(%arg48 : memref<!tpu.dma_semaphore, #tpu.memory_space<semaphore_mem>>) src(%dma_wait3A_226 : memref<1000000xf32, #tpu.memory_space<hbm>>) dst(%dma_wait3A_224 : memref<512xf32, #tpu.memory_space<vmem>>)
    %dma_wait3A_227 = arith.constant 2 : i32
    %dma_wait3A_228 = arith.constant 0 : i32
    %dma_wait3A_229 = tpu.memref_slice %arg43[%dma_wait3A_227, %dma_wait3A_228] : memref<16x512xf32, #tpu.memory_space<vmem>> -> memref<1x512xf32, #tpu.memory_space<vmem>>
    %dma_wait3A_230 = tpu.memref_squeeze %dma_wait3A_229 : memref<1x512xf32, #tpu.memory_space<vmem>> -> memref<512xf32, #tpu.memory_space<vmem>>
    %dma_wait3A_231 = arith.constant 0 : i32
    %dma_wait3A_232 = tpu.memref_slice %arg22[%dma_wait3A_231] : memref<1000000xf32, #tpu.memory_space<hbm>> -> memref<1000000xf32, #tpu.memory_space<hbm>>
    tpu.wait_indirect_dma semaphore(%arg48 : memref<!tpu.dma_semaphore, #tpu.memory_space<semaphore_mem>>) src(%dma_wait3A_232 : memref<1000000xf32, #tpu.memory_space<hbm>>) dst(%dma_wait3A_230 : memref<512xf32, #tpu.memory_space<vmem>>)
    %dma_wait3A_233 = arith.constant 3 : i32
    %dma_wait3A_234 = arith.constant 0 : i32
    %dma_wait3A_235 = tpu.memref_slice %arg42[%dma_wait3A_233, %dma_wait3A_234] : memref<16x512xf32, #tpu.memory_space<vmem>> -> memref<1x512xf32, #tpu.memory_space<vmem>>
    %dma_wait3A_236 = tpu.memref_squeeze %dma_wait3A_235 : memref<1x512xf32, #tpu.memory_space<vmem>> -> memref<512xf32, #tpu.memory_space<vmem>>
    %dma_wait3A_237 = arith.constant 0 : i32
    %dma_wait3A_238 = tpu.memref_slice %arg7[%dma_wait3A_237] : memref<1000000xf32, #tpu.memory_space<hbm>> -> memref<1000000xf32, #tpu.memory_space<hbm>>
    tpu.wait_indirect_dma semaphore(%arg48 : memref<!tpu.dma_semaphore, #tpu.memory_space<semaphore_mem>>) src(%dma_wait3A_238 : memref<1000000xf32, #tpu.memory_space<hbm>>) dst(%dma_wait3A_236 : memref<512xf32, #tpu.memory_space<vmem>>)
    %dma_wait3A_239 = arith.constant 3 : i32
    %dma_wait3A_240 = arith.constant 0 : i32
    %dma_wait3A_241 = tpu.memref_slice %arg43[%dma_wait3A_239, %dma_wait3A_240] : memref<16x512xf32, #tpu.memory_space<vmem>> -> memref<1x512xf32, #tpu.memory_space<vmem>>
    %dma_wait3A_242 = tpu.memref_squeeze %dma_wait3A_241 : memref<1x512xf32, #tpu.memory_space<vmem>> -> memref<512xf32, #tpu.memory_space<vmem>>
    %dma_wait3A_243 = arith.constant 0 : i32
    %dma_wait3A_244 = tpu.memref_slice %arg23[%dma_wait3A_243] : memref<1000000xf32, #tpu.memory_space<hbm>> -> memref<1000000xf32, #tpu.memory_space<hbm>>
    tpu.wait_indirect_dma semaphore(%arg48 : memref<!tpu.dma_semaphore, #tpu.memory_space<semaphore_mem>>) src(%dma_wait3A_244 : memref<1000000xf32, #tpu.memory_space<hbm>>) dst(%dma_wait3A_242 : memref<512xf32, #tpu.memory_space<vmem>>)
    %dma_wait3A_245 = arith.constant 4 : i32
    %dma_wait3A_246 = arith.constant 0 : i32
    %dma_wait3A_247 = tpu.memref_slice %arg42[%dma_wait3A_245, %dma_wait3A_246] : memref<16x512xf32, #tpu.memory_space<vmem>> -> memref<1x512xf32, #tpu.memory_space<vmem>>
    %dma_wait3A_248 = tpu.memref_squeeze %dma_wait3A_247 : memref<1x512xf32, #tpu.memory_space<vmem>> -> memref<512xf32, #tpu.memory_space<vmem>>
    %dma_wait3A_249 = arith.constant 0 : i32
    %dma_wait3A_250 = tpu.memref_slice %arg8[%dma_wait3A_249] : memref<1000000xf32, #tpu.memory_space<hbm>> -> memref<1000000xf32, #tpu.memory_space<hbm>>
    tpu.wait_indirect_dma semaphore(%arg48 : memref<!tpu.dma_semaphore, #tpu.memory_space<semaphore_mem>>) src(%dma_wait3A_250 : memref<1000000xf32, #tpu.memory_space<hbm>>) dst(%dma_wait3A_248 : memref<512xf32, #tpu.memory_space<vmem>>)
    %dma_wait3A_251 = arith.constant 4 : i32
    %dma_wait3A_252 = arith.constant 0 : i32
    %dma_wait3A_253 = tpu.memref_slice %arg43[%dma_wait3A_251, %dma_wait3A_252] : memref<16x512xf32, #tpu.memory_space<vmem>> -> memref<1x512xf32, #tpu.memory_space<vmem>>
    %dma_wait3A_254 = tpu.memref_squeeze %dma_wait3A_253 : memref<1x512xf32, #tpu.memory_space<vmem>> -> memref<512xf32, #tpu.memory_space<vmem>>
    %dma_wait3A_255 = arith.constant 0 : i32
    %dma_wait3A_256 = tpu.memref_slice %arg24[%dma_wait3A_255] : memref<1000000xf32, #tpu.memory_space<hbm>> -> memref<1000000xf32, #tpu.memory_space<hbm>>
    tpu.wait_indirect_dma semaphore(%arg48 : memref<!tpu.dma_semaphore, #tpu.memory_space<semaphore_mem>>) src(%dma_wait3A_256 : memref<1000000xf32, #tpu.memory_space<hbm>>) dst(%dma_wait3A_254 : memref<512xf32, #tpu.memory_space<vmem>>)
    %dma_wait3A_257 = arith.constant 5 : i32
    %dma_wait3A_258 = arith.constant 0 : i32
    %dma_wait3A_259 = tpu.memref_slice %arg42[%dma_wait3A_257, %dma_wait3A_258] : memref<16x512xf32, #tpu.memory_space<vmem>> -> memref<1x512xf32, #tpu.memory_space<vmem>>
    %dma_wait3A_260 = tpu.memref_squeeze %dma_wait3A_259 : memref<1x512xf32, #tpu.memory_space<vmem>> -> memref<512xf32, #tpu.memory_space<vmem>>
    %dma_wait3A_261 = arith.constant 0 : i32
    %dma_wait3A_262 = tpu.memref_slice %arg9[%dma_wait3A_261] : memref<1000000xf32, #tpu.memory_space<hbm>> -> memref<1000000xf32, #tpu.memory_space<hbm>>
    tpu.wait_indirect_dma semaphore(%arg48 : memref<!tpu.dma_semaphore, #tpu.memory_space<semaphore_mem>>) src(%dma_wait3A_262 : memref<1000000xf32, #tpu.memory_space<hbm>>) dst(%dma_wait3A_260 : memref<512xf32, #tpu.memory_space<vmem>>)
    %dma_wait3A_263 = arith.constant 5 : i32
    %dma_wait3A_264 = arith.constant 0 : i32
    %dma_wait3A_265 = tpu.memref_slice %arg43[%dma_wait3A_263, %dma_wait3A_264] : memref<16x512xf32, #tpu.memory_space<vmem>> -> memref<1x512xf32, #tpu.memory_space<vmem>>
    %dma_wait3A_266 = tpu.memref_squeeze %dma_wait3A_265 : memref<1x512xf32, #tpu.memory_space<vmem>> -> memref<512xf32, #tpu.memory_space<vmem>>
    %dma_wait3A_267 = arith.constant 0 : i32
    %dma_wait3A_268 = tpu.memref_slice %arg25[%dma_wait3A_267] : memref<1000000xf32, #tpu.memory_space<hbm>> -> memref<1000000xf32, #tpu.memory_space<hbm>>
    tpu.wait_indirect_dma semaphore(%arg48 : memref<!tpu.dma_semaphore, #tpu.memory_space<semaphore_mem>>) src(%dma_wait3A_268 : memref<1000000xf32, #tpu.memory_space<hbm>>) dst(%dma_wait3A_266 : memref<512xf32, #tpu.memory_space<vmem>>)
    %dma_wait3A_269 = arith.constant 6 : i32
    %dma_wait3A_270 = arith.constant 0 : i32
    %dma_wait3A_271 = tpu.memref_slice %arg42[%dma_wait3A_269, %dma_wait3A_270] : memref<16x512xf32, #tpu.memory_space<vmem>> -> memref<1x512xf32, #tpu.memory_space<vmem>>
    %dma_wait3A_272 = tpu.memref_squeeze %dma_wait3A_271 : memref<1x512xf32, #tpu.memory_space<vmem>> -> memref<512xf32, #tpu.memory_space<vmem>>
    %dma_wait3A_273 = arith.constant 0 : i32
    %dma_wait3A_274 = tpu.memref_slice %arg10[%dma_wait3A_273] : memref<1000000xf32, #tpu.memory_space<hbm>> -> memref<1000000xf32, #tpu.memory_space<hbm>>
    tpu.wait_indirect_dma semaphore(%arg48 : memref<!tpu.dma_semaphore, #tpu.memory_space<semaphore_mem>>) src(%dma_wait3A_274 : memref<1000000xf32, #tpu.memory_space<hbm>>) dst(%dma_wait3A_272 : memref<512xf32, #tpu.memory_space<vmem>>)
    %dma_wait3A_275 = arith.constant 6 : i32
    %dma_wait3A_276 = arith.constant 0 : i32
    %dma_wait3A_277 = tpu.memref_slice %arg43[%dma_wait3A_275, %dma_wait3A_276] : memref<16x512xf32, #tpu.memory_space<vmem>> -> memref<1x512xf32, #tpu.memory_space<vmem>>
    %dma_wait3A_278 = tpu.memref_squeeze %dma_wait3A_277 : memref<1x512xf32, #tpu.memory_space<vmem>> -> memref<512xf32, #tpu.memory_space<vmem>>
    %dma_wait3A_279 = arith.constant 0 : i32
    %dma_wait3A_280 = tpu.memref_slice %arg26[%dma_wait3A_279] : memref<1000000xf32, #tpu.memory_space<hbm>> -> memref<1000000xf32, #tpu.memory_space<hbm>>
    tpu.wait_indirect_dma semaphore(%arg48 : memref<!tpu.dma_semaphore, #tpu.memory_space<semaphore_mem>>) src(%dma_wait3A_280 : memref<1000000xf32, #tpu.memory_space<hbm>>) dst(%dma_wait3A_278 : memref<512xf32, #tpu.memory_space<vmem>>)
    %dma_wait3A_281 = arith.constant 7 : i32
    %dma_wait3A_282 = arith.constant 0 : i32
    %dma_wait3A_283 = tpu.memref_slice %arg42[%dma_wait3A_281, %dma_wait3A_282] : memref<16x512xf32, #tpu.memory_space<vmem>> -> memref<1x512xf32, #tpu.memory_space<vmem>>
    %dma_wait3A_284 = tpu.memref_squeeze %dma_wait3A_283 : memref<1x512xf32, #tpu.memory_space<vmem>> -> memref<512xf32, #tpu.memory_space<vmem>>
    %dma_wait3A_285 = arith.constant 0 : i32
    %dma_wait3A_286 = tpu.memref_slice %arg11[%dma_wait3A_285] : memref<1000000xf32, #tpu.memory_space<hbm>> -> memref<1000000xf32, #tpu.memory_space<hbm>>
    tpu.wait_indirect_dma semaphore(%arg48 : memref<!tpu.dma_semaphore, #tpu.memory_space<semaphore_mem>>) src(%dma_wait3A_286 : memref<1000000xf32, #tpu.memory_space<hbm>>) dst(%dma_wait3A_284 : memref<512xf32, #tpu.memory_space<vmem>>)
    %dma_wait3A_287 = arith.constant 7 : i32
    %dma_wait3A_288 = arith.constant 0 : i32
    %dma_wait3A_289 = tpu.memref_slice %arg43[%dma_wait3A_287, %dma_wait3A_288] : memref<16x512xf32, #tpu.memory_space<vmem>> -> memref<1x512xf32, #tpu.memory_space<vmem>>
    %dma_wait3A_290 = tpu.memref_squeeze %dma_wait3A_289 : memref<1x512xf32, #tpu.memory_space<vmem>> -> memref<512xf32, #tpu.memory_space<vmem>>
    %dma_wait3A_291 = arith.constant 0 : i32
    %dma_wait3A_292 = tpu.memref_slice %arg27[%dma_wait3A_291] : memref<1000000xf32, #tpu.memory_space<hbm>> -> memref<1000000xf32, #tpu.memory_space<hbm>>
    tpu.wait_indirect_dma semaphore(%arg48 : memref<!tpu.dma_semaphore, #tpu.memory_space<semaphore_mem>>) src(%dma_wait3A_292 : memref<1000000xf32, #tpu.memory_space<hbm>>) dst(%dma_wait3A_290 : memref<512xf32, #tpu.memory_space<vmem>>)
    %dma_wait3A_293 = arith.constant 8 : i32
    %dma_wait3A_294 = arith.constant 0 : i32
    %dma_wait3A_295 = tpu.memref_slice %arg42[%dma_wait3A_293, %dma_wait3A_294] : memref<16x512xf32, #tpu.memory_space<vmem>> -> memref<1x512xf32, #tpu.memory_space<vmem>>
    %dma_wait3A_296 = tpu.memref_squeeze %dma_wait3A_295 : memref<1x512xf32, #tpu.memory_space<vmem>> -> memref<512xf32, #tpu.memory_space<vmem>>
    %dma_wait3A_297 = arith.constant 0 : i32
    %dma_wait3A_298 = tpu.memref_slice %arg12[%dma_wait3A_297] : memref<1000000xf32, #tpu.memory_space<hbm>> -> memref<1000000xf32, #tpu.memory_space<hbm>>
    tpu.wait_indirect_dma semaphore(%arg48 : memref<!tpu.dma_semaphore, #tpu.memory_space<semaphore_mem>>) src(%dma_wait3A_298 : memref<1000000xf32, #tpu.memory_space<hbm>>) dst(%dma_wait3A_296 : memref<512xf32, #tpu.memory_space<vmem>>)
    %dma_wait3A_299 = arith.constant 8 : i32
    %dma_wait3A_300 = arith.constant 0 : i32
    %dma_wait3A_301 = tpu.memref_slice %arg43[%dma_wait3A_299, %dma_wait3A_300] : memref<16x512xf32, #tpu.memory_space<vmem>> -> memref<1x512xf32, #tpu.memory_space<vmem>>
    %dma_wait3A_302 = tpu.memref_squeeze %dma_wait3A_301 : memref<1x512xf32, #tpu.memory_space<vmem>> -> memref<512xf32, #tpu.memory_space<vmem>>
    %dma_wait3A_303 = arith.constant 0 : i32
    %dma_wait3A_304 = tpu.memref_slice %arg28[%dma_wait3A_303] : memref<1000000xf32, #tpu.memory_space<hbm>> -> memref<1000000xf32, #tpu.memory_space<hbm>>
    tpu.wait_indirect_dma semaphore(%arg48 : memref<!tpu.dma_semaphore, #tpu.memory_space<semaphore_mem>>) src(%dma_wait3A_304 : memref<1000000xf32, #tpu.memory_space<hbm>>) dst(%dma_wait3A_302 : memref<512xf32, #tpu.memory_space<vmem>>)
    %dma_wait3A_305 = arith.constant 9 : i32
    %dma_wait3A_306 = arith.constant 0 : i32
    %dma_wait3A_307 = tpu.memref_slice %arg42[%dma_wait3A_305, %dma_wait3A_306] : memref<16x512xf32, #tpu.memory_space<vmem>> -> memref<1x512xf32, #tpu.memory_space<vmem>>
    %dma_wait3A_308 = tpu.memref_squeeze %dma_wait3A_307 : memref<1x512xf32, #tpu.memory_space<vmem>> -> memref<512xf32, #tpu.memory_space<vmem>>
    %dma_wait3A_309 = arith.constant 0 : i32
    %dma_wait3A_310 = tpu.memref_slice %arg13[%dma_wait3A_309] : memref<1000000xf32, #tpu.memory_space<hbm>> -> memref<1000000xf32, #tpu.memory_space<hbm>>
    tpu.wait_indirect_dma semaphore(%arg48 : memref<!tpu.dma_semaphore, #tpu.memory_space<semaphore_mem>>) src(%dma_wait3A_310 : memref<1000000xf32, #tpu.memory_space<hbm>>) dst(%dma_wait3A_308 : memref<512xf32, #tpu.memory_space<vmem>>)
    %dma_wait3A_311 = arith.constant 9 : i32
    %dma_wait3A_312 = arith.constant 0 : i32
    %dma_wait3A_313 = tpu.memref_slice %arg43[%dma_wait3A_311, %dma_wait3A_312] : memref<16x512xf32, #tpu.memory_space<vmem>> -> memref<1x512xf32, #tpu.memory_space<vmem>>
    %dma_wait3A_314 = tpu.memref_squeeze %dma_wait3A_313 : memref<1x512xf32, #tpu.memory_space<vmem>> -> memref<512xf32, #tpu.memory_space<vmem>>
    %dma_wait3A_315 = arith.constant 0 : i32
    %dma_wait3A_316 = tpu.memref_slice %arg29[%dma_wait3A_315] : memref<1000000xf32, #tpu.memory_space<hbm>> -> memref<1000000xf32, #tpu.memory_space<hbm>>
    tpu.wait_indirect_dma semaphore(%arg48 : memref<!tpu.dma_semaphore, #tpu.memory_space<semaphore_mem>>) src(%dma_wait3A_316 : memref<1000000xf32, #tpu.memory_space<hbm>>) dst(%dma_wait3A_314 : memref<512xf32, #tpu.memory_space<vmem>>)
    %dma_wait3A_317 = arith.constant 10 : i32
    %dma_wait3A_318 = arith.constant 0 : i32
    %dma_wait3A_319 = tpu.memref_slice %arg42[%dma_wait3A_317, %dma_wait3A_318] : memref<16x512xf32, #tpu.memory_space<vmem>> -> memref<1x512xf32, #tpu.memory_space<vmem>>
    %dma_wait3A_320 = tpu.memref_squeeze %dma_wait3A_319 : memref<1x512xf32, #tpu.memory_space<vmem>> -> memref<512xf32, #tpu.memory_space<vmem>>
    %dma_wait3A_321 = arith.constant 0 : i32
    %dma_wait3A_322 = tpu.memref_slice %arg14[%dma_wait3A_321] : memref<1000000xf32, #tpu.memory_space<hbm>> -> memref<1000000xf32, #tpu.memory_space<hbm>>
    tpu.wait_indirect_dma semaphore(%arg48 : memref<!tpu.dma_semaphore, #tpu.memory_space<semaphore_mem>>) src(%dma_wait3A_322 : memref<1000000xf32, #tpu.memory_space<hbm>>) dst(%dma_wait3A_320 : memref<512xf32, #tpu.memory_space<vmem>>)
    %dma_wait3A_323 = arith.constant 10 : i32
    %dma_wait3A_324 = arith.constant 0 : i32
    %dma_wait3A_325 = tpu.memref_slice %arg43[%dma_wait3A_323, %dma_wait3A_324] : memref<16x512xf32, #tpu.memory_space<vmem>> -> memref<1x512xf32, #tpu.memory_space<vmem>>
    %dma_wait3A_326 = tpu.memref_squeeze %dma_wait3A_325 : memref<1x512xf32, #tpu.memory_space<vmem>> -> memref<512xf32, #tpu.memory_space<vmem>>
    %dma_wait3A_327 = arith.constant 0 : i32
    %dma_wait3A_328 = tpu.memref_slice %arg30[%dma_wait3A_327] : memref<1000000xf32, #tpu.memory_space<hbm>> -> memref<1000000xf32, #tpu.memory_space<hbm>>
    tpu.wait_indirect_dma semaphore(%arg48 : memref<!tpu.dma_semaphore, #tpu.memory_space<semaphore_mem>>) src(%dma_wait3A_328 : memref<1000000xf32, #tpu.memory_space<hbm>>) dst(%dma_wait3A_326 : memref<512xf32, #tpu.memory_space<vmem>>)
    %dma_wait3A_329 = arith.constant 11 : i32
    %dma_wait3A_330 = arith.constant 0 : i32
    %dma_wait3A_331 = tpu.memref_slice %arg42[%dma_wait3A_329, %dma_wait3A_330] : memref<16x512xf32, #tpu.memory_space<vmem>> -> memref<1x512xf32, #tpu.memory_space<vmem>>
    %dma_wait3A_332 = tpu.memref_squeeze %dma_wait3A_331 : memref<1x512xf32, #tpu.memory_space<vmem>> -> memref<512xf32, #tpu.memory_space<vmem>>
    %dma_wait3A_333 = arith.constant 0 : i32
    %dma_wait3A_334 = tpu.memref_slice %arg15[%dma_wait3A_333] : memref<1000000xf32, #tpu.memory_space<hbm>> -> memref<1000000xf32, #tpu.memory_space<hbm>>
    tpu.wait_indirect_dma semaphore(%arg48 : memref<!tpu.dma_semaphore, #tpu.memory_space<semaphore_mem>>) src(%dma_wait3A_334 : memref<1000000xf32, #tpu.memory_space<hbm>>) dst(%dma_wait3A_332 : memref<512xf32, #tpu.memory_space<vmem>>)
    %dma_wait3A_335 = arith.constant 11 : i32
    %dma_wait3A_336 = arith.constant 0 : i32
    %dma_wait3A_337 = tpu.memref_slice %arg43[%dma_wait3A_335, %dma_wait3A_336] : memref<16x512xf32, #tpu.memory_space<vmem>> -> memref<1x512xf32, #tpu.memory_space<vmem>>
    %dma_wait3A_338 = tpu.memref_squeeze %dma_wait3A_337 : memref<1x512xf32, #tpu.memory_space<vmem>> -> memref<512xf32, #tpu.memory_space<vmem>>
    %dma_wait3A_339 = arith.constant 0 : i32
    %dma_wait3A_340 = tpu.memref_slice %arg31[%dma_wait3A_339] : memref<1000000xf32, #tpu.memory_space<hbm>> -> memref<1000000xf32, #tpu.memory_space<hbm>>
    tpu.wait_indirect_dma semaphore(%arg48 : memref<!tpu.dma_semaphore, #tpu.memory_space<semaphore_mem>>) src(%dma_wait3A_340 : memref<1000000xf32, #tpu.memory_space<hbm>>) dst(%dma_wait3A_338 : memref<512xf32, #tpu.memory_space<vmem>>)
    %dma_wait3A_341 = arith.constant 12 : i32
    %dma_wait3A_342 = arith.constant 0 : i32
    %dma_wait3A_343 = tpu.memref_slice %arg42[%dma_wait3A_341, %dma_wait3A_342] : memref<16x512xf32, #tpu.memory_space<vmem>> -> memref<1x512xf32, #tpu.memory_space<vmem>>
    %dma_wait3A_344 = tpu.memref_squeeze %dma_wait3A_343 : memref<1x512xf32, #tpu.memory_space<vmem>> -> memref<512xf32, #tpu.memory_space<vmem>>
    %dma_wait3A_345 = arith.constant 0 : i32
    %dma_wait3A_346 = tpu.memref_slice %arg16[%dma_wait3A_345] : memref<1000000xf32, #tpu.memory_space<hbm>> -> memref<1000000xf32, #tpu.memory_space<hbm>>
    tpu.wait_indirect_dma semaphore(%arg48 : memref<!tpu.dma_semaphore, #tpu.memory_space<semaphore_mem>>) src(%dma_wait3A_346 : memref<1000000xf32, #tpu.memory_space<hbm>>) dst(%dma_wait3A_344 : memref<512xf32, #tpu.memory_space<vmem>>)
    %dma_wait3A_347 = arith.constant 12 : i32
    %dma_wait3A_348 = arith.constant 0 : i32
    %dma_wait3A_349 = tpu.memref_slice %arg43[%dma_wait3A_347, %dma_wait3A_348] : memref<16x512xf32, #tpu.memory_space<vmem>> -> memref<1x512xf32, #tpu.memory_space<vmem>>
    %dma_wait3A_350 = tpu.memref_squeeze %dma_wait3A_349 : memref<1x512xf32, #tpu.memory_space<vmem>> -> memref<512xf32, #tpu.memory_space<vmem>>
    %dma_wait3A_351 = arith.constant 0 : i32
    %dma_wait3A_352 = tpu.memref_slice %arg32[%dma_wait3A_351] : memref<1000000xf32, #tpu.memory_space<hbm>> -> memref<1000000xf32, #tpu.memory_space<hbm>>
    tpu.wait_indirect_dma semaphore(%arg48 : memref<!tpu.dma_semaphore, #tpu.memory_space<semaphore_mem>>) src(%dma_wait3A_352 : memref<1000000xf32, #tpu.memory_space<hbm>>) dst(%dma_wait3A_350 : memref<512xf32, #tpu.memory_space<vmem>>)
    %dma_wait3A_353 = arith.constant 13 : i32
    %dma_wait3A_354 = arith.constant 0 : i32
    %dma_wait3A_355 = tpu.memref_slice %arg42[%dma_wait3A_353, %dma_wait3A_354] : memref<16x512xf32, #tpu.memory_space<vmem>> -> memref<1x512xf32, #tpu.memory_space<vmem>>
    %dma_wait3A_356 = tpu.memref_squeeze %dma_wait3A_355 : memref<1x512xf32, #tpu.memory_space<vmem>> -> memref<512xf32, #tpu.memory_space<vmem>>
    %dma_wait3A_357 = arith.constant 0 : i32
    %dma_wait3A_358 = tpu.memref_slice %arg17[%dma_wait3A_357] : memref<1000000xf32, #tpu.memory_space<hbm>> -> memref<1000000xf32, #tpu.memory_space<hbm>>
    tpu.wait_indirect_dma semaphore(%arg48 : memref<!tpu.dma_semaphore, #tpu.memory_space<semaphore_mem>>) src(%dma_wait3A_358 : memref<1000000xf32, #tpu.memory_space<hbm>>) dst(%dma_wait3A_356 : memref<512xf32, #tpu.memory_space<vmem>>)
    %dma_wait3A_359 = arith.constant 13 : i32
    %dma_wait3A_360 = arith.constant 0 : i32
    %dma_wait3A_361 = tpu.memref_slice %arg43[%dma_wait3A_359, %dma_wait3A_360] : memref<16x512xf32, #tpu.memory_space<vmem>> -> memref<1x512xf32, #tpu.memory_space<vmem>>
    %dma_wait3A_362 = tpu.memref_squeeze %dma_wait3A_361 : memref<1x512xf32, #tpu.memory_space<vmem>> -> memref<512xf32, #tpu.memory_space<vmem>>
    %dma_wait3A_363 = arith.constant 0 : i32
    %dma_wait3A_364 = tpu.memref_slice %arg33[%dma_wait3A_363] : memref<1000000xf32, #tpu.memory_space<hbm>> -> memref<1000000xf32, #tpu.memory_space<hbm>>
    tpu.wait_indirect_dma semaphore(%arg48 : memref<!tpu.dma_semaphore, #tpu.memory_space<semaphore_mem>>) src(%dma_wait3A_364 : memref<1000000xf32, #tpu.memory_space<hbm>>) dst(%dma_wait3A_362 : memref<512xf32, #tpu.memory_space<vmem>>)
    %dma_wait3A_365 = arith.constant 14 : i32
    %dma_wait3A_366 = arith.constant 0 : i32
    %dma_wait3A_367 = tpu.memref_slice %arg42[%dma_wait3A_365, %dma_wait3A_366] : memref<16x512xf32, #tpu.memory_space<vmem>> -> memref<1x512xf32, #tpu.memory_space<vmem>>
    %dma_wait3A_368 = tpu.memref_squeeze %dma_wait3A_367 : memref<1x512xf32, #tpu.memory_space<vmem>> -> memref<512xf32, #tpu.memory_space<vmem>>
    %dma_wait3A_369 = arith.constant 0 : i32
    %dma_wait3A_370 = tpu.memref_slice %arg18[%dma_wait3A_369] : memref<1000000xf32, #tpu.memory_space<hbm>> -> memref<1000000xf32, #tpu.memory_space<hbm>>
    tpu.wait_indirect_dma semaphore(%arg48 : memref<!tpu.dma_semaphore, #tpu.memory_space<semaphore_mem>>) src(%dma_wait3A_370 : memref<1000000xf32, #tpu.memory_space<hbm>>) dst(%dma_wait3A_368 : memref<512xf32, #tpu.memory_space<vmem>>)
    %dma_wait3A_371 = arith.constant 14 : i32
    %dma_wait3A_372 = arith.constant 0 : i32
    %dma_wait3A_373 = tpu.memref_slice %arg43[%dma_wait3A_371, %dma_wait3A_372] : memref<16x512xf32, #tpu.memory_space<vmem>> -> memref<1x512xf32, #tpu.memory_space<vmem>>
    %dma_wait3A_374 = tpu.memref_squeeze %dma_wait3A_373 : memref<1x512xf32, #tpu.memory_space<vmem>> -> memref<512xf32, #tpu.memory_space<vmem>>
    %dma_wait3A_375 = arith.constant 0 : i32
    %dma_wait3A_376 = tpu.memref_slice %arg34[%dma_wait3A_375] : memref<1000000xf32, #tpu.memory_space<hbm>> -> memref<1000000xf32, #tpu.memory_space<hbm>>
    tpu.wait_indirect_dma semaphore(%arg48 : memref<!tpu.dma_semaphore, #tpu.memory_space<semaphore_mem>>) src(%dma_wait3A_376 : memref<1000000xf32, #tpu.memory_space<hbm>>) dst(%dma_wait3A_374 : memref<512xf32, #tpu.memory_space<vmem>>)
    %dma_wait3A_377 = arith.constant 15 : i32
    %dma_wait3A_378 = arith.constant 0 : i32
    %dma_wait3A_379 = tpu.memref_slice %arg42[%dma_wait3A_377, %dma_wait3A_378] : memref<16x512xf32, #tpu.memory_space<vmem>> -> memref<1x512xf32, #tpu.memory_space<vmem>>
    %dma_wait3A_380 = tpu.memref_squeeze %dma_wait3A_379 : memref<1x512xf32, #tpu.memory_space<vmem>> -> memref<512xf32, #tpu.memory_space<vmem>>
    %dma_wait3A_381 = arith.constant 0 : i32
    %dma_wait3A_382 = tpu.memref_slice %arg19[%dma_wait3A_381] : memref<1000000xf32, #tpu.memory_space<hbm>> -> memref<1000000xf32, #tpu.memory_space<hbm>>
    tpu.wait_indirect_dma semaphore(%arg48 : memref<!tpu.dma_semaphore, #tpu.memory_space<semaphore_mem>>) src(%dma_wait3A_382 : memref<1000000xf32, #tpu.memory_space<hbm>>) dst(%dma_wait3A_380 : memref<512xf32, #tpu.memory_space<vmem>>)
    %dma_wait3A_383 = arith.constant 15 : i32
    %dma_wait3A_384 = arith.constant 0 : i32
    %dma_wait3A_385 = tpu.memref_slice %arg43[%dma_wait3A_383, %dma_wait3A_384] : memref<16x512xf32, #tpu.memory_space<vmem>> -> memref<1x512xf32, #tpu.memory_space<vmem>>
    %dma_wait3A_386 = tpu.memref_squeeze %dma_wait3A_385 : memref<1x512xf32, #tpu.memory_space<vmem>> -> memref<512xf32, #tpu.memory_space<vmem>>
    %dma_wait3A_387 = arith.constant 0 : i32
    %dma_wait3A_388 = tpu.memref_slice %arg35[%dma_wait3A_387] : memref<1000000xf32, #tpu.memory_space<hbm>> -> memref<1000000xf32, #tpu.memory_space<hbm>>
    tpu.wait_indirect_dma semaphore(%arg48 : memref<!tpu.dma_semaphore, #tpu.memory_space<semaphore_mem>>) src(%dma_wait3A_388 : memref<1000000xf32, #tpu.memory_space<hbm>>) dst(%dma_wait3A_386 : memref<512xf32, #tpu.memory_space<vmem>>)
    %dma_wait3A_389 = arith.constant 0 : i32
    %dma_wait3A_390 = tpu.memref_slice %arg36[%dma_wait3A_389] : memref<1000000xf32, #tpu.memory_space<hbm>> -> memref<1000000xf32, #tpu.memory_space<hbm>>
    tpu.wait_indirect_dma semaphore(%arg48 : memref<!tpu.dma_semaphore, #tpu.memory_space<semaphore_mem>>) src(%dma_wait3A_390 : memref<1000000xf32, #tpu.memory_space<hbm>>) dst(%arg44 : memref<512xf32, #tpu.memory_space<vmem>>)
    %dma_wait3A_391 = arith.constant 0 : i32
    %dma_wait3A_392 = tpu.memref_slice %arg37[%dma_wait3A_391] : memref<1000000xf32, #tpu.memory_space<hbm>> -> memref<1000000xf32, #tpu.memory_space<hbm>>
    tpu.wait_indirect_dma semaphore(%arg48 : memref<!tpu.dma_semaphore, #tpu.memory_space<semaphore_mem>>) src(%dma_wait3A_392 : memref<1000000xf32, #tpu.memory_space<hbm>>) dst(%arg45 : memref<512xf32, #tpu.memory_space<vmem>>)
    %broadcast_in_dim3A = arith.constant 0.000000e+00 : f32
    %broadcast_in_dim3A_393 = vector.broadcast %broadcast_in_dim3A : f32 to vector<16xf32>
    %scan3A = arith.constant 0 : i32
    %scan3A_394 = arith.constant 32 : i32
    %scan3A_395 = arith.addi %scan3A, %scan3A_394 : i32
    %scan3A_396 = arith.constant 1 : i32
    %scan3A_397 = scf.for %scan3A_544 = %scan3A to %scan3A_395 step %scan3A_396 iter_args(%scan3A_545 = %broadcast_in_dim3A_393) -> (vector<16xf32>)  : i32 {
      %mul3A_546 = arith.constant 16 : i32
      %mul3A_547 = arith.muli %scan3A_544, %mul3A_546 : i32
      %get3A = arith.constant 0 : i32
      %get3A_548 = arith.index_cast %get3A : i32 to index
      %get3A_549 = arith.index_cast %mul3A_547 : i32 to index
      %get3A_550 = tpu.vector_load %arg42[%get3A_548, %get3A_549] {strides = array<i32>} : memref<16x512xf32, #tpu.memory_space<vmem>>, vector<1x16xf32>,
      %get3A_551 = vector.shape_cast %get3A_550 : vector<1x16xf32> to vector<16xf32>
      %mul3A_552 = arith.constant 16 : i32
      %mul3A_553 = arith.muli %scan3A_544, %mul3A_552 : i32
      %get3A_554 = arith.constant 0 : i32
      %get3A_555 = arith.index_cast %get3A_554 : i32 to index
      %get3A_556 = arith.index_cast %mul3A_553 : i32 to index
      %get3A_557 = tpu.vector_load %arg43[%get3A_555, %get3A_556] {strides = array<i32>} : memref<16x512xf32, #tpu.memory_space<vmem>>, vector<1x16xf32>,
      %get3A_558 = vector.shape_cast %get3A_557 : vector<1x16xf32> to vector<16xf32>
      %mul3A_559 = arith.mulf %get3A_551, %get3A_558 : vector<16xf32>
      %add3A_560 = arith.addf %scan3A_545, %mul3A_559 : vector<16xf32>
      scf.yield %add3A_560 : vector<16xf32>
    }
    %scan3A_398 = arith.constant 32 : i32
    %broadcast_in_dim3A_399 = arith.constant 0.000000e+00 : f32
    %broadcast_in_dim3A_400 = vector.broadcast %broadcast_in_dim3A_399 : f32 to vector<16xf32>
    %scan3A_401 = arith.constant 0 : i32
    %scan3A_402 = arith.constant 32 : i32
    %scan3A_403 = arith.addi %scan3A_401, %scan3A_402 : i32
    %scan3A_404 = arith.constant 1 : i32
    %scan3A_405 = scf.for %scan3A_544 = %scan3A_401 to %scan3A_403 step %scan3A_404 iter_args(%scan3A_545 = %broadcast_in_dim3A_400) -> (vector<16xf32>)  : i32 {
      %mul3A_546 = arith.constant 16 : i32
      %mul3A_547 = arith.muli %scan3A_544, %mul3A_546 : i32
      %get3A = arith.constant 1 : i32
      %get3A_548 = arith.index_cast %get3A : i32 to index
      %get3A_549 = arith.index_cast %mul3A_547 : i32 to index
      %get3A_550 = tpu.vector_load %arg42[%get3A_548, %get3A_549] {strides = array<i32>} : memref<16x512xf32, #tpu.memory_space<vmem>>, vector<1x16xf32>,
      %get3A_551 = vector.shape_cast %get3A_550 : vector<1x16xf32> to vector<16xf32>
      %mul3A_552 = arith.constant 16 : i32
      %mul3A_553 = arith.muli %scan3A_544, %mul3A_552 : i32
      %get3A_554 = arith.constant 1 : i32
      %get3A_555 = arith.index_cast %get3A_554 : i32 to index
      %get3A_556 = arith.index_cast %mul3A_553 : i32 to index
      %get3A_557 = tpu.vector_load %arg43[%get3A_555, %get3A_556] {strides = array<i32>} : memref<16x512xf32, #tpu.memory_space<vmem>>, vector<1x16xf32>,
      %get3A_558 = vector.shape_cast %get3A_557 : vector<1x16xf32> to vector<16xf32>
      %mul3A_559 = arith.mulf %get3A_551, %get3A_558 : vector<16xf32>
      %add3A_560 = arith.addf %scan3A_545, %mul3A_559 : vector<16xf32>
      scf.yield %add3A_560 : vector<16xf32>
    }
    %scan3A_406 = arith.constant 32 : i32
    %add3A_407 = arith.addf %scan3A_397, %scan3A_405 : vector<16xf32>
    %broadcast_in_dim3A_408 = arith.constant 0.000000e+00 : f32
    %broadcast_in_dim3A_409 = vector.broadcast %broadcast_in_dim3A_408 : f32 to vector<16xf32>
    %scan3A_410 = arith.constant 0 : i32
    %scan3A_411 = arith.constant 32 : i32
    %scan3A_412 = arith.addi %scan3A_410, %scan3A_411 : i32
    %scan3A_413 = arith.constant 1 : i32
    %scan3A_414 = scf.for %scan3A_544 = %scan3A_410 to %scan3A_412 step %scan3A_413 iter_args(%scan3A_545 = %broadcast_in_dim3A_409) -> (vector<16xf32>)  : i32 {
      %mul3A_546 = arith.constant 16 : i32
      %mul3A_547 = arith.muli %scan3A_544, %mul3A_546 : i32
      %get3A = arith.constant 2 : i32
      %get3A_548 = arith.index_cast %get3A : i32 to index
      %get3A_549 = arith.index_cast %mul3A_547 : i32 to index
      %get3A_550 = tpu.vector_load %arg42[%get3A_548, %get3A_549] {strides = array<i32>} : memref<16x512xf32, #tpu.memory_space<vmem>>, vector<1x16xf32>,
      %get3A_551 = vector.shape_cast %get3A_550 : vector<1x16xf32> to vector<16xf32>
      %mul3A_552 = arith.constant 16 : i32
      %mul3A_553 = arith.muli %scan3A_544, %mul3A_552 : i32
      %get3A_554 = arith.constant 2 : i32
      %get3A_555 = arith.index_cast %get3A_554 : i32 to index
      %get3A_556 = arith.index_cast %mul3A_553 : i32 to index
      %get3A_557 = tpu.vector_load %arg43[%get3A_555, %get3A_556] {strides = array<i32>} : memref<16x512xf32, #tpu.memory_space<vmem>>, vector<1x16xf32>,
      %get3A_558 = vector.shape_cast %get3A_557 : vector<1x16xf32> to vector<16xf32>
      %mul3A_559 = arith.mulf %get3A_551, %get3A_558 : vector<16xf32>
      %add3A_560 = arith.addf %scan3A_545, %mul3A_559 : vector<16xf32>
      scf.yield %add3A_560 : vector<16xf32>
    }
    %scan3A_415 = arith.constant 32 : i32
    %add3A_416 = arith.addf %add3A_407, %scan3A_414 : vector<16xf32>
    %broadcast_in_dim3A_417 = arith.constant 0.000000e+00 : f32
    %broadcast_in_dim3A_418 = vector.broadcast %broadcast_in_dim3A_417 : f32 to vector<16xf32>
    %scan3A_419 = arith.constant 0 : i32
    %scan3A_420 = arith.constant 32 : i32
    %scan3A_421 = arith.addi %scan3A_419, %scan3A_420 : i32
    %scan3A_422 = arith.constant 1 : i32
    %scan3A_423 = scf.for %scan3A_544 = %scan3A_419 to %scan3A_421 step %scan3A_422 iter_args(%scan3A_545 = %broadcast_in_dim3A_418) -> (vector<16xf32>)  : i32 {
      %mul3A_546 = arith.constant 16 : i32
      %mul3A_547 = arith.muli %scan3A_544, %mul3A_546 : i32
      %get3A = arith.constant 3 : i32
      %get3A_548 = arith.index_cast %get3A : i32 to index
      %get3A_549 = arith.index_cast %mul3A_547 : i32 to index
      %get3A_550 = tpu.vector_load %arg42[%get3A_548, %get3A_549] {strides = array<i32>} : memref<16x512xf32, #tpu.memory_space<vmem>>, vector<1x16xf32>,
      %get3A_551 = vector.shape_cast %get3A_550 : vector<1x16xf32> to vector<16xf32>
      %mul3A_552 = arith.constant 16 : i32
      %mul3A_553 = arith.muli %scan3A_544, %mul3A_552 : i32
      %get3A_554 = arith.constant 3 : i32
      %get3A_555 = arith.index_cast %get3A_554 : i32 to index
      %get3A_556 = arith.index_cast %mul3A_553 : i32 to index
      %get3A_557 = tpu.vector_load %arg43[%get3A_555, %get3A_556] {strides = array<i32>} : memref<16x512xf32, #tpu.memory_space<vmem>>, vector<1x16xf32>,
      %get3A_558 = vector.shape_cast %get3A_557 : vector<1x16xf32> to vector<16xf32>
      %mul3A_559 = arith.mulf %get3A_551, %get3A_558 : vector<16xf32>
      %add3A_560 = arith.addf %scan3A_545, %mul3A_559 : vector<16xf32>
      scf.yield %add3A_560 : vector<16xf32>
    }
    %scan3A_424 = arith.constant 32 : i32
    %add3A_425 = arith.addf %add3A_416, %scan3A_423 : vector<16xf32>
    %broadcast_in_dim3A_426 = arith.constant 0.000000e+00 : f32
    %broadcast_in_dim3A_427 = vector.broadcast %broadcast_in_dim3A_426 : f32 to vector<16xf32>
    %scan3A_428 = arith.constant 0 : i32
    %scan3A_429 = arith.constant 32 : i32
    %scan3A_430 = arith.addi %scan3A_428, %scan3A_429 : i32
    %scan3A_431 = arith.constant 1 : i32
    %scan3A_432 = scf.for %scan3A_544 = %scan3A_428 to %scan3A_430 step %scan3A_431 iter_args(%scan3A_545 = %broadcast_in_dim3A_427) -> (vector<16xf32>)  : i32 {
      %mul3A_546 = arith.constant 16 : i32
      %mul3A_547 = arith.muli %scan3A_544, %mul3A_546 : i32
      %get3A = arith.constant 4 : i32
      %get3A_548 = arith.index_cast %get3A : i32 to index
      %get3A_549 = arith.index_cast %mul3A_547 : i32 to index
      %get3A_550 = tpu.vector_load %arg42[%get3A_548, %get3A_549] {strides = array<i32>} : memref<16x512xf32, #tpu.memory_space<vmem>>, vector<1x16xf32>,
      %get3A_551 = vector.shape_cast %get3A_550 : vector<1x16xf32> to vector<16xf32>
      %mul3A_552 = arith.constant 16 : i32
      %mul3A_553 = arith.muli %scan3A_544, %mul3A_552 : i32
      %get3A_554 = arith.constant 4 : i32
      %get3A_555 = arith.index_cast %get3A_554 : i32 to index
      %get3A_556 = arith.index_cast %mul3A_553 : i32 to index
      %get3A_557 = tpu.vector_load %arg43[%get3A_555, %get3A_556] {strides = array<i32>} : memref<16x512xf32, #tpu.memory_space<vmem>>, vector<1x16xf32>,
      %get3A_558 = vector.shape_cast %get3A_557 : vector<1x16xf32> to vector<16xf32>
      %mul3A_559 = arith.mulf %get3A_551, %get3A_558 : vector<16xf32>
      %add3A_560 = arith.addf %scan3A_545, %mul3A_559 : vector<16xf32>
      scf.yield %add3A_560 : vector<16xf32>
    }
    %scan3A_433 = arith.constant 32 : i32
    %add3A_434 = arith.addf %add3A_425, %scan3A_432 : vector<16xf32>
    %broadcast_in_dim3A_435 = arith.constant 0.000000e+00 : f32
    %broadcast_in_dim3A_436 = vector.broadcast %broadcast_in_dim3A_435 : f32 to vector<16xf32>
    %scan3A_437 = arith.constant 0 : i32
    %scan3A_438 = arith.constant 32 : i32
    %scan3A_439 = arith.addi %scan3A_437, %scan3A_438 : i32
    %scan3A_440 = arith.constant 1 : i32
    %scan3A_441 = scf.for %scan3A_544 = %scan3A_437 to %scan3A_439 step %scan3A_440 iter_args(%scan3A_545 = %broadcast_in_dim3A_436) -> (vector<16xf32>)  : i32 {
      %mul3A_546 = arith.constant 16 : i32
      %mul3A_547 = arith.muli %scan3A_544, %mul3A_546 : i32
      %get3A = arith.constant 5 : i32
      %get3A_548 = arith.index_cast %get3A : i32 to index
      %get3A_549 = arith.index_cast %mul3A_547 : i32 to index
      %get3A_550 = tpu.vector_load %arg42[%get3A_548, %get3A_549] {strides = array<i32>} : memref<16x512xf32, #tpu.memory_space<vmem>>, vector<1x16xf32>,
      %get3A_551 = vector.shape_cast %get3A_550 : vector<1x16xf32> to vector<16xf32>
      %mul3A_552 = arith.constant 16 : i32
      %mul3A_553 = arith.muli %scan3A_544, %mul3A_552 : i32
      %get3A_554 = arith.constant 5 : i32
      %get3A_555 = arith.index_cast %get3A_554 : i32 to index
      %get3A_556 = arith.index_cast %mul3A_553 : i32 to index
      %get3A_557 = tpu.vector_load %arg43[%get3A_555, %get3A_556] {strides = array<i32>} : memref<16x512xf32, #tpu.memory_space<vmem>>, vector<1x16xf32>,
      %get3A_558 = vector.shape_cast %get3A_557 : vector<1x16xf32> to vector<16xf32>
      %mul3A_559 = arith.mulf %get3A_551, %get3A_558 : vector<16xf32>
      %add3A_560 = arith.addf %scan3A_545, %mul3A_559 : vector<16xf32>
      scf.yield %add3A_560 : vector<16xf32>
    }
    %scan3A_442 = arith.constant 32 : i32
    %add3A_443 = arith.addf %add3A_434, %scan3A_441 : vector<16xf32>
    %broadcast_in_dim3A_444 = arith.constant 0.000000e+00 : f32
    %broadcast_in_dim3A_445 = vector.broadcast %broadcast_in_dim3A_444 : f32 to vector<16xf32>
    %scan3A_446 = arith.constant 0 : i32
    %scan3A_447 = arith.constant 32 : i32
    %scan3A_448 = arith.addi %scan3A_446, %scan3A_447 : i32
    %scan3A_449 = arith.constant 1 : i32
    %scan3A_450 = scf.for %scan3A_544 = %scan3A_446 to %scan3A_448 step %scan3A_449 iter_args(%scan3A_545 = %broadcast_in_dim3A_445) -> (vector<16xf32>)  : i32 {
      %mul3A_546 = arith.constant 16 : i32
      %mul3A_547 = arith.muli %scan3A_544, %mul3A_546 : i32
      %get3A = arith.constant 6 : i32
      %get3A_548 = arith.index_cast %get3A : i32 to index
      %get3A_549 = arith.index_cast %mul3A_547 : i32 to index
      %get3A_550 = tpu.vector_load %arg42[%get3A_548, %get3A_549] {strides = array<i32>} : memref<16x512xf32, #tpu.memory_space<vmem>>, vector<1x16xf32>,
      %get3A_551 = vector.shape_cast %get3A_550 : vector<1x16xf32> to vector<16xf32>
      %mul3A_552 = arith.constant 16 : i32
      %mul3A_553 = arith.muli %scan3A_544, %mul3A_552 : i32
      %get3A_554 = arith.constant 6 : i32
      %get3A_555 = arith.index_cast %get3A_554 : i32 to index
      %get3A_556 = arith.index_cast %mul3A_553 : i32 to index
      %get3A_557 = tpu.vector_load %arg43[%get3A_555, %get3A_556] {strides = array<i32>} : memref<16x512xf32, #tpu.memory_space<vmem>>, vector<1x16xf32>,
      %get3A_558 = vector.shape_cast %get3A_557 : vector<1x16xf32> to vector<16xf32>
      %mul3A_559 = arith.mulf %get3A_551, %get3A_558 : vector<16xf32>
      %add3A_560 = arith.addf %scan3A_545, %mul3A_559 : vector<16xf32>
      scf.yield %add3A_560 : vector<16xf32>
    }
    %scan3A_451 = arith.constant 32 : i32
    %add3A_452 = arith.addf %add3A_443, %scan3A_450 : vector<16xf32>
    %broadcast_in_dim3A_453 = arith.constant 0.000000e+00 : f32
    %broadcast_in_dim3A_454 = vector.broadcast %broadcast_in_dim3A_453 : f32 to vector<16xf32>
    %scan3A_455 = arith.constant 0 : i32
    %scan3A_456 = arith.constant 32 : i32
    %scan3A_457 = arith.addi %scan3A_455, %scan3A_456 : i32
    %scan3A_458 = arith.constant 1 : i32
    %scan3A_459 = scf.for %scan3A_544 = %scan3A_455 to %scan3A_457 step %scan3A_458 iter_args(%scan3A_545 = %broadcast_in_dim3A_454) -> (vector<16xf32>)  : i32 {
      %mul3A_546 = arith.constant 16 : i32
      %mul3A_547 = arith.muli %scan3A_544, %mul3A_546 : i32
      %get3A = arith.constant 7 : i32
      %get3A_548 = arith.index_cast %get3A : i32 to index
      %get3A_549 = arith.index_cast %mul3A_547 : i32 to index
      %get3A_550 = tpu.vector_load %arg42[%get3A_548, %get3A_549] {strides = array<i32>} : memref<16x512xf32, #tpu.memory_space<vmem>>, vector<1x16xf32>,
      %get3A_551 = vector.shape_cast %get3A_550 : vector<1x16xf32> to vector<16xf32>
      %mul3A_552 = arith.constant 16 : i32
      %mul3A_553 = arith.muli %scan3A_544, %mul3A_552 : i32
      %get3A_554 = arith.constant 7 : i32
      %get3A_555 = arith.index_cast %get3A_554 : i32 to index
      %get3A_556 = arith.index_cast %mul3A_553 : i32 to index
      %get3A_557 = tpu.vector_load %arg43[%get3A_555, %get3A_556] {strides = array<i32>} : memref<16x512xf32, #tpu.memory_space<vmem>>, vector<1x16xf32>,
      %get3A_558 = vector.shape_cast %get3A_557 : vector<1x16xf32> to vector<16xf32>
      %mul3A_559 = arith.mulf %get3A_551, %get3A_558 : vector<16xf32>
      %add3A_560 = arith.addf %scan3A_545, %mul3A_559 : vector<16xf32>
      scf.yield %add3A_560 : vector<16xf32>
    }
    %scan3A_460 = arith.constant 32 : i32
    %add3A_461 = arith.addf %add3A_452, %scan3A_459 : vector<16xf32>
    %broadcast_in_dim3A_462 = arith.constant 0.000000e+00 : f32
    %broadcast_in_dim3A_463 = vector.broadcast %broadcast_in_dim3A_462 : f32 to vector<16xf32>
    %scan3A_464 = arith.constant 0 : i32
    %scan3A_465 = arith.constant 32 : i32
    %scan3A_466 = arith.addi %scan3A_464, %scan3A_465 : i32
    %scan3A_467 = arith.constant 1 : i32
    %scan3A_468 = scf.for %scan3A_544 = %scan3A_464 to %scan3A_466 step %scan3A_467 iter_args(%scan3A_545 = %broadcast_in_dim3A_463) -> (vector<16xf32>)  : i32 {
      %mul3A_546 = arith.constant 16 : i32
      %mul3A_547 = arith.muli %scan3A_544, %mul3A_546 : i32
      %get3A = arith.constant 8 : i32
      %get3A_548 = arith.index_cast %get3A : i32 to index
      %get3A_549 = arith.index_cast %mul3A_547 : i32 to index
      %get3A_550 = tpu.vector_load %arg42[%get3A_548, %get3A_549] {strides = array<i32>} : memref<16x512xf32, #tpu.memory_space<vmem>>, vector<1x16xf32>,
      %get3A_551 = vector.shape_cast %get3A_550 : vector<1x16xf32> to vector<16xf32>
      %mul3A_552 = arith.constant 16 : i32
      %mul3A_553 = arith.muli %scan3A_544, %mul3A_552 : i32
      %get3A_554 = arith.constant 8 : i32
      %get3A_555 = arith.index_cast %get3A_554 : i32 to index
      %get3A_556 = arith.index_cast %mul3A_553 : i32 to index
      %get3A_557 = tpu.vector_load %arg43[%get3A_555, %get3A_556] {strides = array<i32>} : memref<16x512xf32, #tpu.memory_space<vmem>>, vector<1x16xf32>,
      %get3A_558 = vector.shape_cast %get3A_557 : vector<1x16xf32> to vector<16xf32>
      %mul3A_559 = arith.mulf %get3A_551, %get3A_558 : vector<16xf32>
      %add3A_560 = arith.addf %scan3A_545, %mul3A_559 : vector<16xf32>
      scf.yield %add3A_560 : vector<16xf32>
    }
    %scan3A_469 = arith.constant 32 : i32
    %add3A_470 = arith.addf %add3A_461, %scan3A_468 : vector<16xf32>
    %broadcast_in_dim3A_471 = arith.constant 0.000000e+00 : f32
    %broadcast_in_dim3A_472 = vector.broadcast %broadcast_in_dim3A_471 : f32 to vector<16xf32>
    %scan3A_473 = arith.constant 0 : i32
    %scan3A_474 = arith.constant 32 : i32
    %scan3A_475 = arith.addi %scan3A_473, %scan3A_474 : i32
    %scan3A_476 = arith.constant 1 : i32
    %scan3A_477 = scf.for %scan3A_544 = %scan3A_473 to %scan3A_475 step %scan3A_476 iter_args(%scan3A_545 = %broadcast_in_dim3A_472) -> (vector<16xf32>)  : i32 {
      %mul3A_546 = arith.constant 16 : i32
      %mul3A_547 = arith.muli %scan3A_544, %mul3A_546 : i32
      %get3A = arith.constant 9 : i32
      %get3A_548 = arith.index_cast %get3A : i32 to index
      %get3A_549 = arith.index_cast %mul3A_547 : i32 to index
      %get3A_550 = tpu.vector_load %arg42[%get3A_548, %get3A_549] {strides = array<i32>} : memref<16x512xf32, #tpu.memory_space<vmem>>, vector<1x16xf32>,
      %get3A_551 = vector.shape_cast %get3A_550 : vector<1x16xf32> to vector<16xf32>
      %mul3A_552 = arith.constant 16 : i32
      %mul3A_553 = arith.muli %scan3A_544, %mul3A_552 : i32
      %get3A_554 = arith.constant 9 : i32
      %get3A_555 = arith.index_cast %get3A_554 : i32 to index
      %get3A_556 = arith.index_cast %mul3A_553 : i32 to index
      %get3A_557 = tpu.vector_load %arg43[%get3A_555, %get3A_556] {strides = array<i32>} : memref<16x512xf32, #tpu.memory_space<vmem>>, vector<1x16xf32>,
      %get3A_558 = vector.shape_cast %get3A_557 : vector<1x16xf32> to vector<16xf32>
      %mul3A_559 = arith.mulf %get3A_551, %get3A_558 : vector<16xf32>
      %add3A_560 = arith.addf %scan3A_545, %mul3A_559 : vector<16xf32>
      scf.yield %add3A_560 : vector<16xf32>
    }
    %scan3A_478 = arith.constant 32 : i32
    %add3A_479 = arith.addf %add3A_470, %scan3A_477 : vector<16xf32>
    %broadcast_in_dim3A_480 = arith.constant 0.000000e+00 : f32
    %broadcast_in_dim3A_481 = vector.broadcast %broadcast_in_dim3A_480 : f32 to vector<16xf32>
    %scan3A_482 = arith.constant 0 : i32
    %scan3A_483 = arith.constant 32 : i32
    %scan3A_484 = arith.addi %scan3A_482, %scan3A_483 : i32
    %scan3A_485 = arith.constant 1 : i32
    %scan3A_486 = scf.for %scan3A_544 = %scan3A_482 to %scan3A_484 step %scan3A_485 iter_args(%scan3A_545 = %broadcast_in_dim3A_481) -> (vector<16xf32>)  : i32 {
      %mul3A_546 = arith.constant 16 : i32
      %mul3A_547 = arith.muli %scan3A_544, %mul3A_546 : i32
      %get3A = arith.constant 10 : i32
      %get3A_548 = arith.index_cast %get3A : i32 to index
      %get3A_549 = arith.index_cast %mul3A_547 : i32 to index
      %get3A_550 = tpu.vector_load %arg42[%get3A_548, %get3A_549] {strides = array<i32>} : memref<16x512xf32, #tpu.memory_space<vmem>>, vector<1x16xf32>,
      %get3A_551 = vector.shape_cast %get3A_550 : vector<1x16xf32> to vector<16xf32>
      %mul3A_552 = arith.constant 16 : i32
      %mul3A_553 = arith.muli %scan3A_544, %mul3A_552 : i32
      %get3A_554 = arith.constant 10 : i32
      %get3A_555 = arith.index_cast %get3A_554 : i32 to index
      %get3A_556 = arith.index_cast %mul3A_553 : i32 to index
      %get3A_557 = tpu.vector_load %arg43[%get3A_555, %get3A_556] {strides = array<i32>} : memref<16x512xf32, #tpu.memory_space<vmem>>, vector<1x16xf32>,
      %get3A_558 = vector.shape_cast %get3A_557 : vector<1x16xf32> to vector<16xf32>
      %mul3A_559 = arith.mulf %get3A_551, %get3A_558 : vector<16xf32>
      %add3A_560 = arith.addf %scan3A_545, %mul3A_559 : vector<16xf32>
      scf.yield %add3A_560 : vector<16xf32>
    }
    %scan3A_487 = arith.constant 32 : i32
    %add3A_488 = arith.addf %add3A_479, %scan3A_486 : vector<16xf32>
    %broadcast_in_dim3A_489 = arith.constant 0.000000e+00 : f32
    %broadcast_in_dim3A_490 = vector.broadcast %broadcast_in_dim3A_489 : f32 to vector<16xf32>
    %scan3A_491 = arith.constant 0 : i32
    %scan3A_492 = arith.constant 32 : i32
    %scan3A_493 = arith.addi %scan3A_491, %scan3A_492 : i32
    %scan3A_494 = arith.constant 1 : i32
    %scan3A_495 = scf.for %scan3A_544 = %scan3A_491 to %scan3A_493 step %scan3A_494 iter_args(%scan3A_545 = %broadcast_in_dim3A_490) -> (vector<16xf32>)  : i32 {
      %mul3A_546 = arith.constant 16 : i32
      %mul3A_547 = arith.muli %scan3A_544, %mul3A_546 : i32
      %get3A = arith.constant 11 : i32
      %get3A_548 = arith.index_cast %get3A : i32 to index
      %get3A_549 = arith.index_cast %mul3A_547 : i32 to index
      %get3A_550 = tpu.vector_load %arg42[%get3A_548, %get3A_549] {strides = array<i32>} : memref<16x512xf32, #tpu.memory_space<vmem>>, vector<1x16xf32>,
      %get3A_551 = vector.shape_cast %get3A_550 : vector<1x16xf32> to vector<16xf32>
      %mul3A_552 = arith.constant 16 : i32
      %mul3A_553 = arith.muli %scan3A_544, %mul3A_552 : i32
      %get3A_554 = arith.constant 11 : i32
      %get3A_555 = arith.index_cast %get3A_554 : i32 to index
      %get3A_556 = arith.index_cast %mul3A_553 : i32 to index
      %get3A_557 = tpu.vector_load %arg43[%get3A_555, %get3A_556] {strides = array<i32>} : memref<16x512xf32, #tpu.memory_space<vmem>>, vector<1x16xf32>,
      %get3A_558 = vector.shape_cast %get3A_557 : vector<1x16xf32> to vector<16xf32>
      %mul3A_559 = arith.mulf %get3A_551, %get3A_558 : vector<16xf32>
      %add3A_560 = arith.addf %scan3A_545, %mul3A_559 : vector<16xf32>
      scf.yield %add3A_560 : vector<16xf32>
    }
    %scan3A_496 = arith.constant 32 : i32
    %add3A_497 = arith.addf %add3A_488, %scan3A_495 : vector<16xf32>
    %broadcast_in_dim3A_498 = arith.constant 0.000000e+00 : f32
    %broadcast_in_dim3A_499 = vector.broadcast %broadcast_in_dim3A_498 : f32 to vector<16xf32>
    %scan3A_500 = arith.constant 0 : i32
    %scan3A_501 = arith.constant 32 : i32
    %scan3A_502 = arith.addi %scan3A_500, %scan3A_501 : i32
    %scan3A_503 = arith.constant 1 : i32
    %scan3A_504 = scf.for %scan3A_544 = %scan3A_500 to %scan3A_502 step %scan3A_503 iter_args(%scan3A_545 = %broadcast_in_dim3A_499) -> (vector<16xf32>)  : i32 {
      %mul3A_546 = arith.constant 16 : i32
      %mul3A_547 = arith.muli %scan3A_544, %mul3A_546 : i32
      %get3A = arith.constant 12 : i32
      %get3A_548 = arith.index_cast %get3A : i32 to index
      %get3A_549 = arith.index_cast %mul3A_547 : i32 to index
      %get3A_550 = tpu.vector_load %arg42[%get3A_548, %get3A_549] {strides = array<i32>} : memref<16x512xf32, #tpu.memory_space<vmem>>, vector<1x16xf32>,
      %get3A_551 = vector.shape_cast %get3A_550 : vector<1x16xf32> to vector<16xf32>
      %mul3A_552 = arith.constant 16 : i32
      %mul3A_553 = arith.muli %scan3A_544, %mul3A_552 : i32
      %get3A_554 = arith.constant 12 : i32
      %get3A_555 = arith.index_cast %get3A_554 : i32 to index
      %get3A_556 = arith.index_cast %mul3A_553 : i32 to index
      %get3A_557 = tpu.vector_load %arg43[%get3A_555, %get3A_556] {strides = array<i32>} : memref<16x512xf32, #tpu.memory_space<vmem>>, vector<1x16xf32>,
      %get3A_558 = vector.shape_cast %get3A_557 : vector<1x16xf32> to vector<16xf32>
      %mul3A_559 = arith.mulf %get3A_551, %get3A_558 : vector<16xf32>
      %add3A_560 = arith.addf %scan3A_545, %mul3A_559 : vector<16xf32>
      scf.yield %add3A_560 : vector<16xf32>
    }
    %scan3A_505 = arith.constant 32 : i32
    %add3A_506 = arith.addf %add3A_497, %scan3A_504 : vector<16xf32>
    %broadcast_in_dim3A_507 = arith.constant 0.000000e+00 : f32
    %broadcast_in_dim3A_508 = vector.broadcast %broadcast_in_dim3A_507 : f32 to vector<16xf32>
    %scan3A_509 = arith.constant 0 : i32
    %scan3A_510 = arith.constant 32 : i32
    %scan3A_511 = arith.addi %scan3A_509, %scan3A_510 : i32
    %scan3A_512 = arith.constant 1 : i32
    %scan3A_513 = scf.for %scan3A_544 = %scan3A_509 to %scan3A_511 step %scan3A_512 iter_args(%scan3A_545 = %broadcast_in_dim3A_508) -> (vector<16xf32>)  : i32 {
      %mul3A_546 = arith.constant 16 : i32
      %mul3A_547 = arith.muli %scan3A_544, %mul3A_546 : i32
      %get3A = arith.constant 13 : i32
      %get3A_548 = arith.index_cast %get3A : i32 to index
      %get3A_549 = arith.index_cast %mul3A_547 : i32 to index
      %get3A_550 = tpu.vector_load %arg42[%get3A_548, %get3A_549] {strides = array<i32>} : memref<16x512xf32, #tpu.memory_space<vmem>>, vector<1x16xf32>,
      %get3A_551 = vector.shape_cast %get3A_550 : vector<1x16xf32> to vector<16xf32>
      %mul3A_552 = arith.constant 16 : i32
      %mul3A_553 = arith.muli %scan3A_544, %mul3A_552 : i32
      %get3A_554 = arith.constant 13 : i32
      %get3A_555 = arith.index_cast %get3A_554 : i32 to index
      %get3A_556 = arith.index_cast %mul3A_553 : i32 to index
      %get3A_557 = tpu.vector_load %arg43[%get3A_555, %get3A_556] {strides = array<i32>} : memref<16x512xf32, #tpu.memory_space<vmem>>, vector<1x16xf32>,
      %get3A_558 = vector.shape_cast %get3A_557 : vector<1x16xf32> to vector<16xf32>
      %mul3A_559 = arith.mulf %get3A_551, %get3A_558 : vector<16xf32>
      %add3A_560 = arith.addf %scan3A_545, %mul3A_559 : vector<16xf32>
      scf.yield %add3A_560 : vector<16xf32>
    }
    %scan3A_514 = arith.constant 32 : i32
    %add3A_515 = arith.addf %add3A_506, %scan3A_513 : vector<16xf32>
    %broadcast_in_dim3A_516 = arith.constant 0.000000e+00 : f32
    %broadcast_in_dim3A_517 = vector.broadcast %broadcast_in_dim3A_516 : f32 to vector<16xf32>
    %scan3A_518 = arith.constant 0 : i32
    %scan3A_519 = arith.constant 32 : i32
    %scan3A_520 = arith.addi %scan3A_518, %scan3A_519 : i32
    %scan3A_521 = arith.constant 1 : i32
    %scan3A_522 = scf.for %scan3A_544 = %scan3A_518 to %scan3A_520 step %scan3A_521 iter_args(%scan3A_545 = %broadcast_in_dim3A_517) -> (vector<16xf32>)  : i32 {
      %mul3A_546 = arith.constant 16 : i32
      %mul3A_547 = arith.muli %scan3A_544, %mul3A_546 : i32
      %get3A = arith.constant 14 : i32
      %get3A_548 = arith.index_cast %get3A : i32 to index
      %get3A_549 = arith.index_cast %mul3A_547 : i32 to index
      %get3A_550 = tpu.vector_load %arg42[%get3A_548, %get3A_549] {strides = array<i32>} : memref<16x512xf32, #tpu.memory_space<vmem>>, vector<1x16xf32>,
      %get3A_551 = vector.shape_cast %get3A_550 : vector<1x16xf32> to vector<16xf32>
      %mul3A_552 = arith.constant 16 : i32
      %mul3A_553 = arith.muli %scan3A_544, %mul3A_552 : i32
      %get3A_554 = arith.constant 14 : i32
      %get3A_555 = arith.index_cast %get3A_554 : i32 to index
      %get3A_556 = arith.index_cast %mul3A_553 : i32 to index
      %get3A_557 = tpu.vector_load %arg43[%get3A_555, %get3A_556] {strides = array<i32>} : memref<16x512xf32, #tpu.memory_space<vmem>>, vector<1x16xf32>,
      %get3A_558 = vector.shape_cast %get3A_557 : vector<1x16xf32> to vector<16xf32>
      %mul3A_559 = arith.mulf %get3A_551, %get3A_558 : vector<16xf32>
      %add3A_560 = arith.addf %scan3A_545, %mul3A_559 : vector<16xf32>
      scf.yield %add3A_560 : vector<16xf32>
    }
    %scan3A_523 = arith.constant 32 : i32
    %add3A_524 = arith.addf %add3A_515, %scan3A_522 : vector<16xf32>
    %broadcast_in_dim3A_525 = arith.constant 0.000000e+00 : f32
    %broadcast_in_dim3A_526 = vector.broadcast %broadcast_in_dim3A_525 : f32 to vector<16xf32>
    %scan3A_527 = arith.constant 0 : i32
    %scan3A_528 = arith.constant 32 : i32
    %scan3A_529 = arith.addi %scan3A_527, %scan3A_528 : i32
    %scan3A_530 = arith.constant 1 : i32
    %scan3A_531 = scf.for %scan3A_544 = %scan3A_527 to %scan3A_529 step %scan3A_530 iter_args(%scan3A_545 = %broadcast_in_dim3A_526) -> (vector<16xf32>)  : i32 {
      %mul3A_546 = arith.constant 16 : i32
      %mul3A_547 = arith.muli %scan3A_544, %mul3A_546 : i32
      %get3A = arith.constant 15 : i32
      %get3A_548 = arith.index_cast %get3A : i32 to index
      %get3A_549 = arith.index_cast %mul3A_547 : i32 to index
      %get3A_550 = tpu.vector_load %arg42[%get3A_548, %get3A_549] {strides = array<i32>} : memref<16x512xf32, #tpu.memory_space<vmem>>, vector<1x16xf32>,
      %get3A_551 = vector.shape_cast %get3A_550 : vector<1x16xf32> to vector<16xf32>
      %mul3A_552 = arith.constant 16 : i32
      %mul3A_553 = arith.muli %scan3A_544, %mul3A_552 : i32
      %get3A_554 = arith.constant 15 : i32
      %get3A_555 = arith.index_cast %get3A_554 : i32 to index
      %get3A_556 = arith.index_cast %mul3A_553 : i32 to index
      %get3A_557 = tpu.vector_load %arg43[%get3A_555, %get3A_556] {strides = array<i32>} : memref<16x512xf32, #tpu.memory_space<vmem>>, vector<1x16xf32>,
      %get3A_558 = vector.shape_cast %get3A_557 : vector<1x16xf32> to vector<16xf32>
      %mul3A_559 = arith.mulf %get3A_551, %get3A_558 : vector<16xf32>
      %add3A_560 = arith.addf %scan3A_545, %mul3A_559 : vector<16xf32>
      scf.yield %add3A_560 : vector<16xf32>
    }
    %scan3A_532 = arith.constant 32 : i32
    %add3A_533 = arith.addf %add3A_524, %scan3A_531 : vector<16xf32>
    %swap3A = arith.constant 0 : index
    %swap3A_534 = tpu.vector_load %arg47[%swap3A] {strides = array<i32>} : memref<16xf32, #tpu.memory_space<vmem>>, vector<16xf32>,
    %swap3A_535 = vector.shape_cast %swap3A_534 : vector<16xf32> to vector<16xf32>
    %swap3A_536 = vector.shape_cast %add3A_533 : vector<16xf32> to vector<16xf32>
    tpu.vector_store %arg47[%swap3A], %swap3A_536 {strides = array<i32>} : memref<16xf32, #tpu.memory_space<vmem>>, vector<16xf32>,
    "tpu.region"() ({
      %run_scoped3A = tpu.sem_alloc : memref<!tpu.dma_semaphore, #tpu.memory_space<semaphore_mem>>
      %dma_start3A_544 = arith.constant 0 : i32
      %dma_start3A_545 = tpu.memref_slice %arg38[%add3A, %dma_start3A_544] : memref<32x16xf32, #tpu.memory_space<hbm>> -> memref<1x16xf32, #tpu.memory_space<hbm>>
      %dma_start3A_546 = tpu.memref_squeeze %dma_start3A_545 : memref<1x16xf32, #tpu.memory_space<hbm>> -> memref<16xf32, #tpu.memory_space<hbm>>
      %dma_start3A_547 = arith.constant 0 : i32
      %dma_start3A_548 = tpu.memref_slice %arg38[%add3A, %dma_start3A_547] : memref<32x16xf32, #tpu.memory_space<hbm>> -> memref<1x16xf32, #tpu.memory_space<hbm>>
      %dma_start3A_549 = tpu.memref_squeeze %dma_start3A_548 : memref<1x16xf32, #tpu.memory_space<hbm>> -> memref<16xf32, #tpu.memory_space<hbm>>
      tpu.enqueue_dma source(%arg47 : memref<16xf32, #tpu.memory_space<vmem>>) target(%dma_start3A_549 : memref<16xf32, #tpu.memory_space<hbm>>) target_semaphore(%run_scoped3A : memref<!tpu.dma_semaphore, #tpu.memory_space<semaphore_mem>>)
      %dma_wait3A_550 = arith.constant 0 : i32
      %dma_wait3A_551 = tpu.memref_slice %arg38[%add3A, %dma_wait3A_550] : memref<32x16xf32, #tpu.memory_space<hbm>> -> memref<1x16xf32, #tpu.memory_space<hbm>>
      %dma_wait3A_552 = tpu.memref_squeeze %dma_wait3A_551 : memref<1x16xf32, #tpu.memory_space<hbm>> -> memref<16xf32, #tpu.memory_space<hbm>>
      %dma_wait3A_553 = arith.constant 0 : i32
      %dma_wait3A_554 = tpu.memref_slice %arg38[%add3A, %dma_wait3A_553] : memref<32x16xf32, #tpu.memory_space<hbm>> -> memref<1x16xf32, #tpu.memory_space<hbm>>
      %dma_wait3A_555 = tpu.memref_squeeze %dma_wait3A_554 : memref<1x16xf32, #tpu.memory_space<hbm>> -> memref<16xf32, #tpu.memory_space<hbm>>
      tpu.wait_dma2 semaphore(%run_scoped3A : memref<!tpu.dma_semaphore, #tpu.memory_space<semaphore_mem>>) src(%arg47 : memref<16xf32, #tpu.memory_space<vmem>>) dst(%dma_wait3A_555 : memref<16xf32, #tpu.memory_space<hbm>>)
      tpu.yield
    }) : () -> ()
    %scan3A_537 = arith.constant 0 : i32
    %scan3A_538 = arith.constant 0 : i32
    %scan3A_539 = arith.constant 32 : i32
    %scan3A_540 = arith.addi %scan3A_538, %scan3A_539 : i32
    %scan3A_541 = arith.constant 1 : i32
    %scan3A_542 = scf.for %scan3A_544 = %scan3A_538 to %scan3A_540 step %scan3A_541 iter_args(%scan3A_545 = %scan3A_537) -> (i32)  : i32 {
      %mul3A_546 = arith.constant 16 : i32
      %mul3A_547 = arith.muli %scan3A_544, %mul3A_546 : i32
      %get3A = arith.index_cast %mul3A_547 : i32 to index
      %get3A_548 = tpu.vector_load %arg44[%get3A] {strides = array<i32>} : memref<512xf32, #tpu.memory_space<vmem>>, vector<16xf32>,
      %get3A_549 = vector.shape_cast %get3A_548 : vector<16xf32> to vector<16xf32>
      %mul3A_550 = arith.constant 16 : i32
      %mul3A_551 = arith.muli %scan3A_544, %mul3A_550 : i32
      %get3A_552 = arith.index_cast %mul3A_551 : i32 to index
      %get3A_553 = tpu.vector_load %arg45[%get3A_552] {strides = array<i32>} : memref<512xf32, #tpu.memory_space<vmem>>, vector<16xf32>,
      %get3A_554 = vector.shape_cast %get3A_553 : vector<16xf32> to vector<16xf32>
      %add3A_555 = arith.addf %get3A_549, %get3A_554 : vector<16xf32>
      %mul3A_556 = arith.constant 16 : i32
      %mul3A_557 = arith.muli %scan3A_544, %mul3A_556 : i32
      %swap3A_558 = arith.index_cast %mul3A_557 : i32 to index
      %swap3A_559 = tpu.vector_load %arg46[%swap3A_558] {strides = array<i32>} : memref<512xf32, #tpu.memory_space<vmem>>, vector<16xf32>,
      %swap3A_560 = vector.shape_cast %swap3A_559 : vector<16xf32> to vector<16xf32>
      %swap3A_561 = vector.shape_cast %add3A_555 : vector<16xf32> to vector<16xf32>
      tpu.vector_store %arg46[%swap3A_558], %swap3A_561 {strides = array<i32>} : memref<512xf32, #tpu.memory_space<vmem>>, vector<16xf32>,
      %scan3A_562 = arith.constant 0 : i32
      scf.yield %scan3A_562 : i32
    }
    %scan3A_543 = arith.constant 32 : i32
    "tpu.region"() ({
      %run_scoped3A = tpu.sem_alloc : memref<!tpu.dma_semaphore, #tpu.memory_space<semaphore_mem>>
      %dma_start3A_544 = tpu.memref_slice %arg39[%mul3A_2] : memref<16384xf32, #tpu.memory_space<hbm>> -> memref<512xf32, #tpu.memory_space<hbm>>
      %dma_start3A_545 = tpu.memref_slice %arg39[%mul3A_2] : memref<16384xf32, #tpu.memory_space<hbm>> -> memref<512xf32, #tpu.memory_space<hbm>>
      tpu.enqueue_dma source(%arg46 : memref<512xf32, #tpu.memory_space<vmem>>) target(%dma_start3A_545 : memref<512xf32, #tpu.memory_space<hbm>>) target_semaphore(%run_scoped3A : memref<!tpu.dma_semaphore, #tpu.memory_space<semaphore_mem>>)
      %dma_wait3A_546 = tpu.memref_slice %arg39[%mul3A_2] : memref<16384xf32, #tpu.memory_space<hbm>> -> memref<512xf32, #tpu.memory_space<hbm>>
      %dma_wait3A_547 = tpu.memref_slice %arg39[%mul3A_2] : memref<16384xf32, #tpu.memory_space<hbm>> -> memref<512xf32, #tpu.memory_space<hbm>>
      tpu.wait_dma2 semaphore(%run_scoped3A : memref<!tpu.dma_semaphore, #tpu.memory_space<semaphore_mem>>) src(%arg46 : memref<512xf32, #tpu.memory_space<vmem>>) dst(%dma_wait3A_547 : memref<512xf32, #tpu.memory_space<hbm>>)
      tpu.yield
    }) : () -> ()
    return
  }
}

module attributes {stable_mosaic.version = 14 : i64} {
  func.func @_split_body(%arg0: i32, %arg1: memref<8x1000000xf32, #tpu.memory_space<vmem>>, %arg2: memref<1000000xf32, #tpu.memory_space<hbm>>, %arg3: memref<1000000xf32, #tpu.memory_space<hbm>>, %arg4: memref<1000000xf32, #tpu.memory_space<hbm>>, %arg5: memref<1000000xf32, #tpu.memory_space<hbm>>, %arg6: memref<1000000xf32, #tpu.memory_space<hbm>>, %arg7: memref<1000000xf32, #tpu.memory_space<hbm>>, %arg8: memref<1000000xf32, #tpu.memory_space<hbm>>, %arg9: memref<1000000xf32, #tpu.memory_space<hbm>>, %arg10: memref<1000000xf32, #tpu.memory_space<hbm>>, %arg11: memref<1000000xf32, #tpu.memory_space<hbm>>, %arg12: memref<1000000xf32, #tpu.memory_space<hbm>>, %arg13: memref<1000000xf32, #tpu.memory_space<hbm>>, %arg14: memref<1000000xf32, #tpu.memory_space<hbm>>, %arg15: memref<1000000xf32, #tpu.memory_space<hbm>>, %arg16: memref<1000000xf32, #tpu.memory_space<hbm>>, %arg17: memref<1000000xf32, #tpu.memory_space<hbm>>, %arg18: memref<!tpu.dma_semaphore, #tpu.memory_space<semaphore_mem>>) attributes {dimension_semantics = [#tpu.dimension_semantics<arbitrary>], iteration_bounds = array<i64: 2>, scalar_prefetch = 0 : i64, scratch_operands = 1 : i64, tpu.core_type = #tpu.core_type<tc>, window_params = [{transform_indices = @transform_0, window_bounds = array<i64: 8, 1000000>}, {}, {}, {}, {}, {}, {}, {}, {}, {}, {}, {}, {}, {}, {}, {}, {}]} {
    %eq3A = arith.constant 0 : i32
    %eq3A_0 = arith.cmpi eq, %arg0, %eq3A : i32
    %convert_element_type3A = arith.extui %eq3A_0 : i1 to i32
    %cond3A = arith.constant 0 : i32
    %cond3A_1 = arith.cmpi ne, %convert_element_type3A, %cond3A : i32
    scf.if %cond3A_1 {
      %dma_start3A = arith.constant 0 : i32
      %dma_start3A_7 = arith.constant 0 : i32
      %dma_start3A_8 = tpu.memref_slice %arg1[%dma_start3A, %dma_start3A_7] : memref<8x1000000xf32, #tpu.memory_space<vmem>> -> memref<1x1000000xf32, #tpu.memory_space<vmem>>
      %dma_start3A_9 = tpu.memref_squeeze %dma_start3A_8 : memref<1x1000000xf32, #tpu.memory_space<vmem>> -> memref<1000000xf32, #tpu.memory_space<vmem>>
      tpu.enqueue_dma source(%dma_start3A_9 : memref<1000000xf32, #tpu.memory_space<vmem>>) target(%arg2 : memref<1000000xf32, #tpu.memory_space<hbm>>) target_semaphore(%arg18 : memref<!tpu.dma_semaphore, #tpu.memory_space<semaphore_mem>>)
      %dma_start3A_10 = arith.constant 1 : i32
      %dma_start3A_11 = arith.constant 0 : i32
      %dma_start3A_12 = tpu.memref_slice %arg1[%dma_start3A_10, %dma_start3A_11] : memref<8x1000000xf32, #tpu.memory_space<vmem>> -> memref<1x1000000xf32, #tpu.memory_space<vmem>>
      %dma_start3A_13 = tpu.memref_squeeze %dma_start3A_12 : memref<1x1000000xf32, #tpu.memory_space<vmem>> -> memref<1000000xf32, #tpu.memory_space<vmem>>
      tpu.enqueue_dma source(%dma_start3A_13 : memref<1000000xf32, #tpu.memory_space<vmem>>) target(%arg3 : memref<1000000xf32, #tpu.memory_space<hbm>>) target_semaphore(%arg18 : memref<!tpu.dma_semaphore, #tpu.memory_space<semaphore_mem>>)
      %dma_start3A_14 = arith.constant 2 : i32
      %dma_start3A_15 = arith.constant 0 : i32
      %dma_start3A_16 = tpu.memref_slice %arg1[%dma_start3A_14, %dma_start3A_15] : memref<8x1000000xf32, #tpu.memory_space<vmem>> -> memref<1x1000000xf32, #tpu.memory_space<vmem>>
      %dma_start3A_17 = tpu.memref_squeeze %dma_start3A_16 : memref<1x1000000xf32, #tpu.memory_space<vmem>> -> memref<1000000xf32, #tpu.memory_space<vmem>>
      tpu.enqueue_dma source(%dma_start3A_17 : memref<1000000xf32, #tpu.memory_space<vmem>>) target(%arg4 : memref<1000000xf32, #tpu.memory_space<hbm>>) target_semaphore(%arg18 : memref<!tpu.dma_semaphore, #tpu.memory_space<semaphore_mem>>)
      %dma_start3A_18 = arith.constant 3 : i32
      %dma_start3A_19 = arith.constant 0 : i32
      %dma_start3A_20 = tpu.memref_slice %arg1[%dma_start3A_18, %dma_start3A_19] : memref<8x1000000xf32, #tpu.memory_space<vmem>> -> memref<1x1000000xf32, #tpu.memory_space<vmem>>
      %dma_start3A_21 = tpu.memref_squeeze %dma_start3A_20 : memref<1x1000000xf32, #tpu.memory_space<vmem>> -> memref<1000000xf32, #tpu.memory_space<vmem>>
      tpu.enqueue_dma source(%dma_start3A_21 : memref<1000000xf32, #tpu.memory_space<vmem>>) target(%arg5 : memref<1000000xf32, #tpu.memory_space<hbm>>) target_semaphore(%arg18 : memref<!tpu.dma_semaphore, #tpu.memory_space<semaphore_mem>>)
      %dma_start3A_22 = arith.constant 4 : i32
      %dma_start3A_23 = arith.constant 0 : i32
      %dma_start3A_24 = tpu.memref_slice %arg1[%dma_start3A_22, %dma_start3A_23] : memref<8x1000000xf32, #tpu.memory_space<vmem>> -> memref<1x1000000xf32, #tpu.memory_space<vmem>>
      %dma_start3A_25 = tpu.memref_squeeze %dma_start3A_24 : memref<1x1000000xf32, #tpu.memory_space<vmem>> -> memref<1000000xf32, #tpu.memory_space<vmem>>
      tpu.enqueue_dma source(%dma_start3A_25 : memref<1000000xf32, #tpu.memory_space<vmem>>) target(%arg6 : memref<1000000xf32, #tpu.memory_space<hbm>>) target_semaphore(%arg18 : memref<!tpu.dma_semaphore, #tpu.memory_space<semaphore_mem>>)
      %dma_start3A_26 = arith.constant 5 : i32
      %dma_start3A_27 = arith.constant 0 : i32
      %dma_start3A_28 = tpu.memref_slice %arg1[%dma_start3A_26, %dma_start3A_27] : memref<8x1000000xf32, #tpu.memory_space<vmem>> -> memref<1x1000000xf32, #tpu.memory_space<vmem>>
      %dma_start3A_29 = tpu.memref_squeeze %dma_start3A_28 : memref<1x1000000xf32, #tpu.memory_space<vmem>> -> memref<1000000xf32, #tpu.memory_space<vmem>>
      tpu.enqueue_dma source(%dma_start3A_29 : memref<1000000xf32, #tpu.memory_space<vmem>>) target(%arg7 : memref<1000000xf32, #tpu.memory_space<hbm>>) target_semaphore(%arg18 : memref<!tpu.dma_semaphore, #tpu.memory_space<semaphore_mem>>)
      %dma_start3A_30 = arith.constant 6 : i32
      %dma_start3A_31 = arith.constant 0 : i32
      %dma_start3A_32 = tpu.memref_slice %arg1[%dma_start3A_30, %dma_start3A_31] : memref<8x1000000xf32, #tpu.memory_space<vmem>> -> memref<1x1000000xf32, #tpu.memory_space<vmem>>
      %dma_start3A_33 = tpu.memref_squeeze %dma_start3A_32 : memref<1x1000000xf32, #tpu.memory_space<vmem>> -> memref<1000000xf32, #tpu.memory_space<vmem>>
      tpu.enqueue_dma source(%dma_start3A_33 : memref<1000000xf32, #tpu.memory_space<vmem>>) target(%arg8 : memref<1000000xf32, #tpu.memory_space<hbm>>) target_semaphore(%arg18 : memref<!tpu.dma_semaphore, #tpu.memory_space<semaphore_mem>>)
      %dma_start3A_34 = arith.constant 7 : i32
      %dma_start3A_35 = arith.constant 0 : i32
      %dma_start3A_36 = tpu.memref_slice %arg1[%dma_start3A_34, %dma_start3A_35] : memref<8x1000000xf32, #tpu.memory_space<vmem>> -> memref<1x1000000xf32, #tpu.memory_space<vmem>>
      %dma_start3A_37 = tpu.memref_squeeze %dma_start3A_36 : memref<1x1000000xf32, #tpu.memory_space<vmem>> -> memref<1000000xf32, #tpu.memory_space<vmem>>
      tpu.enqueue_dma source(%dma_start3A_37 : memref<1000000xf32, #tpu.memory_space<vmem>>) target(%arg9 : memref<1000000xf32, #tpu.memory_space<hbm>>) target_semaphore(%arg18 : memref<!tpu.dma_semaphore, #tpu.memory_space<semaphore_mem>>)
      %dma_wait3A = arith.constant 0 : i32
      %dma_wait3A_38 = arith.constant 0 : i32
      %dma_wait3A_39 = tpu.memref_slice %arg1[%dma_wait3A, %dma_wait3A_38] : memref<8x1000000xf32, #tpu.memory_space<vmem>> -> memref<1x1000000xf32, #tpu.memory_space<vmem>>
      %dma_wait3A_40 = tpu.memref_squeeze %dma_wait3A_39 : memref<1x1000000xf32, #tpu.memory_space<vmem>> -> memref<1000000xf32, #tpu.memory_space<vmem>>
      tpu.wait_dma2 semaphore(%arg18 : memref<!tpu.dma_semaphore, #tpu.memory_space<semaphore_mem>>) src(%dma_wait3A_40 : memref<1000000xf32, #tpu.memory_space<vmem>>) dst(%arg2 : memref<1000000xf32, #tpu.memory_space<hbm>>)
      %dma_wait3A_41 = arith.constant 1 : i32
      %dma_wait3A_42 = arith.constant 0 : i32
      %dma_wait3A_43 = tpu.memref_slice %arg1[%dma_wait3A_41, %dma_wait3A_42] : memref<8x1000000xf32, #tpu.memory_space<vmem>> -> memref<1x1000000xf32, #tpu.memory_space<vmem>>
      %dma_wait3A_44 = tpu.memref_squeeze %dma_wait3A_43 : memref<1x1000000xf32, #tpu.memory_space<vmem>> -> memref<1000000xf32, #tpu.memory_space<vmem>>
      tpu.wait_dma2 semaphore(%arg18 : memref<!tpu.dma_semaphore, #tpu.memory_space<semaphore_mem>>) src(%dma_wait3A_44 : memref<1000000xf32, #tpu.memory_space<vmem>>) dst(%arg3 : memref<1000000xf32, #tpu.memory_space<hbm>>)
      %dma_wait3A_45 = arith.constant 2 : i32
      %dma_wait3A_46 = arith.constant 0 : i32
      %dma_wait3A_47 = tpu.memref_slice %arg1[%dma_wait3A_45, %dma_wait3A_46] : memref<8x1000000xf32, #tpu.memory_space<vmem>> -> memref<1x1000000xf32, #tpu.memory_space<vmem>>
      %dma_wait3A_48 = tpu.memref_squeeze %dma_wait3A_47 : memref<1x1000000xf32, #tpu.memory_space<vmem>> -> memref<1000000xf32, #tpu.memory_space<vmem>>
      tpu.wait_dma2 semaphore(%arg18 : memref<!tpu.dma_semaphore, #tpu.memory_space<semaphore_mem>>) src(%dma_wait3A_48 : memref<1000000xf32, #tpu.memory_space<vmem>>) dst(%arg4 : memref<1000000xf32, #tpu.memory_space<hbm>>)
      %dma_wait3A_49 = arith.constant 3 : i32
      %dma_wait3A_50 = arith.constant 0 : i32
      %dma_wait3A_51 = tpu.memref_slice %arg1[%dma_wait3A_49, %dma_wait3A_50] : memref<8x1000000xf32, #tpu.memory_space<vmem>> -> memref<1x1000000xf32, #tpu.memory_space<vmem>>
      %dma_wait3A_52 = tpu.memref_squeeze %dma_wait3A_51 : memref<1x1000000xf32, #tpu.memory_space<vmem>> -> memref<1000000xf32, #tpu.memory_space<vmem>>
      tpu.wait_dma2 semaphore(%arg18 : memref<!tpu.dma_semaphore, #tpu.memory_space<semaphore_mem>>) src(%dma_wait3A_52 : memref<1000000xf32, #tpu.memory_space<vmem>>) dst(%arg5 : memref<1000000xf32, #tpu.memory_space<hbm>>)
      %dma_wait3A_53 = arith.constant 4 : i32
      %dma_wait3A_54 = arith.constant 0 : i32
      %dma_wait3A_55 = tpu.memref_slice %arg1[%dma_wait3A_53, %dma_wait3A_54] : memref<8x1000000xf32, #tpu.memory_space<vmem>> -> memref<1x1000000xf32, #tpu.memory_space<vmem>>
      %dma_wait3A_56 = tpu.memref_squeeze %dma_wait3A_55 : memref<1x1000000xf32, #tpu.memory_space<vmem>> -> memref<1000000xf32, #tpu.memory_space<vmem>>
      tpu.wait_dma2 semaphore(%arg18 : memref<!tpu.dma_semaphore, #tpu.memory_space<semaphore_mem>>) src(%dma_wait3A_56 : memref<1000000xf32, #tpu.memory_space<vmem>>) dst(%arg6 : memref<1000000xf32, #tpu.memory_space<hbm>>)
      %dma_wait3A_57 = arith.constant 5 : i32
      %dma_wait3A_58 = arith.constant 0 : i32
      %dma_wait3A_59 = tpu.memref_slice %arg1[%dma_wait3A_57, %dma_wait3A_58] : memref<8x1000000xf32, #tpu.memory_space<vmem>> -> memref<1x1000000xf32, #tpu.memory_space<vmem>>
      %dma_wait3A_60 = tpu.memref_squeeze %dma_wait3A_59 : memref<1x1000000xf32, #tpu.memory_space<vmem>> -> memref<1000000xf32, #tpu.memory_space<vmem>>
      tpu.wait_dma2 semaphore(%arg18 : memref<!tpu.dma_semaphore, #tpu.memory_space<semaphore_mem>>) src(%dma_wait3A_60 : memref<1000000xf32, #tpu.memory_space<vmem>>) dst(%arg7 : memref<1000000xf32, #tpu.memory_space<hbm>>)
      %dma_wait3A_61 = arith.constant 6 : i32
      %dma_wait3A_62 = arith.constant 0 : i32
      %dma_wait3A_63 = tpu.memref_slice %arg1[%dma_wait3A_61, %dma_wait3A_62] : memref<8x1000000xf32, #tpu.memory_space<vmem>> -> memref<1x1000000xf32, #tpu.memory_space<vmem>>
      %dma_wait3A_64 = tpu.memref_squeeze %dma_wait3A_63 : memref<1x1000000xf32, #tpu.memory_space<vmem>> -> memref<1000000xf32, #tpu.memory_space<vmem>>
      tpu.wait_dma2 semaphore(%arg18 : memref<!tpu.dma_semaphore, #tpu.memory_space<semaphore_mem>>) src(%dma_wait3A_64 : memref<1000000xf32, #tpu.memory_space<vmem>>) dst(%arg8 : memref<1000000xf32, #tpu.memory_space<hbm>>)
      %dma_wait3A_65 = arith.constant 7 : i32
      %dma_wait3A_66 = arith.constant 0 : i32
      %dma_wait3A_67 = tpu.memref_slice %arg1[%dma_wait3A_65, %dma_wait3A_66] : memref<8x1000000xf32, #tpu.memory_space<vmem>> -> memref<1x1000000xf32, #tpu.memory_space<vmem>>
      %dma_wait3A_68 = tpu.memref_squeeze %dma_wait3A_67 : memref<1x1000000xf32, #tpu.memory_space<vmem>> -> memref<1000000xf32, #tpu.memory_space<vmem>>
      tpu.wait_dma2 semaphore(%arg18 : memref<!tpu.dma_semaphore, #tpu.memory_space<semaphore_mem>>) src(%dma_wait3A_68 : memref<1000000xf32, #tpu.memory_space<vmem>>) dst(%arg9 : memref<1000000xf32, #tpu.memory_space<hbm>>)
    } else {
    }
    %eq3A_2 = arith.constant 1 : i32
    %eq3A_3 = arith.cmpi eq, %arg0, %eq3A_2 : i32
    %convert_element_type3A_4 = arith.extui %eq3A_3 : i1 to i32
    %cond3A_5 = arith.constant 0 : i32
    %cond3A_6 = arith.cmpi ne, %convert_element_type3A_4, %cond3A_5 : i32
    scf.if %cond3A_6 {
      %dma_start3A = arith.constant 0 : i32
      %dma_start3A_7 = arith.constant 0 : i32
      %dma_start3A_8 = tpu.memref_slice %arg1[%dma_start3A, %dma_start3A_7] : memref<8x1000000xf32, #tpu.memory_space<vmem>> -> memref<1x1000000xf32, #tpu.memory_space<vmem>>
      %dma_start3A_9 = tpu.memref_squeeze %dma_start3A_8 : memref<1x1000000xf32, #tpu.memory_space<vmem>> -> memref<1000000xf32, #tpu.memory_space<vmem>>
      tpu.enqueue_dma source(%dma_start3A_9 : memref<1000000xf32, #tpu.memory_space<vmem>>) target(%arg10 : memref<1000000xf32, #tpu.memory_space<hbm>>) target_semaphore(%arg18 : memref<!tpu.dma_semaphore, #tpu.memory_space<semaphore_mem>>)
      %dma_start3A_10 = arith.constant 1 : i32
      %dma_start3A_11 = arith.constant 0 : i32
      %dma_start3A_12 = tpu.memref_slice %arg1[%dma_start3A_10, %dma_start3A_11] : memref<8x1000000xf32, #tpu.memory_space<vmem>> -> memref<1x1000000xf32, #tpu.memory_space<vmem>>
      %dma_start3A_13 = tpu.memref_squeeze %dma_start3A_12 : memref<1x1000000xf32, #tpu.memory_space<vmem>> -> memref<1000000xf32, #tpu.memory_space<vmem>>
      tpu.enqueue_dma source(%dma_start3A_13 : memref<1000000xf32, #tpu.memory_space<vmem>>) target(%arg11 : memref<1000000xf32, #tpu.memory_space<hbm>>) target_semaphore(%arg18 : memref<!tpu.dma_semaphore, #tpu.memory_space<semaphore_mem>>)
      %dma_start3A_14 = arith.constant 2 : i32
      %dma_start3A_15 = arith.constant 0 : i32
      %dma_start3A_16 = tpu.memref_slice %arg1[%dma_start3A_14, %dma_start3A_15] : memref<8x1000000xf32, #tpu.memory_space<vmem>> -> memref<1x1000000xf32, #tpu.memory_space<vmem>>
      %dma_start3A_17 = tpu.memref_squeeze %dma_start3A_16 : memref<1x1000000xf32, #tpu.memory_space<vmem>> -> memref<1000000xf32, #tpu.memory_space<vmem>>
      tpu.enqueue_dma source(%dma_start3A_17 : memref<1000000xf32, #tpu.memory_space<vmem>>) target(%arg12 : memref<1000000xf32, #tpu.memory_space<hbm>>) target_semaphore(%arg18 : memref<!tpu.dma_semaphore, #tpu.memory_space<semaphore_mem>>)
      %dma_start3A_18 = arith.constant 3 : i32
      %dma_start3A_19 = arith.constant 0 : i32
      %dma_start3A_20 = tpu.memref_slice %arg1[%dma_start3A_18, %dma_start3A_19] : memref<8x1000000xf32, #tpu.memory_space<vmem>> -> memref<1x1000000xf32, #tpu.memory_space<vmem>>
      %dma_start3A_21 = tpu.memref_squeeze %dma_start3A_20 : memref<1x1000000xf32, #tpu.memory_space<vmem>> -> memref<1000000xf32, #tpu.memory_space<vmem>>
      tpu.enqueue_dma source(%dma_start3A_21 : memref<1000000xf32, #tpu.memory_space<vmem>>) target(%arg13 : memref<1000000xf32, #tpu.memory_space<hbm>>) target_semaphore(%arg18 : memref<!tpu.dma_semaphore, #tpu.memory_space<semaphore_mem>>)
      %dma_start3A_22 = arith.constant 4 : i32
      %dma_start3A_23 = arith.constant 0 : i32
      %dma_start3A_24 = tpu.memref_slice %arg1[%dma_start3A_22, %dma_start3A_23] : memref<8x1000000xf32, #tpu.memory_space<vmem>> -> memref<1x1000000xf32, #tpu.memory_space<vmem>>
      %dma_start3A_25 = tpu.memref_squeeze %dma_start3A_24 : memref<1x1000000xf32, #tpu.memory_space<vmem>> -> memref<1000000xf32, #tpu.memory_space<vmem>>
      tpu.enqueue_dma source(%dma_start3A_25 : memref<1000000xf32, #tpu.memory_space<vmem>>) target(%arg14 : memref<1000000xf32, #tpu.memory_space<hbm>>) target_semaphore(%arg18 : memref<!tpu.dma_semaphore, #tpu.memory_space<semaphore_mem>>)
      %dma_start3A_26 = arith.constant 5 : i32
      %dma_start3A_27 = arith.constant 0 : i32
      %dma_start3A_28 = tpu.memref_slice %arg1[%dma_start3A_26, %dma_start3A_27] : memref<8x1000000xf32, #tpu.memory_space<vmem>> -> memref<1x1000000xf32, #tpu.memory_space<vmem>>
      %dma_start3A_29 = tpu.memref_squeeze %dma_start3A_28 : memref<1x1000000xf32, #tpu.memory_space<vmem>> -> memref<1000000xf32, #tpu.memory_space<vmem>>
      tpu.enqueue_dma source(%dma_start3A_29 : memref<1000000xf32, #tpu.memory_space<vmem>>) target(%arg15 : memref<1000000xf32, #tpu.memory_space<hbm>>) target_semaphore(%arg18 : memref<!tpu.dma_semaphore, #tpu.memory_space<semaphore_mem>>)
      %dma_start3A_30 = arith.constant 6 : i32
      %dma_start3A_31 = arith.constant 0 : i32
      %dma_start3A_32 = tpu.memref_slice %arg1[%dma_start3A_30, %dma_start3A_31] : memref<8x1000000xf32, #tpu.memory_space<vmem>> -> memref<1x1000000xf32, #tpu.memory_space<vmem>>
      %dma_start3A_33 = tpu.memref_squeeze %dma_start3A_32 : memref<1x1000000xf32, #tpu.memory_space<vmem>> -> memref<1000000xf32, #tpu.memory_space<vmem>>
      tpu.enqueue_dma source(%dma_start3A_33 : memref<1000000xf32, #tpu.memory_space<vmem>>) target(%arg16 : memref<1000000xf32, #tpu.memory_space<hbm>>) target_semaphore(%arg18 : memref<!tpu.dma_semaphore, #tpu.memory_space<semaphore_mem>>)
      %dma_start3A_34 = arith.constant 7 : i32
      %dma_start3A_35 = arith.constant 0 : i32
      %dma_start3A_36 = tpu.memref_slice %arg1[%dma_start3A_34, %dma_start3A_35] : memref<8x1000000xf32, #tpu.memory_space<vmem>> -> memref<1x1000000xf32, #tpu.memory_space<vmem>>
      %dma_start3A_37 = tpu.memref_squeeze %dma_start3A_36 : memref<1x1000000xf32, #tpu.memory_space<vmem>> -> memref<1000000xf32, #tpu.memory_space<vmem>>
      tpu.enqueue_dma source(%dma_start3A_37 : memref<1000000xf32, #tpu.memory_space<vmem>>) target(%arg17 : memref<1000000xf32, #tpu.memory_space<hbm>>) target_semaphore(%arg18 : memref<!tpu.dma_semaphore, #tpu.memory_space<semaphore_mem>>)
      %dma_wait3A = arith.constant 0 : i32
      %dma_wait3A_38 = arith.constant 0 : i32
      %dma_wait3A_39 = tpu.memref_slice %arg1[%dma_wait3A, %dma_wait3A_38] : memref<8x1000000xf32, #tpu.memory_space<vmem>> -> memref<1x1000000xf32, #tpu.memory_space<vmem>>
      %dma_wait3A_40 = tpu.memref_squeeze %dma_wait3A_39 : memref<1x1000000xf32, #tpu.memory_space<vmem>> -> memref<1000000xf32, #tpu.memory_space<vmem>>
      tpu.wait_dma2 semaphore(%arg18 : memref<!tpu.dma_semaphore, #tpu.memory_space<semaphore_mem>>) src(%dma_wait3A_40 : memref<1000000xf32, #tpu.memory_space<vmem>>) dst(%arg10 : memref<1000000xf32, #tpu.memory_space<hbm>>)
      %dma_wait3A_41 = arith.constant 1 : i32
      %dma_wait3A_42 = arith.constant 0 : i32
      %dma_wait3A_43 = tpu.memref_slice %arg1[%dma_wait3A_41, %dma_wait3A_42] : memref<8x1000000xf32, #tpu.memory_space<vmem>> -> memref<1x1000000xf32, #tpu.memory_space<vmem>>
      %dma_wait3A_44 = tpu.memref_squeeze %dma_wait3A_43 : memref<1x1000000xf32, #tpu.memory_space<vmem>> -> memref<1000000xf32, #tpu.memory_space<vmem>>
      tpu.wait_dma2 semaphore(%arg18 : memref<!tpu.dma_semaphore, #tpu.memory_space<semaphore_mem>>) src(%dma_wait3A_44 : memref<1000000xf32, #tpu.memory_space<vmem>>) dst(%arg11 : memref<1000000xf32, #tpu.memory_space<hbm>>)
      %dma_wait3A_45 = arith.constant 2 : i32
      %dma_wait3A_46 = arith.constant 0 : i32
      %dma_wait3A_47 = tpu.memref_slice %arg1[%dma_wait3A_45, %dma_wait3A_46] : memref<8x1000000xf32, #tpu.memory_space<vmem>> -> memref<1x1000000xf32, #tpu.memory_space<vmem>>
      %dma_wait3A_48 = tpu.memref_squeeze %dma_wait3A_47 : memref<1x1000000xf32, #tpu.memory_space<vmem>> -> memref<1000000xf32, #tpu.memory_space<vmem>>
      tpu.wait_dma2 semaphore(%arg18 : memref<!tpu.dma_semaphore, #tpu.memory_space<semaphore_mem>>) src(%dma_wait3A_48 : memref<1000000xf32, #tpu.memory_space<vmem>>) dst(%arg12 : memref<1000000xf32, #tpu.memory_space<hbm>>)
      %dma_wait3A_49 = arith.constant 3 : i32
      %dma_wait3A_50 = arith.constant 0 : i32
      %dma_wait3A_51 = tpu.memref_slice %arg1[%dma_wait3A_49, %dma_wait3A_50] : memref<8x1000000xf32, #tpu.memory_space<vmem>> -> memref<1x1000000xf32, #tpu.memory_space<vmem>>
      %dma_wait3A_52 = tpu.memref_squeeze %dma_wait3A_51 : memref<1x1000000xf32, #tpu.memory_space<vmem>> -> memref<1000000xf32, #tpu.memory_space<vmem>>
      tpu.wait_dma2 semaphore(%arg18 : memref<!tpu.dma_semaphore, #tpu.memory_space<semaphore_mem>>) src(%dma_wait3A_52 : memref<1000000xf32, #tpu.memory_space<vmem>>) dst(%arg13 : memref<1000000xf32, #tpu.memory_space<hbm>>)
      %dma_wait3A_53 = arith.constant 4 : i32
      %dma_wait3A_54 = arith.constant 0 : i32
      %dma_wait3A_55 = tpu.memref_slice %arg1[%dma_wait3A_53, %dma_wait3A_54] : memref<8x1000000xf32, #tpu.memory_space<vmem>> -> memref<1x1000000xf32, #tpu.memory_space<vmem>>
      %dma_wait3A_56 = tpu.memref_squeeze %dma_wait3A_55 : memref<1x1000000xf32, #tpu.memory_space<vmem>> -> memref<1000000xf32, #tpu.memory_space<vmem>>
      tpu.wait_dma2 semaphore(%arg18 : memref<!tpu.dma_semaphore, #tpu.memory_space<semaphore_mem>>) src(%dma_wait3A_56 : memref<1000000xf32, #tpu.memory_space<vmem>>) dst(%arg14 : memref<1000000xf32, #tpu.memory_space<hbm>>)
      %dma_wait3A_57 = arith.constant 5 : i32
      %dma_wait3A_58 = arith.constant 0 : i32
      %dma_wait3A_59 = tpu.memref_slice %arg1[%dma_wait3A_57, %dma_wait3A_58] : memref<8x1000000xf32, #tpu.memory_space<vmem>> -> memref<1x1000000xf32, #tpu.memory_space<vmem>>
      %dma_wait3A_60 = tpu.memref_squeeze %dma_wait3A_59 : memref<1x1000000xf32, #tpu.memory_space<vmem>> -> memref<1000000xf32, #tpu.memory_space<vmem>>
      tpu.wait_dma2 semaphore(%arg18 : memref<!tpu.dma_semaphore, #tpu.memory_space<semaphore_mem>>) src(%dma_wait3A_60 : memref<1000000xf32, #tpu.memory_space<vmem>>) dst(%arg15 : memref<1000000xf32, #tpu.memory_space<hbm>>)
      %dma_wait3A_61 = arith.constant 6 : i32
      %dma_wait3A_62 = arith.constant 0 : i32
      %dma_wait3A_63 = tpu.memref_slice %arg1[%dma_wait3A_61, %dma_wait3A_62] : memref<8x1000000xf32, #tpu.memory_space<vmem>> -> memref<1x1000000xf32, #tpu.memory_space<vmem>>
      %dma_wait3A_64 = tpu.memref_squeeze %dma_wait3A_63 : memref<1x1000000xf32, #tpu.memory_space<vmem>> -> memref<1000000xf32, #tpu.memory_space<vmem>>
      tpu.wait_dma2 semaphore(%arg18 : memref<!tpu.dma_semaphore, #tpu.memory_space<semaphore_mem>>) src(%dma_wait3A_64 : memref<1000000xf32, #tpu.memory_space<vmem>>) dst(%arg16 : memref<1000000xf32, #tpu.memory_space<hbm>>)
      %dma_wait3A_65 = arith.constant 7 : i32
      %dma_wait3A_66 = arith.constant 0 : i32
      %dma_wait3A_67 = tpu.memref_slice %arg1[%dma_wait3A_65, %dma_wait3A_66] : memref<8x1000000xf32, #tpu.memory_space<vmem>> -> memref<1x1000000xf32, #tpu.memory_space<vmem>>
      %dma_wait3A_68 = tpu.memref_squeeze %dma_wait3A_67 : memref<1x1000000xf32, #tpu.memory_space<vmem>> -> memref<1000000xf32, #tpu.memory_space<vmem>>
      tpu.wait_dma2 semaphore(%arg18 : memref<!tpu.dma_semaphore, #tpu.memory_space<semaphore_mem>>) src(%dma_wait3A_68 : memref<1000000xf32, #tpu.memory_space<vmem>>) dst(%arg17 : memref<1000000xf32, #tpu.memory_space<hbm>>)
    } else {
    }
    return
  }
  func.func @transform_0(%arg0: i32) -> (i32, i32) {
    %c0_i32 = arith.constant 0 : i32
    %c0_i32_0 = arith.constant 0 : i32
    return %arg0, %c0_i32 : i32, i32
  }
}

</mosaic_0001>

<sc_bundles>
// kernel: kernel.6.cloned.1.call-start
scs
__scs_entry_jumppad:
0x0: {  	(pc) =	sbr.rel $0x88, $3  }
0x1: {  	(tag) =	ssettag $0x0;
	lr =	simm.s32 $0x1  }
0x2: {  	[smem:$0x3F9C] =	sst lr;
	_ =	strace $0xD0000000  }
0x3: {  	_ = 	snop  }
0x4: {  	_ = 	snop  }
0x5: {  	_ = 	snop  }
0x6: {  	_ = 	snop  }
0x7: {  	_ = 	snop  }
__scs_overlays_trampoline_lowered:
0x8: {  	[smem:$0x3FAB] =	sst s0  }
0x9: {  	[smem:$0x3FAC] =	sst s1  }
0xa: {  	[smem:$0x3FAD] =	sst s2  }
0xb: {  	[smem:$0x3FAE] =	sst s3  }
0xc: {  	[smem:$0x3FAF] =	sst s4  }
0xd: {  	[smem:$0x3FB0] =	sst s5  }
0xe: {  	[smem:$0x3FB1] =	sst s6  }
0xf: {  	[smem:$0x3FB2] =	sst s7  }
0x10: {  	[smem:$0x3FB3] =	sst s8  }
0x11: {  	[smem:$0x3FB4] =	sst s9;
	s0 =	simm.s32 @!p0 $0x0  }
0x12: {  	s1 =	sld [smem:$0x3F9A];
	s0 =	simm.s32 @p0 $0x1  }
0x13: {  	[smem:$0x3FB5] =	sst s0;
	s0 =	simm.s32 @!p1 $0x0  }
0x14: {  	s2 =	sld [smem:$0x3F99];
	s0 =	simm.s32 @p1 $0x1  }
0x15: {  	[smem:$0x3FB6] =	sst s0;
	s0 =	simm.s32 @!p2 $0x0  }
0x16: {  	s3 =	sld [smem:$0x3FDB];
	s0 =	simm.s32 @p2 $0x1  }
0x17: {  	s4 =	simm.s32 $0x1BF5;
	[smem:$0x3FB8] =	sst s0  }
0x18: {  	s0 =	sld [smem:$0x3F9B];
	_ =	swait.ge [sflag:s4], $0x0  }
0x19: {  	s7 =	sld [smem:$0x3F9C]  }
0x1a: {  	s8 =	sadd.s32 $0xFFFFE003, lr  }
0x1b: {  	s9 =	sadd.s32 $0xFFFFFEF7, lr;
	s5 =	simm.s32 $0xFFFFFFFF;
	p2 =	slt.u32 s8, $0xFFFFF086  }
0x1c: {  	p1 =	slt.u32 s9, $0xF7A;
	s5 =	simm.s32 @!p2 $0x0  }
0x1d: {  	s5 =	simm.s32 @p1 $0x1;
	p0 =	seq.s32 s7, s2  }
0x1e: {  	s7 =	smul.u32 @!p0 $0xF7A, s2;
	p2 =	seq.s32 @!p0 s5, $0x0  }
0x1f: {  	s9 =	smul.u32 $0xF7A, s1;
	s8 =	simm.s32 @!p0 $0x1BF5;
	p2 =	por !p2, p0  }
0x20: {  	[sflag:s8] =	ssyncset.s32 @!p0 $0xFFFFF086;
	s6 =	sadd.s32 @!p0 s3, s7;
	s7 =	simm.s32 @!p0 $0x108  }
0x21: {  	s3 =	sadd.s32 s3, s9;
	s6 =	sadd.s32 @!p0 $0x88, s6;
	s7 =	simm.s32 @p2 $0x1082  }
0x22: {  	[simem:s7], [sflag:s8] =	dma.local @!p0 [hbm:s6], $0xF7A  }
0x23: {  	s9 =	sor.u32 $0xD0000000, s2;
	s6 =	simm.s32 $0x108;
	_ =	swait.ge @!p0 [sflag:s8], $0x0  }
0x24: {  	s3 =	sadd.s32 $0x88, s3;
	s6 =	simm.s32 @!p1 $0x1082;
	[sflag:s4] =	ssyncset.s32 $0xFFFFF086  }
0x25: {  	[simem:s6], [sflag:s4] =	dma.local [hbm:s3], $0xF7A  }
0x26: {  	[smem:$0x3F9C] =	sst s1;
	(tag) =	ssettag s2;
	_ =	strace s9  }
0x27: {  	s1 =	sld [smem:$0x3FAC]  }
0x28: {  	s2 =	sld [smem:$0x3FAD]  }
0x29: {  	s4 =	sld [smem:$0x3FAF]  }
0x2a: {  	p0 =	seq.s32 s5, $0x0;
	s5 =	sld [smem:$0x3FB0]  }
0x2b: {  	s6 =	sld [smem:$0x3FB1]  }
0x2c: {  	s7 =	sld [smem:$0x3FB2]  }
0x2d: {  	s3 =	simm.s32 $0x108;
	s8 =	sld [smem:$0x3FB3]  }
0x2e: {  	s3 =	simm.s32 @!p0 $0x1082;
	s9 =	sld [smem:$0x3FB4]  }
0x2f: {  	lr =	sadd.s32 s0, s3;
	s0 =	sld [smem:$0x3FAB]  }
0x30: {  	s3 =	sld [smem:$0x3FAE]  }
0x31: {  	[smem:$0x3FB7] =	sst s10  }
0x32: {  	s10 =	sld [smem:$0x3FB5];
	_ =	sdelay $0x3  }
0x33: {  	p0 =	seq.s32 s10, $0x1;
	s10 =	sld [smem:$0x3FB7];
	_ =	sdelay $0x3  }
0x34: {  	[smem:$0x3FB7] =	sst s10  }
0x35: {  	s10 =	sld [smem:$0x3FB6];
	_ =	sdelay $0x3  }
0x36: {  	p1 =	seq.s32 s10, $0x1;
	s10 =	sld [smem:$0x3FB7];
	_ =	sdelay $0x3  }
0x37: {  	[smem:$0x3FB7] =	sst s10  }
0x38: {  	s10 =	sld [smem:$0x3FB8]  }
0x39: {  	_ = 	snop;
	(pc) =	sbr.ind lr, $3  }
0x3a: {  	_ = 	snop  }
0x3b: {  	_ = 	snop  }
0x3c: {  	p2 =	seq.s32 s10, $0x1;
	s10 =	sld [smem:$0x3FB7]  }
0x3d: {  	_ =	shalt  }
0x3e: {  	_ =	shalt  }
0x3f: {  	_ =	shalt  }
0x40: {  	_ =	shalt  }
0x41: {  	_ =	shalt  }
0x42: {  	_ =	shalt  }
0x43: {  	_ =	shalt  }
0x44: {  	_ =	shalt  }
0x45: {  	_ =	shalt  }
0x46: {  	_ =	shalt  }
0x47: {  	_ =	shalt  }
0x48: {  	_ =	shalt  }
0x49: {  	_ =	shalt  }
0x4a: {  	_ =	shalt  }
0x4b: {  	_ =	shalt  }
0x4c: {  	_ =	shalt  }
0x4d: {  	_ =	shalt  }
0x4e: {  	_ =	shalt  }
0x4f: {  	_ =	shalt  }
0x50: {  	_ =	shalt  }
0x51: {  	_ =	shalt  }
0x52: {  	_ =	shalt  }
0x53: {  	_ =	shalt  }
0x54: {  	_ =	shalt  }
0x55: {  	_ =	shalt  }
0x56: {  	_ =	shalt  }
0x57: {  	_ =	shalt  }
0x58: {  	_ =	shalt  }
0x59: {  	_ =	shalt  }
0x5a: {  	_ =	shalt  }
0x5b: {  	_ =	shalt  }
0x5c: {  	_ =	shalt  }
0x5d: {  	_ =	shalt  }
0x5e: {  	_ =	shalt  }
0x5f: {  	_ =	shalt  }
0x60: {  	_ =	shalt  }
0x61: {  	_ =	shalt  }
0x62: {  	_ =	shalt  }
0x63: {  	_ =	shalt  }
0x64: {  	_ =	shalt  }
0x65: {  	_ =	shalt  }
0x66: {  	_ =	shalt  }
0x67: {  	_ =	shalt  }
0x68: {  	_ =	shalt  }
0x69: {  	_ =	shalt  }
0x6a: {  	_ =	shalt  }
0x6b: {  	_ =	shalt  }
0x6c: {  	_ =	shalt  }
0x6d: {  	_ =	shalt  }
0x6e: {  	_ =	shalt  }
0x6f: {  	_ =	shalt  }
0x70: {  	_ =	shalt  }
0x71: {  	_ =	shalt  }
0x72: {  	_ =	shalt  }
0x73: {  	_ =	shalt  }
0x74: {  	_ =	shalt  }
0x75: {  	_ =	shalt  }
0x76: {  	_ =	shalt  }
0x77: {  	_ =	shalt  }
0x78: {  	_ =	shalt  }
0x79: {  	_ =	shalt  }
0x7a: {  	_ =	shalt  }
0x7b: {  	_ =	shalt  }
0x7c: {  	_ =	shalt  }
0x7d: {  	_ =	shalt  }
0x7e: {  	_ =	shalt  }
0x7f: {  	_ =	shalt  }
0x80: {  	_ =	shalt  }
0x81: {  	_ =	shalt  }
0x82: {  	_ =	shalt  }
0x83: {  	_ =	shalt  }
0x84: {  	_ =	shalt  }
0x85: {  	_ =	shalt  }
0x86: {  	_ =	shalt  }
0x87: {  	_ =	shalt  }
.Lfunc_end0:
.L_simem_size_0:
called_computation_lowered:
.L_overlay_start_0:
0x88: {  	s2 =	sld [smem:$0x3FD9]  }
0x89: {  	s3 =	sld [smem:$0x3FFE];
	_ =	sdelay $0x1  }
0x8a: {  	s1 =	srdreg.scid  }
0x8b: {  	s0 =	sand.u32 $0x1, s1  }
0x8c: {  	s17 =	sshll.u32 s0, $0xA;
	s2 =	sadd.s32 s3, s2  }
0x8d: {  	s2 =	sadd.s32 s2, s17  }
0x8e: {  	[smem:$0x3FC3] =	sst s2  }
0x8f: {  	_ = 	snop  }
0x90: {  	s2 =	sld [smem:$0x3FD0];
	(tm) =	ssettm $0x1  }
0x91: {  	s18 =	sld [smem:$0x3FFB];
	_ =	sdelay $0x3  }
0x92: {  	_ =	strace s18  }
0x93: {  	s3 =	sld [smem:$0x3FFC];
	_ =	sdelay $0x3  }
0x94: {  	_ =	strace s3  }
0x95: {  	s3 =	sld [smem:$0x3FFD];
	_ =	sdelay $0x3  }
0x96: {  	_ =	strace s3  }
0x97: {  	_ =	strace $0x8FFFFFFF  }
0x98: {  	s19 =	sld [smem:$0x3FDB];
	_ =	sdelay $0x1  }
0x99: {  	s4 =	simm.s32 $_scs_section_size  }
0x9a: {  	s5 =	simm.s32 $_size__tile_overlayer_lowered;
	s6 =	simm.s32 $_tile_overlayer_lowered  }
0x9b: {  	s22 =	simm.s32 $0x1BFF;
	s21 =	sshll.u32 s6, $0x1;
	s3 =	sadd.s32 s4, s19  }
0x9c: {  	s7 =	simm.s32 $0x0;
	s20 =	sshll.u32 s5, $0x1;
	s5 =	sadd.s32 s21, s3  }
0x9d: {  	[timem:s7], [sflag:s22] =	dma.local [hbm:s5], s20  }
0x9e: {  	_ =	swait.ge [sflag:s22], s20  }
0x9f: {  	s4 =	ssub.s32 $0x0, s20;
	[sflag:s22] =	ssyncset.done $0x0  }
0xa0: {  	[sflag:s22] =	ssyncadd.s32 s4;
	_ =	sdelay $0x1  }
0xa1: {  	s23 =	simm.s32 $0x1B8B  }
0xa2: {  	_ =	swait.ge [sflag:s23], $0x1  }
0xa3: {  	[sflag:s23] =	ssyncset.done $0x0  }
0xa4: {  	s25 =	simm.s32 $0x1B8E;
	s24 =	sld [smem:$0x3FFE];
	[sflag:s23] =	ssyncadd.s32 $0xFFFFFFFF  }
0xa5: {  	s26 =	simm.s32 $execute0_lowered;
	[smem:$0x3FD2] =	sst s25  }
0xa6: {  	s5 =	sshll.u32 s26, $0x1;
	_ =	strace $0x80000046;
	[dreg:$0x1] =	wrdreg $0xFFFFFFFF  }
0xa7: {  	s28 =	simm.s32 $_size_execute0_lowered;
	s3 =	sadd.s32 s3, s5;
	[dreg:$0x0] =	wrdreg $0x0  }
0xa8: {  	s5 =	sshll.u32 s28, $0x1;
	[dreg:$0x2] =	wrdreg s3  }
0xa9: {  	[dreg:$0x3] =	wrdreg s5  }
0xaa: {  	[dreg:$0x4] =	wrdreg $0xC0  }
0xab: {  	_ =	task [dreg:s7], $0x5FFFF  }
0xac: {  	[dreg:$0x1] =	wrdreg $0xFFFFFFFF  }
0xad: {  	[dreg:$0x0] =	wrdreg $0x60  }
0xae: {  	[dreg:$0x2] =	wrdreg s24  }
0xaf: {  	[dreg:$0x3] =	wrdreg s2  }
0xb0: {  	[dreg:$0x4] =	wrdreg $0x9  }
0xb1: {  	_ =	task.clear_ibuf [dreg:s7], $0x5FFFF;
	_ =	strace $0x90000046  }
0xb2: {  	s29 =	simm.s32 $0x9;
	_ =	strace $0x80000048  }
0xb3: {  	_ =	swait.ge [sflag:s29], $0x1  }
0xb4: {  	[sflag:s29] =	ssyncadd.s32 $0xFFFFFFFF  }
0xb5: {  	_ =	strace $0x90000048  }
0xb6: {  	_ =	sfence  }
0xb7: {  	s30 =	sld [smem:$0x0];
	_ =	sdelay $0x2  }
0xb8: {  	s31 =	sshll.u32 s1, $0xD;
	s1 =	sshrl.u32 s1, $0x2  }
0xb9: {  	s3 =	sand.u32 $0x4000, s31;
	s1 =	sadd.s32 s1, s30  }
0xba: {  	s0 =	sor.u32 s3, s0;
	s1 =	sshll.u32 s1, $0x11  }
0xbb: {  	s0 =	sor.u32 s1, s0  }
0xbc: {  	s0 =	sadd.s32 $0x8F2B, s0  }
0xbd: {  	[sflag:s0] =	ssyncadd.remote.s32 $0x1  }
0xbe: {  	_ =	sfence.sel $0xFFFF  }
0xbf: {  	[dreg:$0x0] =	wrdreg $0xFFFFFFFF;
	(pc) =	sbr.abs _section_cstart, $3  }
0xc0: {  	[dreg:$0x1] =	wrdreg $0xFFFFFFFF  }
0xc1: {  	_ =	task.clear_ibuf [dreg:s7], $0x2FFFF;
	_ =	strace $0x9FFFFFFF  }
0xc2: {  	(tm) =	ssettm $0x7FFFFFFF  }
0xc3: {  	_ =	shalt  }
tec
execute0_lowered:
.L_overlay_start_1:
0x0: {  	(tag) =	ssettag $0x1  }
0x1: {  	s6 =	rddreg [dreg:$0x0]  }
0x2: {  	s0 =	rddreg [dreg:$0x1];
	s1 =	simm.s32 $0x0  }
0x3: {  	[smem:$0x7FF] =	sst s1;
	s2 =	sadd.s32 $0x3E600, s6  }
0x4: {  	s9 =	sadd.s32 $0x5D000, s6;
	_ =	strace $0x80000047;
	[dreg:$0x3] =	wrdreg s2  }
0x5: {  	s10 =	sadd.s32 $0x7BA00, s6;
	[dreg:$0x4] =	wrdreg s9  }
0x6: {  	s11 =	sadd.s32 $0x9A400, s6;
	[dreg:$0x5] =	wrdreg s10  }
0x7: {  	s12 =	sadd.s32 $0xB8E00, s6;
	[dreg:$0x6] =	wrdreg s11  }
0x8: {  	s13 =	sadd.s32 $0xD7800, s6;
	[dreg:$0x7] =	wrdreg s12  }
0x9: {  	s14 =	sadd.s32 $0x114C00, s6;
	[dreg:$0x8] =	wrdreg s13  }
0xa: {  	s15 =	sadd.s32 $0x133600, s6;
	[dreg:$0x9] =	wrdreg s14  }
0xb: {  	s16 =	sadd.s32 $0xF6200, s6;
	[dreg:$0xa] =	wrdreg s15  }
0xc: {  	s23 =	srdreg.scid;
	s17 =	sadd.s32 $0x152000, s6;
	[dreg:$0xb] =	wrdreg s16  }
0xd: {  	s24 =	stileid.u32;
	s18 =	sadd.s32 $0x170A00, s6;
	[dreg:$0xc] =	wrdreg s17  }
0xe: {  	s19 =	sadd.s32 $0x18F400, s6;
	s20 =	sadd.s32 $0x1ADE00, s6;
	[dreg:$0xd] =	wrdreg s18  }
0xf: {  	s21 =	sadd.s32 $0x1CC800, s6;
	s22 =	sadd.s32 $0x1EB200, s6;
	[dreg:$0xe] =	wrdreg s19  }
0x10: {  	s3 =	sadd.s32 $0x209C00, s6;
	s28 =	sadd.s32 $0x31D600, s6;
	[dreg:$0xf] =	wrdreg s20  }
0x11: {  	s29 =	sadd.s32 $0x35AA00, s6;
	s31 =	sadd.s32 $0x379400, s6;
	[dreg:$0x10] =	wrdreg s21  }
0x12: {  	s5 =	sadd.s32 $0x1200, s6;
	[dreg:$0x11] =	wrdreg s22;
	s19 =	sadd.s32 $0x228600, s6  }
0x13: {  	[dreg:$0x12] =	wrdreg s3;
	s20 =	sadd.s32 $0x247000, s6;
	s21 =	sadd.s32 $0x265A00, s6  }
0x14: {  	s2 =	sand.u32 $0x1, s23;
	s22 =	sadd.s32 $0x284400, s6;
	s23 =	sadd.s32 $0x2A2E00, s6  }
0x15: {  	s3 =	sshll.u32 s24, $0x1;
	s24 =	sadd.s32 $0x2C1800, s6;
	s15 =	sadd.s32 $0x3B6800, s6  }
0x16: {  	s11 =	simm.s32 $0x2;
	s12 =	simm.s32 $0x200;
	s13 =	simm.s32 $0x1  }
0x17: {  	s14 =	simm.s32 $0x0;
	s4 =	ssub.s32 $0x2, s2;
	s2 =	sor.u32 s2, s3  }
0x18: {  	s25 =	sshrl.u32 s4, $0x1;
	s26 =	sshll.u32 s2, $0x1;
	s2 =	sshll.u32 s2, $0x6  }
0x19: {  	s10 =	ssub.s32 s4, s25;
	s7 =	sadd.s32 s26, s6;
	s25 =	sadd.s32 $0x2E0200, s6  }
0x1a: {  	s26 =	sadd.s32 $0x2FEC00, s6;
	s30 =	sadd.s32 s0, s2;
	s0 =	sadd.s32 $0x397E00, s6  }
0x1b: {  	s9 =	sadd.s32 s2, s6;
	s2 =	sadd.s32 $0x3D5200, s6;
	s4 =	sadd.s32 $0x3F3C00, s6  }
0x1c: {  	s3 =	sadd.s32 $0x33C000, s6;
	s6 =	sadd.s32 $0x1FC00, s6;
	s7 =	sadd.s32 $0x412600, s7  }
0x1d: {  	s8 =	sadd.s32 $0xA00, s9;
	s9 =	sadd.s32 $0x412800, s9;
	s10 =	smax.u32 s10, $0x1  }
.LBB2_1:
0x1e: {  	[tilespmem:s1], [sflag:$0x2] =	stream.linear.gather [hbm4b:s8+s1], $0x200, $0x38;
	[tilespmem:$0x4A10] =	vst v63  }
0x1f: {  	_ =	swait.ge [sflag:s11], $0x200  }
0x20: {  	[sflag:s11] =	ssyncset.done $0x0  }
0x21: {  	[sflag:s11] =	ssyncadd.s32 $0xFFFFFE00  }
0x22: {  	[tilespmem:s12], [sflag:$0x2] =	stream.linear.gather [hbm4b:s30+s1], $0x200, $0x38;
	[tilespmem:$0x4A10] =	vst v63  }
0x23: {  	_ =	swait.ge [sflag:s11], $0x200  }
0x24: {  	[sflag:s11] =	ssyncset.done $0x0  }
0x25: {  	s17 =	simm.s32 $0x400;
	s16 =	rddreg [dreg:$0x3];
	[sflag:s11] =	ssyncadd.s32 $0xFFFFFE00  }
0x26: {  	[tilespmem:s17], [sflag:$0x1] =	stream.indirect.gather [hbm4b:s16+s12], $0x1, s1, s12, $0xb8;
	[tilespmem:$0x4A10] =	vst v63  }
0x27: {  	s18 =	simm.s32 $0x2400  }
0x28: {  	[tilespmem:s18], [sflag:$0x1] =	stream.indirect.gather [hbm4b:s19+s12], $0x1, s12, s12, $0xb8;
	[tilespmem:$0x4A10] =	vst v63  }
0x29: {  	s17 =	rddreg [dreg:$0x4];
	s18 =	simm.s32 $0x600  }
0x2a: {  	[tilespmem:s18], [sflag:$0x1] =	stream.indirect.gather [hbm4b:s17+s12], $0x1, s1, s12, $0xb8;
	[tilespmem:$0x4A10] =	vst v63  }
0x2b: {  	s18 =	simm.s32 $0x2600  }
0x2c: {  	[tilespmem:s18], [sflag:$0x1] =	stream.indirect.gather [hbm4b:s20+s12], $0x1, s12, s12, $0xb8;
	[tilespmem:$0x4A10] =	vst v63  }
0x2d: {  	s17 =	rddreg [dreg:$0x5];
	s18 =	simm.s32 $0x800  }
0x2e: {  	[tilespmem:s18], [sflag:$0x1] =	stream.indirect.gather [hbm4b:s17+s12], $0x1, s1, s12, $0xb8;
	[tilespmem:$0x4A10] =	vst v63  }
0x2f: {  	s18 =	simm.s32 $0x2800  }
0x30: {  	[tilespmem:s18], [sflag:$0x1] =	stream.indirect.gather [hbm4b:s21+s12], $0x1, s12, s12, $0xb8;
	[tilespmem:$0x4A10] =	vst v63  }
0x31: {  	s17 =	rddreg [dreg:$0x6];
	s18 =	simm.s32 $0xA00  }
0x32: {  	[tilespmem:s18], [sflag:$0x1] =	stream.indirect.gather [hbm4b:s17+s12], $0x1, s1, s12, $0xb8;
	[tilespmem:$0x4A10] =	vst v63  }
0x33: {  	s18 =	simm.s32 $0x2A00  }
0x34: {  	[tilespmem:s18], [sflag:$0x1] =	stream.indirect.gather [hbm4b:s22+s12], $0x1, s12, s12, $0xb8;
	[tilespmem:$0x4A10] =	vst v63  }
0x35: {  	s17 =	rddreg [dreg:$0x7];
	s18 =	simm.s32 $0xC00  }
0x36: {  	[tilespmem:s18], [sflag:$0x1] =	stream.indirect.gather [hbm4b:s17+s12], $0x1, s1, s12, $0xb8;
	[tilespmem:$0x4A10] =	vst v63  }
0x37: {  	s18 =	simm.s32 $0x2C00  }
0x38: {  	[tilespmem:s18], [sflag:$0x1] =	stream.indirect.gather [hbm4b:s23+s12], $0x1, s12, s12, $0xb8;
	[tilespmem:$0x4A10] =	vst v63  }
0x39: {  	s17 =	rddreg [dreg:$0x8];
	s18 =	simm.s32 $0xE00  }
0x3a: {  	[tilespmem:s18], [sflag:$0x1] =	stream.indirect.gather [hbm4b:s17+s12], $0x1, s1, s12, $0xb8;
	[tilespmem:$0x4A10] =	vst v63  }
0x3b: {  	s18 =	simm.s32 $0x2E00  }
0x3c: {  	[tilespmem:s18], [sflag:$0x1] =	stream.indirect.gather [hbm4b:s24+s12], $0x1, s12, s12, $0xb8;
	[tilespmem:$0x4A10] =	vst v63  }
0x3d: {  	s17 =	rddreg [dreg:$0xb];
	s18 =	simm.s32 $0x1000  }
0x3e: {  	[tilespmem:s18], [sflag:$0x1] =	stream.indirect.gather [hbm4b:s17+s12], $0x1, s1, s12, $0xb8;
	[tilespmem:$0x4A10] =	vst v63  }
0x3f: {  	s18 =	simm.s32 $0x3000  }
0x40: {  	[tilespmem:s18], [sflag:$0x1] =	stream.indirect.gather [hbm4b:s25+s12], $0x1, s12, s12, $0xb8;
	[tilespmem:$0x4A10] =	vst v63  }
0x41: {  	s17 =	rddreg [dreg:$0x9];
	s18 =	simm.s32 $0x1200  }
0x42: {  	[tilespmem:s18], [sflag:$0x1] =	stream.indirect.gather [hbm4b:s17+s12], $0x1, s1, s12, $0xb8;
	[tilespmem:$0x4A10] =	vst v63  }
0x43: {  	s18 =	simm.s32 $0x3200  }
0x44: {  	[tilespmem:s18], [sflag:$0x1] =	stream.indirect.gather [hbm4b:s26+s12], $0x1, s12, s12, $0xb8;
	[tilespmem:$0x4A10] =	vst v63  }
0x45: {  	s17 =	rddreg [dreg:$0xa];
	s18 =	simm.s32 $0x1400  }
0x46: {  	[tilespmem:s18], [sflag:$0x1] =	stream.indirect.gather [hbm4b:s17+s12], $0x1, s1, s12, $0xb8;
	[tilespmem:$0x4A10] =	vst v63  }
0x47: {  	s18 =	simm.s32 $0x3400  }
0x48: {  	[tilespmem:s18], [sflag:$0x1] =	stream.indirect.gather [hbm4b:s28+s12], $0x1, s12, s12, $0xb8;
	[tilespmem:$0x4A10] =	vst v63  }
0x49: {  	s17 =	rddreg [dreg:$0xc];
	s18 =	simm.s32 $0x1600  }
0x4a: {  	[tilespmem:s18], [sflag:$0x1] =	stream.indirect.gather [hbm4b:s17+s12], $0x1, s1, s12, $0xb8;
	[tilespmem:$0x4A10] =	vst v63  }
0x4b: {  	s18 =	simm.s32 $0x3600  }
0x4c: {  	[tilespmem:s18], [sflag:$0x1] =	stream.indirect.gather [hbm4b:s3+s12], $0x1, s12, s12, $0xb8;
	[tilespmem:$0x4A10] =	vst v63  }
0x4d: {  	s17 =	rddreg [dreg:$0xd];
	s18 =	simm.s32 $0x1800  }
0x4e: {  	[tilespmem:s18], [sflag:$0x1] =	stream.indirect.gather [hbm4b:s17+s12], $0x1, s1, s12, $0xb8;
	[tilespmem:$0x4A10] =	vst v63  }
0x4f: {  	s18 =	simm.s32 $0x3800  }
0x50: {  	[tilespmem:s18], [sflag:$0x1] =	stream.indirect.gather [hbm4b:s29+s12], $0x1, s12, s12, $0xb8;
	[tilespmem:$0x4A10] =	vst v63  }
0x51: {  	s17 =	rddreg [dreg:$0xe];
	s18 =	simm.s32 $0x1A00  }
0x52: {  	[tilespmem:s18], [sflag:$0x1] =	stream.indirect.gather [hbm4b:s17+s12], $0x1, s1, s12, $0xb8;
	[tilespmem:$0x4A10] =	vst v63  }
0x53: {  	s18 =	simm.s32 $0x3A00  }
0x54: {  	[tilespmem:s18], [sflag:$0x1] =	stream.indirect.gather [hbm4b:s31+s12], $0x1, s12, s12, $0xb8;
	[tilespmem:$0x4A10] =	vst v63  }
0x55: {  	s17 =	rddreg [dreg:$0xf];
	s18 =	simm.s32 $0x1C00  }
0x56: {  	[tilespmem:s18], [sflag:$0x1] =	stream.indirect.gather [hbm4b:s17+s12], $0x1, s1, s12, $0xb8;
	[tilespmem:$0x4A10] =	vst v63  }
0x57: {  	s18 =	simm.s32 $0x3C00  }
0x58: {  	[tilespmem:s18], [sflag:$0x1] =	stream.indirect.gather [hbm4b:s0+s12], $0x1, s12, s12, $0xb8;
	[tilespmem:$0x4A10] =	vst v63  }
0x59: {  	s17 =	rddreg [dreg:$0x10];
	s18 =	simm.s32 $0x1E00  }
0x5a: {  	[tilespmem:s18], [sflag:$0x1] =	stream.indirect.gather [hbm4b:s17+s12], $0x1, s1, s12, $0xb8;
	[tilespmem:$0x4A10] =	vst v63  }
0x5b: {  	s18 =	simm.s32 $0x3E00  }
0x5c: {  	[tilespmem:s18], [sflag:$0x1] =	stream.indirect.gather [hbm4b:s15+s12], $0x1, s12, s12, $0xb8;
	[tilespmem:$0x4A10] =	vst v63  }
0x5d: {  	s17 =	rddreg [dreg:$0x11];
	s18 =	simm.s32 $0x2000  }
0x5e: {  	[tilespmem:s18], [sflag:$0x1] =	stream.indirect.gather [hbm4b:s17+s12], $0x1, s1, s12, $0xb8;
	[tilespmem:$0x4A10] =	vst v63  }
0x5f: {  	s18 =	simm.s32 $0x4000  }
0x60: {  	[tilespmem:s18], [sflag:$0x1] =	stream.indirect.gather [hbm4b:s2+s12], $0x1, s12, s12, $0xb8;
	[tilespmem:$0x4A10] =	vst v63  }
0x61: {  	s17 =	rddreg [dreg:$0x12];
	s18 =	simm.s32 $0x2200  }
0x62: {  	[tilespmem:s18], [sflag:$0x1] =	stream.indirect.gather [hbm4b:s17+s12], $0x1, s1, s12, $0xb8;
	[tilespmem:$0x4A10] =	vst v63  }
0x63: {  	s17 =	simm.s32 $0x4200  }
0x64: {  	[tilespmem:s17], [sflag:$0x1] =	stream.indirect.gather [hbm4b:s4+s12], $0x1, s12, s12, $0xb8;
	[tilespmem:$0x4A10] =	vst v63  }
0x65: {  	s18 =	simm.s32 $0x4400  }
0x66: {  	[tilespmem:s18], [sflag:$0x1] =	stream.indirect.gather [hbm4b:s5+s12], $0x1, s1, s12, $0xb8;
	[tilespmem:$0x4A10] =	vst v63  }
0x67: {  	s17 =	simm.s32 $0x4600  }
0x68: {  	[tilespmem:s17], [sflag:$0x1] =	stream.indirect.gather [hbm4b:s6+s12], $0x1, s12, s12, $0xb8;
	[tilespmem:$0x4A10] =	vst v63  }
0x69: {  	_ =	swait.ge [sflag:s13], $0x200  }
0x6a: {  	[sflag:s13] =	ssyncset.done $0x0  }
0x6b: {  	[sflag:s13] =	ssyncadd.s32 $0xFFFFFE00  }
0x6c: {  	_ =	swait.ge [sflag:s13], $0x200  }
0x6d: {  	[sflag:s13] =	ssyncset.done $0x0  }
0x6e: {  	[sflag:s13] =	ssyncadd.s32 $0xFFFFFE00  }
0x6f: {  	_ =	swait.ge [sflag:s13], $0x200  }
0x70: {  	[sflag:s13] =	ssyncset.done $0x0  }
0x71: {  	[sflag:s13] =	ssyncadd.s32 $0xFFFFFE00  }
0x72: {  	_ =	swait.ge [sflag:s13], $0x200  }
0x73: {  	[sflag:s13] =	ssyncset.done $0x0  }
0x74: {  	[sflag:s13] =	ssyncadd.s32 $0xFFFFFE00  }
0x75: {  	_ =	swait.ge [sflag:s13], $0x200  }
0x76: {  	[sflag:s13] =	ssyncset.done $0x0  }
0x77: {  	[sflag:s13] =	ssyncadd.s32 $0xFFFFFE00  }
0x78: {  	_ =	swait.ge [sflag:s13], $0x200  }
0x79: {  	[sflag:s13] =	ssyncset.done $0x0  }
0x7a: {  	[sflag:s13] =	ssyncadd.s32 $0xFFFFFE00  }
0x7b: {  	_ =	swait.ge [sflag:s13], $0x200  }
0x7c: {  	[sflag:s13] =	ssyncset.done $0x0  }
0x7d: {  	[sflag:s13] =	ssyncadd.s32 $0xFFFFFE00  }
0x7e: {  	_ =	swait.ge [sflag:s13], $0x200  }
0x7f: {  	[sflag:s13] =	ssyncset.done $0x0  }
0x80: {  	[sflag:s13] =	ssyncadd.s32 $0xFFFFFE00  }
0x81: {  	_ =	swait.ge [sflag:s13], $0x200  }
0x82: {  	[sflag:s13] =	ssyncset.done $0x0  }
0x83: {  	[sflag:s13] =	ssyncadd.s32 $0xFFFFFE00  }
0x84: {  	_ =	swait.ge [sflag:s13], $0x200  }
0x85: {  	[sflag:s13] =	ssyncset.done $0x0  }
0x86: {  	[sflag:s13] =	ssyncadd.s32 $0xFFFFFE00  }
0x87: {  	_ =	swait.ge [sflag:s13], $0x200  }
0x88: {  	[sflag:s13] =	ssyncset.done $0x0  }
0x89: {  	[sflag:s13] =	ssyncadd.s32 $0xFFFFFE00  }
0x8a: {  	_ =	swait.ge [sflag:s13], $0x200  }
0x8b: {  	[sflag:s13] =	ssyncset.done $0x0  }
0x8c: {  	[sflag:s13] =	ssyncadd.s32 $0xFFFFFE00  }
0x8d: {  	_ =	swait.ge [sflag:s13], $0x200  }
0x8e: {  	[sflag:s13] =	ssyncset.done $0x0  }
0x8f: {  	[sflag:s13] =	ssyncadd.s32 $0xFFFFFE00  }
0x90: {  	_ =	swait.ge [sflag:s13], $0x200  }
0x91: {  	[sflag:s13] =	ssyncset.done $0x0  }
0x92: {  	[sflag:s13] =	ssyncadd.s32 $0xFFFFFE00  }
0x93: {  	_ =	swait.ge [sflag:s13], $0x200  }
0x94: {  	[sflag:s13] =	ssyncset.done $0x0  }
0x95: {  	[sflag:s13] =	ssyncadd.s32 $0xFFFFFE00  }
0x96: {  	_ =	swait.ge [sflag:s13], $0x200  }
0x97: {  	[sflag:s13] =	ssyncset.done $0x0  }
0x98: {  	[sflag:s13] =	ssyncadd.s32 $0xFFFFFE00  }
0x99: {  	_ =	swait.ge [sflag:s13], $0x200  }
0x9a: {  	[sflag:s13] =	ssyncset.done $0x0  }
0x9b: {  	[sflag:s13] =	ssyncadd.s32 $0xFFFFFE00  }
0x9c: {  	_ =	swait.ge [sflag:s13], $0x200  }
0x9d: {  	[sflag:s13] =	ssyncset.done $0x0  }
0x9e: {  	[sflag:s13] =	ssyncadd.s32 $0xFFFFFE00  }
0x9f: {  	_ =	swait.ge [sflag:s13], $0x200  }
0xa0: {  	[sflag:s13] =	ssyncset.done $0x0  }
0xa1: {  	[sflag:s13] =	ssyncadd.s32 $0xFFFFFE00  }
0xa2: {  	_ =	swait.ge [sflag:s13], $0x200  }
0xa3: {  	[sflag:s13] =	ssyncset.done $0x0  }
0xa4: {  	[sflag:s13] =	ssyncadd.s32 $0xFFFFFE00  }
0xa5: {  	_ =	swait.ge [sflag:s13], $0x200  }
0xa6: {  	[sflag:s13] =	ssyncset.done $0x0  }
0xa7: {  	[sflag:s13] =	ssyncadd.s32 $0xFFFFFE00  }
0xa8: {  	_ =	swait.ge [sflag:s13], $0x200  }
0xa9: {  	[sflag:s13] =	ssyncset.done $0x0  }
0xaa: {  	[sflag:s13] =	ssyncadd.s32 $0xFFFFFE00  }
0xab: {  	_ =	swait.ge [sflag:s13], $0x200  }
0xac: {  	[sflag:s13] =	ssyncset.done $0x0  }
0xad: {  	[sflag:s13] =	ssyncadd.s32 $0xFFFFFE00  }
0xae: {  	_ =	swait.ge [sflag:s13], $0x200  }
0xaf: {  	[sflag:s13] =	ssyncset.done $0x0  }
0xb0: {  	[sflag:s13] =	ssyncadd.s32 $0xFFFFFE00  }
0xb1: {  	_ =	swait.ge [sflag:s13], $0x200  }
0xb2: {  	[sflag:s13] =	ssyncset.done $0x0  }
0xb3: {  	[sflag:s13] =	ssyncadd.s32 $0xFFFFFE00  }
0xb4: {  	_ =	swait.ge [sflag:s13], $0x200  }
0xb5: {  	[sflag:s13] =	ssyncset.done $0x0  }
0xb6: {  	[sflag:s13] =	ssyncadd.s32 $0xFFFFFE00  }
0xb7: {  	_ =	swait.ge [sflag:s13], $0x200  }
0xb8: {  	[sflag:s13] =	ssyncset.done $0x0  }
0xb9: {  	[sflag:s13] =	ssyncadd.s32 $0xFFFFFE00  }
0xba: {  	_ =	swait.ge [sflag:s13], $0x200  }
0xbb: {  	[sflag:s13] =	ssyncset.done $0x0  }
0xbc: {  	[sflag:s13] =	ssyncadd.s32 $0xFFFFFE00  }
0xbd: {  	_ =	swait.ge [sflag:s13], $0x200  }
0xbe: {  	[sflag:s13] =	ssyncset.done $0x0  }
0xbf: {  	[sflag:s13] =	ssyncadd.s32 $0xFFFFFE00  }
0xc0: {  	_ =	swait.ge [sflag:s13], $0x200  }
0xc1: {  	[sflag:s13] =	ssyncset.done $0x0  }
0xc2: {  	[sflag:s13] =	ssyncadd.s32 $0xFFFFFE00  }
0xc3: {  	_ =	swait.ge [sflag:s13], $0x200  }
0xc4: {  	[sflag:s13] =	ssyncset.done $0x0  }
0xc5: {  	[sflag:s13] =	ssyncadd.s32 $0xFFFFFE00  }
0xc6: {  	_ =	swait.ge [sflag:s13], $0x200  }
0xc7: {  	[sflag:s13] =	ssyncset.done $0x0  }
0xc8: {  	[sflag:s13] =	ssyncadd.s32 $0xFFFFFE00  }
0xc9: {  	_ =	swait.ge [sflag:s13], $0x200  }
0xca: {  	[sflag:s13] =	ssyncset.done $0x0  }
0xcb: {  	[sflag:s13] =	ssyncadd.s32 $0xFFFFFE00  }
0xcc: {  	_ =	swait.ge [sflag:s13], $0x200  }
0xcd: {  	[sflag:s13] =	ssyncset.done $0x0  }
0xce: {  	s18 =	simm.s32 $0x0;
	[sflag:s13] =	ssyncadd.s32 $0xFFFFFE00  }
0xcf: {  	v0 =	vld [tilespmem:s18+$0x400]  }
0xd0: {  	v1 =	vimm.f32 $0.0e+00;
	v2 =	vimm.f32 $0.0e+00;
	s16 =	simm.s32 $0x40;
	v3 =	vld [tilespmem:s18+$0x2400]  }
.LBB2_2:
0xd1: {  	_ = 	snop  }
0xd2: {  	p0 =	sne.s32 s16, $0x7C0  }
.Ltmp0:
0xd3: {  	_ = 	snop;
	(pc) =	sbr.rel @p0 .LBB2_2-.Ltmp0, $4  }
0xd4: {  	_ = 	snop  }
0xd5: {  	s17 =	sshra.s32 s16, $0x2;
	v4 =	vmul.f32 v3, v0  }
0xd6: {  	v0 =	vld [tilespmem:s17+$0x400]  }
0xd7: {  	s16 =	sadd.s32 $0x40, s16;
	v3 =	vld [tilespmem:s17+$0x2400];
	v2 =	vadd.f32 v4, v2  }
0xd8: {  	_ =	sdelay $0x3  }
0xd9: {  	s16 =	simm.s32 $0x0;
	v0 =	vmul.f32 v3, v0  }
0xda: {  	v3 =	vld [tilespmem:s16+$0x600]  }
0xdb: {  	s17 =	simm.s32 $0x40;
	v0 =	vadd.f32 v0, v2;
	v2 =	vld [tilespmem:s16+$0x2600]  }
.LBB2_4:
0xdc: {  	_ = 	snop  }
0xdd: {  	p0 =	sne.s32 s17, $0x7C0  }
.Ltmp1:
0xde: {  	_ = 	snop;
	(pc) =	sbr.rel @p0 .LBB2_4-.Ltmp1, $4  }
0xdf: {  	_ = 	snop  }
0xe0: {  	s18 =	sshra.s32 s17, $0x2;
	v4 =	vmul.f32 v2, v3  }
0xe1: {  	v3 =	vld [tilespmem:s18+$0x600]  }
0xe2: {  	s17 =	sadd.s32 $0x40, s17;
	v2 =	vld [tilespmem:s18+$0x2600];
	v1 =	vadd.f32 v4, v1  }
0xe3: {  	_ =	sdelay $0x3  }
0xe4: {  	v3 =	vmul.f32 v2, v3  }
0xe5: {  	v5 =	vld [tilespmem:s16+$0x2800]  }
0xe6: {  	s17 =	simm.s32 $0x40;
	v4 =	vimm.f32 $0.0e+00;
	v2 =	vld [tilespmem:s16+$0x800];
	v1 =	vadd.f32 v3, v1;
	v3 =	vimm.f32 $0.0e+00  }
.LBB2_6:
0xe7: {  	_ = 	snop  }
0xe8: {  	p0 =	sne.s32 s17, $0x7C0  }
.Ltmp2:
0xe9: {  	_ = 	snop;
	(pc) =	sbr.rel @p0 .LBB2_6-.Ltmp2, $4  }
0xea: {  	_ = 	snop  }
0xeb: {  	s16 =	sshra.s32 s17, $0x2;
	v6 =	vmul.f32 v5, v2  }
0xec: {  	v2 =	vld [tilespmem:s16+$0x800]  }
0xed: {  	s17 =	sadd.s32 $0x40, s17;
	v5 =	vld [tilespmem:s16+$0x2800];
	v4 =	vadd.f32 v6, v4  }
0xee: {  	_ =	sdelay $0x3  }
0xef: {  	s16 =	simm.s32 $0x0;
	v2 =	vmul.f32 v5, v2  }
0xf0: {  	v5 =	vld [tilespmem:s16+$0xA00]  }
0xf1: {  	s17 =	simm.s32 $0x40;
	v2 =	vadd.f32 v2, v4;
	v4 =	vld [tilespmem:s16+$0x2A00]  }
.LBB2_8:
0xf2: {  	_ = 	snop  }
0xf3: {  	p0 =	sne.s32 s17, $0x7C0  }
.Ltmp3:
0xf4: {  	_ = 	snop;
	(pc) =	sbr.rel @p0 .LBB2_8-.Ltmp3, $4  }
0xf5: {  	_ = 	snop  }
0xf6: {  	s18 =	sshra.s32 s17, $0x2;
	v6 =	vmul.f32 v4, v5  }
0xf7: {  	v5 =	vld [tilespmem:s18+$0xA00]  }
0xf8: {  	s17 =	sadd.s32 $0x40, s17;
	v4 =	vld [tilespmem:s18+$0x2A00];
	v3 =	vadd.f32 v6, v3  }
0xf9: {  	_ =	sdelay $0x3  }
0xfa: {  	v5 =	vmul.f32 v4, v5  }
0xfb: {  	v7 =	vld [tilespmem:s16+$0x2C00]  }
0xfc: {  	s17 =	simm.s32 $0x40;
	v6 =	vimm.f32 $0.0e+00;
	v4 =	vld [tilespmem:s16+$0xC00];
	v3 =	vadd.f32 v5, v3;
	v5 =	vimm.f32 $0.0e+00  }
.LBB2_10:
0xfd: {  	_ = 	snop  }
0xfe: {  	p0 =	sne.s32 s17, $0x7C0  }
.Ltmp4:
0xff: {  	_ = 	snop;
	(pc) =	sbr.rel @p0 .LBB2_10-.Ltmp4, $4  }
0x100: {  	_ = 	snop  }
0x101: {  	s16 =	sshra.s32 s17, $0x2;
	v8 =	vmul.f32 v7, v4  }
0x102: {  	v4 =	vld [tilespmem:s16+$0xC00]  }
0x103: {  	s17 =	sadd.s32 $0x40, s17;
	v7 =	vld [tilespmem:s16+$0x2C00];
	v6 =	vadd.f32 v8, v6  }
0x104: {  	_ =	sdelay $0x3  }
0x105: {  	s16 =	simm.s32 $0x0;
	v4 =	vmul.f32 v7, v4  }
0x106: {  	v7 =	vld [tilespmem:s16+$0xE00]  }
0x107: {  	s17 =	simm.s32 $0x40;
	v4 =	vadd.f32 v4, v6;
	v6 =	vld [tilespmem:s16+$0x2E00]  }
.LBB2_12:
0x108: {  	_ = 	snop  }
0x109: {  	p0 =	sne.s32 s17, $0x7C0  }
.Ltmp5:
0x10a: {  	_ = 	snop;
	(pc) =	sbr.rel @p0 .LBB2_12-.Ltmp5, $4  }
0x10b: {  	_ = 	snop  }
0x10c: {  	s18 =	sshra.s32 s17, $0x2;
	v8 =	vmul.f32 v6, v7  }
0x10d: {  	v7 =	vld [tilespmem:s18+$0xE00]  }
0x10e: {  	s17 =	sadd.s32 $0x40, s17;
	v6 =	vld [tilespmem:s18+$0x2E00];
	v5 =	vadd.f32 v8, v5  }
0x10f: {  	_ =	sdelay $0x3  }
0x110: {  	v7 =	vmul.f32 v6, v7  }
0x111: {  	v9 =	vld [tilespmem:s16+$0x3000]  }
0x112: {  	s17 =	simm.s32 $0x40;
	v8 =	vimm.f32 $0.0e+00;
	v6 =	vld [tilespmem:s16+$0x1000];
	v5 =	vadd.f32 v7, v5;
	v7 =	vimm.f32 $0.0e+00  }
.LBB2_14:
0x113: {  	_ = 	snop  }
0x114: {  	p0 =	sne.s32 s17, $0x7C0  }
.Ltmp6:
0x115: {  	_ = 	snop;
	(pc) =	sbr.rel @p0 .LBB2_14-.Ltmp6, $4  }
0x116: {  	_ = 	snop  }
0x117: {  	s16 =	sshra.s32 s17, $0x2;
	v10 =	vmul.f32 v9, v6  }
0x118: {  	v6 =	vld [tilespmem:s16+$0x1000]  }
0x119: {  	s17 =	sadd.s32 $0x40, s17;
	v9 =	vld [tilespmem:s16+$0x3000];
	v8 =	vadd.f32 v10, v8  }
0x11a: {  	_ =	sdelay $0x3  }
0x11b: {  	s16 =	simm.s32 $0x0;
	v6 =	vmul.f32 v9, v6  }
0x11c: {  	v9 =	vld [tilespmem:s16+$0x1200]  }
0x11d: {  	s17 =	simm.s32 $0x40;
	v6 =	vadd.f32 v6, v8;
	v8 =	vld [tilespmem:s16+$0x3200]  }
.LBB2_16:
0x11e: {  	_ = 	snop  }
0x11f: {  	p0 =	sne.s32 s17, $0x7C0  }
.Ltmp7:
0x120: {  	_ = 	snop;
	(pc) =	sbr.rel @p0 .LBB2_16-.Ltmp7, $4  }
0x121: {  	_ = 	snop  }
0x122: {  	s18 =	sshra.s32 s17, $0x2;
	v10 =	vmul.f32 v8, v9  }
0x123: {  	v9 =	vld [tilespmem:s18+$0x1200]  }
0x124: {  	s17 =	sadd.s32 $0x40, s17;
	v8 =	vld [tilespmem:s18+$0x3200];
	v7 =	vadd.f32 v10, v7  }
0x125: {  	_ =	sdelay $0x3  }
0x126: {  	v9 =	vmul.f32 v8, v9  }
0x127: {  	v11 =	vld [tilespmem:s16+$0x3400]  }
0x128: {  	s17 =	simm.s32 $0x40;
	v10 =	vimm.f32 $0.0e+00;
	v8 =	vld [tilespmem:s16+$0x1400];
	v7 =	vadd.f32 v9, v7;
	v9 =	vimm.f32 $0.0e+00  }
.LBB2_18:
0x129: {  	_ = 	snop  }
0x12a: {  	p0 =	sne.s32 s17, $0x7C0  }
.Ltmp8:
0x12b: {  	_ = 	snop;
	(pc) =	sbr.rel @p0 .LBB2_18-.Ltmp8, $4  }
0x12c: {  	_ = 	snop  }
0x12d: {  	s16 =	sshra.s32 s17, $0x2;
	v12 =	vmul.f32 v11, v8  }
0x12e: {  	v8 =	vld [tilespmem:s16+$0x1400]  }
0x12f: {  	s17 =	sadd.s32 $0x40, s17;
	v11 =	vld [tilespmem:s16+$0x3400];
	v10 =	vadd.f32 v12, v10  }
0x130: {  	_ =	sdelay $0x3  }
0x131: {  	s16 =	simm.s32 $0x0;
	v8 =	vmul.f32 v11, v8  }
0x132: {  	v11 =	vld [tilespmem:s16+$0x1600]  }
0x133: {  	s17 =	simm.s32 $0x40;
	v8 =	vadd.f32 v8, v10;
	v10 =	vld [tilespmem:s16+$0x3600]  }
.LBB2_20:
0x134: {  	_ = 	snop  }
0x135: {  	p0 =	sne.s32 s17, $0x7C0  }
.Ltmp9:
0x136: {  	_ = 	snop;
	(pc) =	sbr.rel @p0 .LBB2_20-.Ltmp9, $4  }
0x137: {  	_ = 	snop  }
0x138: {  	s18 =	sshra.s32 s17, $0x2;
	v12 =	vmul.f32 v10, v11  }
0x139: {  	v11 =	vld [tilespmem:s18+$0x1600]  }
0x13a: {  	s17 =	sadd.s32 $0x40, s17;
	v10 =	vld [tilespmem:s18+$0x3600];
	v9 =	vadd.f32 v12, v9  }
0x13b: {  	_ =	sdelay $0x3  }
0x13c: {  	v11 =	vmul.f32 v10, v11  }
0x13d: {  	v13 =	vld [tilespmem:s16+$0x3800]  }
0x13e: {  	s17 =	simm.s32 $0x40;
	v12 =	vimm.f32 $0.0e+00;
	v10 =	vld [tilespmem:s16+$0x1800];
	v9 =	vadd.f32 v11, v9;
	v11 =	vimm.f32 $0.0e+00  }
.LBB2_22:
0x13f: {  	_ = 	snop  }
0x140: {  	p0 =	sne.s32 s17, $0x7C0  }
.Ltmp10:
0x141: {  	_ = 	snop;
	(pc) =	sbr.rel @p0 .LBB2_22-.Ltmp10, $4  }
0x142: {  	_ = 	snop  }
0x143: {  	s16 =	sshra.s32 s17, $0x2;
	v14 =	vmul.f32 v13, v10  }
0x144: {  	v10 =	vld [tilespmem:s16+$0x1800]  }
0x145: {  	s17 =	sadd.s32 $0x40, s17;
	v13 =	vld [tilespmem:s16+$0x3800];
	v12 =	vadd.f32 v14, v12  }
0x146: {  	_ =	sdelay $0x3  }
0x147: {  	s16 =	simm.s32 $0x0;
	v10 =	vmul.f32 v13, v10  }
0x148: {  	v13 =	vld [tilespmem:s16+$0x1A00]  }
0x149: {  	s17 =	simm.s32 $0x40;
	v10 =	vadd.f32 v10, v12;
	v12 =	vld [tilespmem:s16+$0x3A00]  }
.LBB2_24:
0x14a: {  	_ = 	snop  }
0x14b: {  	p0 =	sne.s32 s17, $0x7C0  }
.Ltmp11:
0x14c: {  	_ = 	snop;
	(pc) =	sbr.rel @p0 .LBB2_24-.Ltmp11, $4  }
0x14d: {  	_ = 	snop  }
0x14e: {  	s18 =	sshra.s32 s17, $0x2;
	v14 =	vmul.f32 v12, v13  }
0x14f: {  	v13 =	vld [tilespmem:s18+$0x1A00]  }
0x150: {  	s17 =	sadd.s32 $0x40, s17;
	v12 =	vld [tilespmem:s18+$0x3A00];
	v11 =	vadd.f32 v14, v11  }
0x151: {  	_ =	sdelay $0x3  }
0x152: {  	v13 =	vmul.f32 v12, v13  }
0x153: {  	v15 =	vld [tilespmem:s16+$0x3C00]  }
0x154: {  	s17 =	simm.s32 $0x40;
	v14 =	vimm.f32 $0.0e+00;
	v12 =	vld [tilespmem:s16+$0x1C00];
	v11 =	vadd.f32 v13, v11;
	v13 =	vimm.f32 $0.0e+00  }
.LBB2_26:
0x155: {  	_ = 	snop  }
0x156: {  	p0 =	sne.s32 s17, $0x7C0  }
.Ltmp12:
0x157: {  	_ = 	snop;
	(pc) =	sbr.rel @p0 .LBB2_26-.Ltmp12, $4  }
0x158: {  	_ = 	snop  }
0x159: {  	s16 =	sshra.s32 s17, $0x2;
	v16 =	vmul.f32 v15, v12  }
0x15a: {  	v12 =	vld [tilespmem:s16+$0x1C00]  }
0x15b: {  	s17 =	sadd.s32 $0x40, s17;
	v15 =	vld [tilespmem:s16+$0x3C00];
	v14 =	vadd.f32 v16, v14  }
0x15c: {  	_ =	sdelay $0x3  }
0x15d: {  	s16 =	simm.s32 $0x0;
	v12 =	vmul.f32 v15, v12  }
0x15e: {  	v15 =	vld [tilespmem:s16+$0x1E00]  }
0x15f: {  	s17 =	simm.s32 $0x40;
	v12 =	vadd.f32 v12, v14;
	v14 =	vld [tilespmem:s16+$0x3E00]  }
.LBB2_28:
0x160: {  	_ = 	snop  }
0x161: {  	p0 =	sne.s32 s17, $0x7C0  }
.Ltmp13:
0x162: {  	_ = 	snop;
	(pc) =	sbr.rel @p0 .LBB2_28-.Ltmp13, $4  }
0x163: {  	_ = 	snop  }
0x164: {  	s18 =	sshra.s32 s17, $0x2;
	v16 =	vmul.f32 v14, v15  }
0x165: {  	v15 =	vld [tilespmem:s18+$0x1E00]  }
0x166: {  	s17 =	sadd.s32 $0x40, s17;
	v14 =	vld [tilespmem:s18+$0x3E00];
	v13 =	vadd.f32 v16, v13  }
0x167: {  	_ =	sdelay $0x3  }
0x168: {  	v14 =	vmul.f32 v14, v15  }
0x169: {  	v16 =	vld [tilespmem:s16+$0x4000]  }
0x16a: {  	s17 =	simm.s32 $0x40;
	v17 =	vimm.f32 $0.0e+00;
	v15 =	vld [tilespmem:s16+$0x2000];
	v13 =	vadd.f32 v14, v13;
	v14 =	vimm.f32 $0.0e+00  }
.LBB2_30:
0x16b: {  	_ = 	snop  }
0x16c: {  	p0 =	sne.s32 s17, $0x7C0  }
.Ltmp14:
0x16d: {  	_ = 	snop;
	(pc) =	sbr.rel @p0 .LBB2_30-.Ltmp14, $4  }
0x16e: {  	_ = 	snop  }
0x16f: {  	s16 =	sshra.s32 s17, $0x2;
	v18 =	vmul.f32 v16, v15  }
0x170: {  	v15 =	vld [tilespmem:s16+$0x2000]  }
0x171: {  	s17 =	sadd.s32 $0x40, s17;
	v16 =	vld [tilespmem:s16+$0x4000];
	v17 =	vadd.f32 v18, v17  }
0x172: {  	_ =	sdelay $0x3  }
0x173: {  	s17 =	simm.s32 $0x0;
	v15 =	vmul.f32 v16, v15  }
0x174: {  	v16 =	vld [tilespmem:s17+$0x2200]  }
0x175: {  	s16 =	simm.s32 $0x40;
	v15 =	vadd.f32 v15, v17;
	v17 =	vld [tilespmem:s17+$0x4200]  }
.LBB2_32:
0x176: {  	_ = 	snop  }
0x177: {  	p0 =	sne.s32 s16, $0x7C0  }
.Ltmp15:
0x178: {  	_ = 	snop;
	(pc) =	sbr.rel @p0 .LBB2_32-.Ltmp15, $4  }
0x179: {  	_ = 	snop  }
0x17a: {  	s17 =	sshra.s32 s16, $0x2;
	v18 =	vmul.f32 v17, v16  }
0x17b: {  	v16 =	vld [tilespmem:s17+$0x2200]  }
0x17c: {  	s16 =	sadd.s32 $0x40, s16;
	v17 =	vld [tilespmem:s17+$0x4200];
	v14 =	vadd.f32 v18, v14  }
0x17d: {  	v0 =	vadd.f32 v1, v0;
	_ =	sdelay $0x1  }
0x17e: {  	v0 =	vadd.f32 v2, v0;
	_ =	sdelay $0x1  }
0x17f: {  	v0 =	vadd.f32 v3, v0;
	_ =	sdelay $0x1  }
0x180: {  	v0 =	vadd.f32 v4, v0;
	_ =	sdelay $0x1  }
0x181: {  	v0 =	vadd.f32 v5, v0;
	_ =	sdelay $0x1  }
0x182: {  	v0 =	vadd.f32 v6, v0;
	_ =	sdelay $0x1  }
0x183: {  	v0 =	vadd.f32 v7, v0;
	_ =	sdelay $0x1  }
0x184: {  	v0 =	vadd.f32 v8, v0;
	_ =	sdelay $0x1  }
0x185: {  	v0 =	vadd.f32 v9, v0;
	_ =	sdelay $0x1  }
0x186: {  	v0 =	vadd.f32 v10, v0;
	_ =	sdelay $0x1  }
0x187: {  	v0 =	vadd.f32 v11, v0;
	_ =	sdelay $0x1  }
0x188: {  	v0 =	vadd.f32 v12, v0;
	_ =	sdelay $0x1  }
0x189: {  	v1 =	vmul.f32 v17, v16;
	v0 =	vadd.f32 v13, v0;
	_ =	sdelay $0x1  }
0x18a: {  	v1 =	vadd.f32 v1, v14;
	v0 =	vadd.f32 v15, v0;
	_ =	sdelay $0x1  }
0x18b: {  	v0 =	vadd.f32 v1, v0;
	_ =	sdelay $0x1  }
0x18c: {  	s16 =	simm.s32 $0x0;
	s17 =	simm.s32 $0x4A00;
	[tilespmem:$0x4A00] =	vst v0  }
0x18d: {  	[hbm4b:s7+s16] =	stream.linear.scatter [tilespmem:s17], [sflag:$0x2], $0x10, $0x38;
	[tilespmem:$0x4A10] =	vst v63  }
0x18e: {  	_ =	swait.ge [sflag:s11], $0x10  }
0x18f: {  	[sflag:s11] =	ssyncset.done $0x0  }
0x190: {  	s16 =	simm.s32 $0x0;
	[sflag:s11] =	ssyncadd.s32 $0xFFFFFFF0  }
0x191: {  	v0 =	vld [tilespmem:s16+$0x4400]  }
0x192: {  	s17 =	simm.s32 $0x40;
	v1 =	vld [tilespmem:s16+$0x4600]  }
.LBB2_34:
0x193: {  	_ = 	snop  }
0x194: {  	p0 =	sne.s32 s17, $0x7C0  }
.Ltmp16:
0x195: {  	_ = 	snop;
	(pc) =	sbr.rel @p0 .LBB2_34-.Ltmp16, $4  }
0x196: {  	_ = 	snop  }
0x197: {  	s18 =	sshra.s32 s17, $0x2;
	v2 =	vadd.f32 v1, v0  }
0x198: {  	v0 =	vld [tilespmem:s18+$0x4400]  }
0x199: {  	s17 =	sadd.s32 $0x40, s17;
	v1 =	vld [tilespmem:s18+$0x4600];
	[tilespmem:s16+$0x4800] =	vst v2;
	s16 =	smov.u32 s18  }
0x19a: {  	_ =	sdelay $0x3  }
0x19b: {  	s14 =	sadd.s32 $0x1, s14;
	v0 =	vadd.f32 v1, v0  }
0x19c: {  	p0 =	sne.s32 s14, s10  }
.Ltmp17:
0x19d: {  	s18 =	simm.s32 $0x4800;
	[tilespmem:s16+$0x4800] =	vst v0;
	(pc) =	sbr.rel @p0 .LBB2_1-.Ltmp17, $4  }
0x19e: {  	[hbm4b:s9+s1] =	stream.linear.scatter [tilespmem:s18], [sflag:$0x2], $0x200, $0x38;
	[tilespmem:$0x4A10] =	vst v63  }
0x19f: {  	_ =	swait.ge [sflag:s11], $0x200  }
0x1a0: {  	[sflag:s11] =	ssyncset.done $0x0  }
0x1a1: {  	[sflag:s11] =	ssyncadd.s32 $0xFFFFFE00  }
0x1a2: {  	_ =	sfence.sel $0x180000  }
0x1a3: {  	[bflag:$0x0] =	sbarrier.arrive $0xFFFF  }
0x1a4: {  	_ =	strace $0x90000047  }
0x1a5: {  	s0 =	stileid.u32;
	[bflag:$0x2] =	sbarrier.arrive $0xFFFF  }
0x1a6: {  	p0 =	sne.s32 s0, $0x0;
	s0 =	rddreg [dreg:$0x2]  }
0x1a7: {  	s0 =	sadd.s32 @!p0 $0x100000, s0  }
0x1a8: {  	[sflag:s0] =	ssyncadd.tile.s32 @!p0 $0x1;
	_ =	shalt  }
.Lfunc_end2:
_tile_overlayer_lowered:
.L_overlay_start_2:
0x1a9: {  	(tag) =	ssettag $0x2  }
0x1aa: {  	s0 =	rddreg [dreg:$0x0];
	s2 =	stileid.u32  }
0x1ab: {  	s1 =	rddreg [dreg:$0x1];
	p0 =	sne.s32 s2, $0x0  }
0x1ac: {  	s3 =	rddreg [dreg:$0x2];
	[bflag:$0x3] =	sbarrier.arrive $0xFFFF;
	s2 =	simm.s32 @!p0 $0x1C02  }
0x1ad: {  	[timem:s3], [sflag:s2] =	dma.local @!p0 [hbm:s0], s1  }
0x1ae: {  	s0 =	simm.s32 @!p0 $0x2  }
0x1af: {  	_ =	swait.ge @!p0 [sflag:s0], s1  }
0x1b0: {  	s1 =	ssub.s32 @!p0 $0x0, s1;
	[sflag:s0] =	ssyncset.done @!p0 $0x0  }
0x1b1: {  	[sflag:s0] =	ssyncadd.s32 @!p0 s1  }
0x1b2: {  	[bflag:$0x3] =	sbarrier.arrive $0xFFFF  }
0x1b3: {  	_ =	shalt  }

// kernel: kernel.9.cloned.1.call-start
scs
__scs_entry_jumppad:
0x0: {  	(pc) =	sbr.rel $0x88, $3  }
0x1: {  	(tag) =	ssettag $0x0;
	lr =	simm.s32 $0x1  }
0x2: {  	[smem:$0x3F9C] =	sst lr;
	_ =	strace $0xD0000000  }
0x3: {  	_ = 	snop  }
0x4: {  	_ = 	snop  }
0x5: {  	_ = 	snop  }
0x6: {  	_ = 	snop  }
0x7: {  	_ = 	snop  }
__scs_overlays_trampoline_lowered:
0x8: {  	[smem:$0x3FAB] =	sst s0  }
0x9: {  	[smem:$0x3FAC] =	sst s1  }
0xa: {  	[smem:$0x3FAD] =	sst s2  }
0xb: {  	[smem:$0x3FAE] =	sst s3  }
0xc: {  	[smem:$0x3FAF] =	sst s4  }
0xd: {  	[smem:$0x3FB0] =	sst s5  }
0xe: {  	[smem:$0x3FB1] =	sst s6  }
0xf: {  	[smem:$0x3FB2] =	sst s7  }
0x10: {  	[smem:$0x3FB3] =	sst s8  }
0x11: {  	[smem:$0x3FB4] =	sst s9;
	s0 =	simm.s32 @!p0 $0x0  }
0x12: {  	s1 =	sld [smem:$0x3F9A];
	s0 =	simm.s32 @p0 $0x1  }
0x13: {  	[smem:$0x3FB5] =	sst s0;
	s0 =	simm.s32 @!p1 $0x0  }
0x14: {  	s2 =	sld [smem:$0x3F99];
	s0 =	simm.s32 @p1 $0x1  }
0x15: {  	[smem:$0x3FB6] =	sst s0;
	s0 =	simm.s32 @!p2 $0x0  }
0x16: {  	s3 =	sld [smem:$0x3FDB];
	s0 =	simm.s32 @p2 $0x1  }
0x17: {  	s4 =	simm.s32 $0x1BF5;
	[smem:$0x3FB8] =	sst s0  }
0x18: {  	s0 =	sld [smem:$0x3F9B];
	_ =	swait.ge [sflag:s4], $0x0  }
0x19: {  	s7 =	sld [smem:$0x3F9C]  }
0x1a: {  	s8 =	sadd.s32 $0xFFFFE003, lr  }
0x1b: {  	s9 =	sadd.s32 $0xFFFFFEF7, lr;
	s5 =	simm.s32 $0xFFFFFFFF;
	p2 =	slt.u32 s8, $0xFFFFF086  }
0x1c: {  	p1 =	slt.u32 s9, $0xF7A;
	s5 =	simm.s32 @!p2 $0x0  }
0x1d: {  	s5 =	simm.s32 @p1 $0x1;
	p0 =	seq.s32 s7, s2  }
0x1e: {  	s7 =	smul.u32 @!p0 $0xF7A, s2;
	p2 =	seq.s32 @!p0 s5, $0x0  }
0x1f: {  	s9 =	smul.u32 $0xF7A, s1;
	s8 =	simm.s32 @!p0 $0x1BF5;
	p2 =	por !p2, p0  }
0x20: {  	[sflag:s8] =	ssyncset.s32 @!p0 $0xFFFFF086;
	s6 =	sadd.s32 @!p0 s3, s7;
	s7 =	simm.s32 @!p0 $0x108  }
0x21: {  	s3 =	sadd.s32 s3, s9;
	s6 =	sadd.s32 @!p0 $0x88, s6;
	s7 =	simm.s32 @p2 $0x1082  }
0x22: {  	[simem:s7], [sflag:s8] =	dma.local @!p0 [hbm:s6], $0xF7A  }
0x23: {  	s9 =	sor.u32 $0xD0000000, s2;
	s6 =	simm.s32 $0x108;
	_ =	swait.ge @!p0 [sflag:s8], $0x0  }
0x24: {  	s3 =	sadd.s32 $0x88, s3;
	s6 =	simm.s32 @!p1 $0x1082;
	[sflag:s4] =	ssyncset.s32 $0xFFFFF086  }
0x25: {  	[simem:s6], [sflag:s4] =	dma.local [hbm:s3], $0xF7A  }
0x26: {  	[smem:$0x3F9C] =	sst s1;
	(tag) =	ssettag s2;
	_ =	strace s9  }
0x27: {  	s1 =	sld [smem:$0x3FAC]  }
0x28: {  	s2 =	sld [smem:$0x3FAD]  }
0x29: {  	s4 =	sld [smem:$0x3FAF]  }
0x2a: {  	p0 =	seq.s32 s5, $0x0;
	s5 =	sld [smem:$0x3FB0]  }
0x2b: {  	s6 =	sld [smem:$0x3FB1]  }
0x2c: {  	s7 =	sld [smem:$0x3FB2]  }
0x2d: {  	s3 =	simm.s32 $0x108;
	s8 =	sld [smem:$0x3FB3]  }
0x2e: {  	s3 =	simm.s32 @!p0 $0x1082;
	s9 =	sld [smem:$0x3FB4]  }
0x2f: {  	lr =	sadd.s32 s0, s3;
	s0 =	sld [smem:$0x3FAB]  }
0x30: {  	s3 =	sld [smem:$0x3FAE]  }
0x31: {  	[smem:$0x3FB7] =	sst s10  }
0x32: {  	s10 =	sld [smem:$0x3FB5];
	_ =	sdelay $0x3  }
0x33: {  	p0 =	seq.s32 s10, $0x1;
	s10 =	sld [smem:$0x3FB7];
	_ =	sdelay $0x3  }
0x34: {  	[smem:$0x3FB7] =	sst s10  }
0x35: {  	s10 =	sld [smem:$0x3FB6];
	_ =	sdelay $0x3  }
0x36: {  	p1 =	seq.s32 s10, $0x1;
	s10 =	sld [smem:$0x3FB7];
	_ =	sdelay $0x3  }
0x37: {  	[smem:$0x3FB7] =	sst s10  }
0x38: {  	s10 =	sld [smem:$0x3FB8]  }
0x39: {  	_ = 	snop;
	(pc) =	sbr.ind lr, $3  }
0x3a: {  	_ = 	snop  }
0x3b: {  	_ = 	snop  }
0x3c: {  	p2 =	seq.s32 s10, $0x1;
	s10 =	sld [smem:$0x3FB7]  }
0x3d: {  	_ =	shalt  }
0x3e: {  	_ =	shalt  }
0x3f: {  	_ =	shalt  }
0x40: {  	_ =	shalt  }
0x41: {  	_ =	shalt  }
0x42: {  	_ =	shalt  }
0x43: {  	_ =	shalt  }
0x44: {  	_ =	shalt  }
0x45: {  	_ =	shalt  }
0x46: {  	_ =	shalt  }
0x47: {  	_ =	shalt  }
0x48: {  	_ =	shalt  }
0x49: {  	_ =	shalt  }
0x4a: {  	_ =	shalt  }
0x4b: {  	_ =	shalt  }
0x4c: {  	_ =	shalt  }
0x4d: {  	_ =	shalt  }
0x4e: {  	_ =	shalt  }
0x4f: {  	_ =	shalt  }
0x50: {  	_ =	shalt  }
0x51: {  	_ =	shalt  }
0x52: {  	_ =	shalt  }
0x53: {  	_ =	shalt  }
0x54: {  	_ =	shalt  }
0x55: {  	_ =	shalt  }
0x56: {  	_ =	shalt  }
0x57: {  	_ =	shalt  }
0x58: {  	_ =	shalt  }
0x59: {  	_ =	shalt  }
0x5a: {  	_ =	shalt  }
0x5b: {  	_ =	shalt  }
0x5c: {  	_ =	shalt  }
0x5d: {  	_ =	shalt  }
0x5e: {  	_ =	shalt  }
0x5f: {  	_ =	shalt  }
0x60: {  	_ =	shalt  }
0x61: {  	_ =	shalt  }
0x62: {  	_ =	shalt  }
0x63: {  	_ =	shalt  }
0x64: {  	_ =	shalt  }
0x65: {  	_ =	shalt  }
0x66: {  	_ =	shalt  }
0x67: {  	_ =	shalt  }
0x68: {  	_ =	shalt  }
0x69: {  	_ =	shalt  }
0x6a: {  	_ =	shalt  }
0x6b: {  	_ =	shalt  }
0x6c: {  	_ =	shalt  }
0x6d: {  	_ =	shalt  }
0x6e: {  	_ =	shalt  }
0x6f: {  	_ =	shalt  }
0x70: {  	_ =	shalt  }
0x71: {  	_ =	shalt  }
0x72: {  	_ =	shalt  }
0x73: {  	_ =	shalt  }
0x74: {  	_ =	shalt  }
0x75: {  	_ =	shalt  }
0x76: {  	_ =	shalt  }
0x77: {  	_ =	shalt  }
0x78: {  	_ =	shalt  }
0x79: {  	_ =	shalt  }
0x7a: {  	_ =	shalt  }
0x7b: {  	_ =	shalt  }
0x7c: {  	_ =	shalt  }
0x7d: {  	_ =	shalt  }
0x7e: {  	_ =	shalt  }
0x7f: {  	_ =	shalt  }
0x80: {  	_ =	shalt  }
0x81: {  	_ =	shalt  }
0x82: {  	_ =	shalt  }
0x83: {  	_ =	shalt  }
0x84: {  	_ =	shalt  }
0x85: {  	_ =	shalt  }
0x86: {  	_ =	shalt  }
0x87: {  	_ =	shalt  }
.Lfunc_end0:
.L_simem_size_0:
called_computation.1_lowered:
.L_overlay_start_0:
0x88: {  	s0 =	sld [smem:$0x3FD9]  }
0x89: {  	s1 =	sld [smem:$0x3FFE];
	_ =	sdelay $0x3  }
0x8a: {  	s0 =	sadd.s32 s1, s0  }
0x8b: {  	[smem:$0x3FC3] =	sst s0  }
0x8c: {  	_ = 	snop  }
0x8d: {  	s0 =	sld [smem:$0x3FD0];
	(tm) =	ssettm $0x1  }
0x8e: {  	s16 =	sld [smem:$0x3FFB];
	_ =	sdelay $0x3  }
0x8f: {  	_ =	strace s16  }
0x90: {  	s1 =	sld [smem:$0x3FFC];
	_ =	sdelay $0x3  }
0x91: {  	_ =	strace s1  }
0x92: {  	s1 =	sld [smem:$0x3FFD];
	_ =	sdelay $0x3  }
0x93: {  	_ =	strace s1  }
0x94: {  	_ =	strace $0x8FFFFFFF  }
0x95: {  	s17 =	sld [smem:$0x3FDB];
	_ =	sdelay $0x1  }
0x96: {  	s2 =	simm.s32 $_scs_section_size  }
0x97: {  	s3 =	simm.s32 $_size__tile_overlayer_lowered;
	s4 =	simm.s32 $_tile_overlayer_lowered  }
0x98: {  	s20 =	simm.s32 $0x1BFF;
	s19 =	sshll.u32 s4, $0x1;
	s1 =	sadd.s32 s2, s17  }
0x99: {  	s5 =	simm.s32 $0x0;
	s18 =	sshll.u32 s3, $0x1;
	s3 =	sadd.s32 s19, s1  }
0x9a: {  	[timem:s5], [sflag:s20] =	dma.local [hbm:s3], s18  }
0x9b: {  	_ =	swait.ge [sflag:s20], s18  }
0x9c: {  	s2 =	ssub.s32 $0x0, s18;
	[sflag:s20] =	ssyncset.done $0x0  }
0x9d: {  	[sflag:s20] =	ssyncadd.s32 s2;
	_ =	sdelay $0x1  }
0x9e: {  	s21 =	simm.s32 $0x1B8B  }
0x9f: {  	_ =	swait.ge [sflag:s21], $0x1  }
0xa0: {  	[sflag:s21] =	ssyncset.done $0x0  }
0xa1: {  	s23 =	simm.s32 $0x1B8E;
	s22 =	sld [smem:$0x3FFE];
	[sflag:s21] =	ssyncadd.s32 $0xFFFFFFFF  }
0xa2: {  	s24 =	simm.s32 $execute0_lowered;
	[smem:$0x3FD2] =	sst s23  }
0xa3: {  	s3 =	sshll.u32 s24, $0x1;
	_ =	strace $0x80000049;
	[dreg:$0x1] =	wrdreg $0xFFFFFFFF  }
0xa4: {  	s25 =	simm.s32 $_size_execute0_lowered;
	s1 =	sadd.s32 s1, s3;
	[dreg:$0x0] =	wrdreg $0x0  }
0xa5: {  	s3 =	sshll.u32 s25, $0x1;
	[dreg:$0x2] =	wrdreg s1  }
0xa6: {  	[dreg:$0x3] =	wrdreg s3  }
0xa7: {  	[dreg:$0x4] =	wrdreg $0xC0  }
0xa8: {  	_ =	task [dreg:s5], $0x5FFFF  }
0xa9: {  	[dreg:$0x1] =	wrdreg $0xFFFFFFFF  }
0xaa: {  	[dreg:$0x0] =	wrdreg $0x60  }
0xab: {  	[dreg:$0x2] =	wrdreg s22  }
0xac: {  	[dreg:$0x3] =	wrdreg s0  }
0xad: {  	[dreg:$0x4] =	wrdreg $0x9  }
0xae: {  	_ =	task.clear_ibuf [dreg:s5], $0x5FFFF;
	_ =	strace $0x90000049  }
0xaf: {  	s26 =	simm.s32 $0x9;
	_ =	strace $0x8000004B  }
0xb0: {  	_ =	swait.ge [sflag:s26], $0x1  }
0xb1: {  	[sflag:s26] =	ssyncadd.s32 $0xFFFFFFFF  }
0xb2: {  	_ =	strace $0x9000004B  }
0xb3: {  	_ =	sfence  }
0xb4: {  	s28 =	sld [smem:$0x0];
	_ =	sdelay $0x1  }
0xb5: {  	s29 =	srdreg.scid  }
0xb6: {  	s30 =	sshll.u32 s29, $0xD;
	s31 =	sshrl.u32 s29, $0x2  }
0xb7: {  	s2 =	sand.u32 $0x4000, s30;
	s1 =	sand.u32 $0x1, s29;
	s0 =	sadd.s32 s31, s28  }
0xb8: {  	s1 =	sor.u32 s2, s1;
	s0 =	sshll.u32 s0, $0x11  }
0xb9: {  	s0 =	sor.u32 s0, s1  }
0xba: {  	s0 =	sadd.s32 $0x8F2B, s0  }
0xbb: {  	[sflag:s0] =	ssyncadd.remote.s32 $0x1  }
0xbc: {  	_ =	sfence.sel $0xFFFF  }
0xbd: {  	[dreg:$0x0] =	wrdreg $0xFFFFFFFF;
	(pc) =	sbr.abs _section_cstart, $3  }
0xbe: {  	[dreg:$0x1] =	wrdreg $0xFFFFFFFF  }
0xbf: {  	_ =	task.clear_ibuf [dreg:s5], $0x2FFFF;
	_ =	strace $0x9FFFFFFF  }
0xc0: {  	(tm) =	ssettm $0x7FFFFFFF  }
0xc1: {  	_ =	shalt  }
tec
execute0_lowered:
.L_overlay_start_1:
0x0: {  	(tag) =	ssettag $0x1  }
0x1: {  	s4 =	rddreg [dreg:$0x0]  }
0x2: {  	s2 =	rddreg [dreg:$0x1];
	s5 =	simm.s32 $0x0  }
0x3: {  	[smem:$0x7FF] =	sst s5  }
0x4: {  	s0 =	rddreg [dreg:$0x2];
	s1 =	sadd.s32 $0x412600, s4;
	_ =	strace $0x8000004A  }
0x5: {  	[tilespmem:s5], [sflag:$0x1] =	stream.linear.gather [hbm4b:s1+s5], $0x200, $0x38;
	[tilespmem:$0xA00] =	vst v63  }
0x6: {  	s6 =	simm.s32 $0x1;
	s1 =	stileid.u32  }
0x7: {  	s3 =	sshll.u32 s1, $0x7;
	_ =	swait.ge [sflag:s6], $0x200  }
0x8: {  	s4 =	sadd.s32 s3, s4;
	[sflag:s6] =	ssyncset.done $0x0  }
0x9: {  	s7 =	simm.s32 $0x200;
	s4 =	sadd.s32 $0x412800, s4;
	[sflag:s6] =	ssyncadd.s32 $0xFFFFFE00  }
0xa: {  	[tilespmem:s7], [sflag:$0x1] =	stream.linear.gather [hbm4b:s4+s5], $0x400, $0x38;
	[tilespmem:$0xA00] =	vst v63  }
0xb: {  	_ =	swait.ge [sflag:s6], $0x400  }
0xc: {  	[sflag:s6] =	ssyncset.done $0x0  }
0xd: {  	[sflag:s6] =	ssyncadd.s32 $0xFFFFFC00  }
0xe: {  	v0 =	vld [tilespmem:$0x0]  }
0xf: {  	v1 =	vld [tilespmem:$0x10];
	_ =	sdelay $0x1  }
0x10: {  	v2 =	vld [tilespmem:$0x20];
	_ =	sdelay $0x1  }
0x11: {  	v3 =	vld [tilespmem:$0x30]  }
0x12: {  	v0 =	vadd.f32 v1, v0  }
0x13: {  	v1 =	vld [tilespmem:$0x40]  }
0x14: {  	v0 =	vadd.f32 v2, v0  }
0x15: {  	v2 =	vld [tilespmem:$0x50]  }
0x16: {  	v0 =	vadd.f32 v3, v0  }
0x17: {  	v3 =	vld [tilespmem:$0x60]  }
0x18: {  	v0 =	vadd.f32 v1, v0  }
0x19: {  	v1 =	vld [tilespmem:$0x70]  }
0x1a: {  	v0 =	vadd.f32 v2, v0  }
0x1b: {  	v2 =	vld [tilespmem:$0x80]  }
0x1c: {  	v0 =	vadd.f32 v3, v0  }
0x1d: {  	v3 =	vld [tilespmem:$0x90]  }
0x1e: {  	v0 =	vadd.f32 v1, v0  }
0x1f: {  	v1 =	vld [tilespmem:$0xA0]  }
0x20: {  	v0 =	vadd.f32 v2, v0  }
0x21: {  	v2 =	vld [tilespmem:$0xB0]  }
0x22: {  	v0 =	vadd.f32 v3, v0  }
0x23: {  	v3 =	vld [tilespmem:$0xC0]  }
0x24: {  	v0 =	vadd.f32 v1, v0  }
0x25: {  	v1 =	vld [tilespmem:$0xD0]  }
0x26: {  	v0 =	vadd.f32 v2, v0  }
0x27: {  	v2 =	vld [tilespmem:$0xE0]  }
0x28: {  	v0 =	vadd.f32 v3, v0  }
0x29: {  	v3 =	vld [tilespmem:$0xF0]  }
0x2a: {  	v0 =	vadd.f32 v1, v0  }
0x2b: {  	v1 =	vld [tilespmem:$0x100]  }
0x2c: {  	v0 =	vadd.f32 v2, v0  }
0x2d: {  	v2 =	vld [tilespmem:$0x110]  }
0x2e: {  	v0 =	vadd.f32 v3, v0  }
0x2f: {  	v3 =	vld [tilespmem:$0x120]  }
0x30: {  	v0 =	vadd.f32 v1, v0  }
0x31: {  	v1 =	vld [tilespmem:$0x130]  }
0x32: {  	v0 =	vadd.f32 v2, v0  }
0x33: {  	v2 =	vld [tilespmem:$0x140]  }
0x34: {  	v0 =	vadd.f32 v3, v0  }
0x35: {  	v3 =	vld [tilespmem:$0x150]  }
0x36: {  	v0 =	vadd.f32 v1, v0  }
0x37: {  	v1 =	vld [tilespmem:$0x160]  }
0x38: {  	v0 =	vadd.f32 v2, v0  }
0x39: {  	v2 =	vld [tilespmem:$0x170]  }
0x3a: {  	v0 =	vadd.f32 v3, v0  }
0x3b: {  	v3 =	vld [tilespmem:$0x180]  }
0x3c: {  	v0 =	vadd.f32 v1, v0  }
0x3d: {  	v1 =	vld [tilespmem:$0x190]  }
0x3e: {  	v0 =	vadd.f32 v2, v0  }
0x3f: {  	v2 =	vld [tilespmem:$0x1A0]  }
0x40: {  	v0 =	vadd.f32 v3, v0  }
0x41: {  	v3 =	vld [tilespmem:$0x1B0]  }
0x42: {  	v0 =	vadd.f32 v1, v0  }
0x43: {  	v1 =	vld [tilespmem:$0x1C0]  }
0x44: {  	v0 =	vadd.f32 v2, v0  }
0x45: {  	v2 =	vld [tilespmem:$0x1D0]  }
0x46: {  	v0 =	vadd.f32 v3, v0  }
0x47: {  	v3 =	vld [tilespmem:$0x1E0]  }
0x48: {  	v0 =	vadd.f32 v1, v0  }
0x49: {  	v1 =	vld [tilespmem:$0x1F0]  }
0x4a: {  	v4 =	vimm.s32 $0x87654321;
	v0 =	vadd.f32 v2, v0;
	v2 =	vimm.s32 $0xFEDCBA9  }
0x4b: {  	v4 =	vunpack.c.l.s4.s8 v4;
	v2 =	vunpack.c.l.s4.s8 v2  }
0x4c: {  	v0 =	vadd.f32 v3, v0  }
0x4d: {  	v3 =	vunpack.c.0.s8.s32 v4;
	v2 =	vunpack.c.0.s8.s32 v2  }
0x4e: {  	v0 =	vadd.f32 v1, v0  }
0x4f: {  	v1 =	vcombine.low v3, v2;
	v2 =	vimm.s32 $0x10FEDCBA;
	v3 =	vimm.s32 $0x98765432  }
0x50: {  	v2 =	vunpack.c.l.s4.s8 v2;
	v3 =	vunpack.c.l.s4.s8 v3  }
0x51: {  	v1 =	vperm.xlane v0, v1  }
0x52: {  	v2 =	vunpack.c.0.s8.s32 v2;
	v3 =	vunpack.c.0.s8.s32 v3  }
0x53: {  	v0 =	vadd.f32 v1, v0  }
0x54: {  	v1 =	vcombine.low v3, v2;
	v2 =	vimm.s32 $0x3210FEDC;
	v3 =	vimm.s32 $0xBA987654  }
0x55: {  	v2 =	vunpack.c.l.s4.s8 v2;
	v3 =	vunpack.c.l.s4.s8 v3  }
0x56: {  	v4 =	vimm.s32 $0xFEDCBA98  }
0x57: {  	v1 =	vperm.xlane v0, v1;
	v2 =	vunpack.c.0.s8.s32 v2;
	v3 =	vunpack.c.0.s8.s32 v3  }
0x58: {  	v5 =	vimm.s32 $0x76543210;
	v4 =	vunpack.c.l.s4.s8 v4  }
0x59: {  	v0 =	vadd.f32 v1, v0;
	v1 =	vcombine.low v3, v2;
	v2 =	vunpack.c.l.s4.s8 v5  }
0x5a: {  	v3 =	vunpack.c.0.s8.s32 v4  }
0x5b: {  	v1 =	vperm.xlane v0, v1;
	v2 =	vunpack.c.0.s8.s32 v2  }
0x5c: {  	v3 =	vand.u32 $0xF, v3  }
0x5d: {  	s4 =	simm.s32 $0x0;
	v0 =	vadd.f32 v1, v0;
	v1 =	vcombine.low v3, v2  }
0x5e: {  	v2 =	vld [tilespmem:s4+$0x200]  }
0x5f: {  	v1 =	vperm.xlane v0, v1  }
0x60: {  	s5 =	simm.s32 $0x10  }
0x61: {  	v3 =	vld [tilespmem:s5+$0x200];
	v0 =	vadd.f32 v1, v0;
	_ =	sdelay $0x1  }
0x62: {  	v1 =	vadd.f32 v2, v0;
	_ =	sdelay $0x1  }
0x63: {  	v1 =	vsub.f32 $0.0e+00, v1  }
0x64: {  	v2 =	vadd.f32 v3, v0  }
0x65: {  	v1 =	vmul.f32 $1.442695020e+00, v1  }
0x66: {  	s6 =	simm.s32 $0x20;
	v2 =	vsub.f32 $0.0e+00, v2  }
0x67: {  	(erf) = vpow2.f32 v1;
	v1 =	vld [tilespmem:s6+$0x200]  }
0x68: {  	v2 =	vmul.f32 $1.442695020e+00, v2;
	_ =	sdelay $0x1  }
0x69: {  	(erf) = vpow2.f32 v2;
	_ =	sdelay $0x1  }
0x6a: {  	s7 =	simm.s32 $0x30;
	v1 =	vadd.f32 v1, v0  }
0x6b: {  	v2 =	vld [tilespmem:s7+$0x200]  }
0x6c: {  	v1 =	vsub.f32 $0.0e+00, v1;
	_ =	sdelay $0x1  }
0x6d: {  	v3 =	vpop (erf);
	v1 =	vmul.f32 $1.442695020e+00, v1  }
0x6e: {  	v3 =	vadd.f32 $1.000000000e+00, v3  }
0x6f: {  	s8 =	simm.s32 $0x40;
	v2 =	vadd.f32 v2, v0;
	(erf) = vpow2.f32 v1  }
0x70: {  	v4 =	vpop (erf);
	v1 =	vld [tilespmem:s8+$0x200];
	(erf) = vrcp.f32 v3  }
0x71: {  	v2 =	vsub.f32 $0.0e+00, v2;
	_ =	sdelay $0x1  }
0x72: {  	s9 =	simm.s32 $0x140;
	v3 =	vmul.f32 $1.442695020e+00, v2;
	v2 =	vadd.f32 $1.000000000e+00, v4  }
.LBB2_1:
0x73: {  	s10 =	smov.u32 s7  }
0x74: {  	v5 =	vadd.f32 v1, v0;
	(erf) = vpow2.f32 v3;
	s7 =	smov.u32 s8;
	s8 =	sshra.s32 s9, $0x2;
	p0 =	sne.s32 s9, $0xFC0  }
.Ltmp0:
0x75: {  	s9 =	sadd.s32 $0x40, s9;
	v1 =	vld [tilespmem:s8+$0x200];
	(erf) = vrcp.f32 v2;
	(pc) =	sbr.rel @p0 .LBB2_1-.Ltmp0, $4  }
0x76: {  	v2 =	vsub.f32 $0.0e+00, v5  }
0x77: {  	v4 =	vpop (erf)  }
0x78: {  	v3 =	vmul.f32 $1.442695020e+00, v2;
	v5 =	vpop (erf)  }
0x79: {  	v2 =	vadd.f32 $1.000000000e+00, v4;
	[tilespmem:s4+$0x600] =	vst v5;
	s4 =	smov.u32 s5;
	s5 =	smov.u32 s6;
	s6 =	smov.u32 s10  }
0x7a: {  	v0 =	vadd.f32 v1, v0;
	_ =	sdelay $0x1  }
0x7b: {  	v0 =	vsub.f32 $0.0e+00, v0;
	_ =	sdelay $0x1  }
0x7c: {  	(erf) = vpow2.f32 v3;
	v0 =	vmul.f32 $1.442695020e+00, v0  }
0x7d: {  	(erf) = vrcp.f32 v2  }
0x7e: {  	(erf) = vpow2.f32 v0;
	_ =	sdelay $0x4  }
0x7f: {  	v56 =	vpop (erf)  }
0x80: {  	v57 =	vpop (erf)  }
0x81: {  	v58 =	vpop (erf)  }
0x82: {  	v0 =	vadd.f32 $1.000000000e+00, v56;
	v59 =	vpop (erf)  }
0x83: {  	v2 =	vadd.f32 $1.000000000e+00, v58;
	v4 =	vpop (erf)  }
0x84: {  	(erf) = vrcp.f32 v0;
	v60 =	vadd.f32 $1.000000000e+00, v4  }
0x85: {  	(erf) = vrcp.f32 v2  }
0x86: {  	(erf) = vrcp.f32 v60;
	_ =	sdelay $0x5  }
0x87: {  	[tilespmem:s4+$0x600] =	vst v57  }
0x88: {  	[tilespmem:s5+$0x600] =	vst v59;
	v61 =	vpop (erf)  }
0x89: {  	[tilespmem:s6+$0x600] =	vst v61;
	v62 =	vpop (erf)  }
0x8a: {  	s2 =	sadd.s32 s2, s3;
	[tilespmem:s7+$0x600] =	vst v62;
	v63 =	vpop (erf)  }
0x8b: {  	s29 =	simm.s32 $0x0;
	s30 =	simm.s32 $0x600;
	s31 =	simm.s32 $0x1;
	[tilespmem:s8+$0x600] =	vst v63  }
0x8c: {  	[hbm4b:s2+s29] =	stream.linear.scatter [tilespmem:s30], [sflag:$0x1], $0x400, $0x38;
	[tilespmem:$0xA00] =	vst v63  }
0x8d: {  	_ =	swait.ge [sflag:s31], $0x400  }
0x8e: {  	[sflag:s31] =	ssyncset.done $0x0  }
0x8f: {  	[sflag:s31] =	ssyncadd.s32 $0xFFFFFC00  }
0x90: {  	_ =	sfence.sel $0x180000  }
0x91: {  	[bflag:$0x0] =	sbarrier.arrive $0xFFFF  }
0x92: {  	p0 =	sne.s32 s1, $0x0;
	_ =	strace $0x9000004A  }
0x93: {  	s0 =	sadd.s32 @!p0 $0x100000, s0;
	[bflag:$0x2] =	sbarrier.arrive $0xFFFF  }
0x94: {  	[sflag:s0] =	ssyncadd.tile.s32 @!p0 $0x1;
	_ =	shalt  }
.Lfunc_end2:
_tile_overlayer_lowered:
.L_overlay_start_2:
0x95: {  	(tag) =	ssettag $0x2  }
0x96: {  	s0 =	rddreg [dreg:$0x0];
	s2 =	stileid.u32  }
0x97: {  	s1 =	rddreg [dreg:$0x1];
	p0 =	sne.s32 s2, $0x0  }
0x98: {  	s3 =	rddreg [dreg:$0x2];
	[bflag:$0x3] =	sbarrier.arrive $0xFFFF;
	s2 =	simm.s32 @!p0 $0x1C01  }
0x99: {  	[timem:s3], [sflag:s2] =	dma.local @!p0 [hbm:s0], s1  }
0x9a: {  	s0 =	simm.s32 @!p0 $0x1  }
0x9b: {  	_ =	swait.ge @!p0 [sflag:s0], s1  }
0x9c: {  	s1 =	ssub.s32 @!p0 $0x0, s1;
	[sflag:s0] =	ssyncset.done @!p0 $0x0  }
0x9d: {  	[sflag:s0] =	ssyncadd.s32 @!p0 s1  }
0x9e: {  	[bflag:$0x3] =	sbarrier.arrive $0xFFFF  }
0x9f: {  	_ =	shalt  }

</sc_bundles>
